<compile_context>
chip_gen: v7x
topology: tpu7x:2x2x1
jax: 0.10.2.dev20260603
libtpu: 0.0.44.dev20260713+nightly
codegen_flags: <defaults>
</compile_context>

<pallas_src>
import functools

import jax
import jax.numpy as jnp
import numpy as np
from jax import lax
from jax.experimental import pallas as pl
from jax.experimental.pallas import tpu as pltpu
from jax.experimental.pallas import tpu_sc as plsc

_N = 10000
_E = 320000
_D_IN = 128
_D_HID = 128
_D_OUT = 64
_GRID_SIZE = 5
_SPLINE_ORDER = 3
_NB = _GRID_SIZE + _SPLINE_ORDER

_NPAD = 10240
_NC, _NS, _NW = 2, 16, 32
_CH = 80
_RB = 1024
_NBLK = _NPAD // _RB

_KNOTS = [float(v) for v in
          (np.arange(-_SPLINE_ORDER, _GRID_SIZE + _SPLINE_ORDER + 1)
           * (2.0 / _GRID_SIZE) - 1.0).astype(np.float32)]



@functools.cache
def _sc_spmm(F):
    nch = _E // _NW // _CH
    zrows = _NPAD // _NS
    mesh = plsc.VectorSubcoreMesh(core_axis_name="c", subcore_axis_name="s")

    def body(edge_hbm, table_hbm, zeros_hbm, out_hbm,
             src_v, dst_v, rows_v, acc_sh, tab_sh, gsem, isem):
        cid = lax.axis_index("c")
        sid = lax.axis_index("s")
        wid = sid * _NC + cid
        iload = pltpu.async_copy(edge_hbm.at[0, pl.ds(wid * nch, nch)],
                                 src_v, isem)
        iload2 = pltpu.async_copy(edge_hbm.at[1, pl.ds(wid * nch, nch)],
                                  dst_v, isem)
        pltpu.sync_copy(table_hbm.at[pl.ds(sid * zrows, zrows)],
                        tab_sh.at[pl.ds(sid * zrows, zrows)])
        pltpu.sync_copy(zeros_hbm.at[pl.ds(sid * zrows, zrows)],
                        acc_sh.at[pl.ds(sid * zrows, zrows)])
        iload.wait()
        iload2.wait()
        plsc.subcore_barrier()

        def gather(i, slot):
            pltpu.async_copy(tab_sh.at[src_v.at[i]], rows_v.at[slot], gsem)

        def wait_gather():
            pltpu.make_async_copy(tab_sh.at[src_v.at[0]],
                                  rows_v.at[0], gsem).wait()

        gather(0, 0)

        def step(i, carry):
            slot = lax.rem(i, 2)

            @pl.when(i + 1 < nch)
            def _():
                gather(i + 1, 1 - slot)

            wait_gather()
            pltpu.sync_copy(rows_v.at[slot], acc_sh.at[dst_v.at[i]], add=True)
            return carry

        lax.fori_loop(0, nch, step, 0)
        plsc.subcore_barrier()
        pltpu.sync_copy(acc_sh.at[pl.ds(sid * zrows, zrows)],
                        out_hbm.at[cid, pl.ds(sid * zrows, zrows)])

    return pl.kernel(
        body,
        out_type=jax.ShapeDtypeStruct((_NC, _NPAD, F), jnp.float32),
        mesh=mesh,
        scratch_types=[
            pltpu.VMEM((nch, _CH), jnp.int32),
            pltpu.VMEM((nch, _CH), jnp.int32),
            pltpu.VMEM((2, _CH, F), jnp.float32),
            pltpu.VMEM_SHARED((_NPAD, F), jnp.float32),
            pltpu.VMEM_SHARED((_NPAD, F), jnp.float32),
            pltpu.SemaphoreType.DMA,
            pltpu.SemaphoreType.DMA,
        ],
        compiler_params=pltpu.CompilerParams(use_tc_tiling_on_sc=False),
    )



def _full(shape):
    return pl.BlockSpec(shape, lambda i: (0,) * len(shape))


def _rows(bs, *rest):
    return pl.BlockSpec((bs,) + rest, lambda i: (i,) + (0,) * len(rest))


def _ab_body(x_ref, wt_ref, b_ref, bng_ref, bnb_ref, kbwt_ref, wspt_ref,
             feat_ref, h_scr, st_scr):
    p = pl.program_id(0)
    i = pl.program_id(1)

    @pl.when(p == 0)
    def _():
        h = jnp.dot(x_ref[...], wt_ref[...],
                    preferred_element_type=jnp.float32) + b_ref[...]
        h_scr[pl.ds(i * _RB, _RB), :] = h
        rows = i * _RB + lax.broadcasted_iota(jnp.int32, (_RB, 1), 0)
        hm = jnp.where(rows < _N, h, 0.0)
        s = jnp.concatenate([jnp.sum(hm, 0, keepdims=True),
                             jnp.sum(hm * hm, 0, keepdims=True)], 0)

        @pl.when(i == 0)
        def _():
            st_scr[...] = jnp.zeros_like(st_scr)

        st_scr[...] += s

    @pl.when(p == 1)
    def _():
        h = h_scr[pl.ds(i * _RB, _RB), :]
        mu = st_scr[0:1, :] * (1.0 / _N)
        var = st_scr[1:2, :] * (1.0 / _N) - mu * mu
        hb = bng_ref[...] * (h - mu) / jnp.sqrt(var + 1e-3) + bnb_ref[...]
        hb = jnp.where(hb > 0, hb, jnp.exp(jnp.minimum(hb, 0.0)) - 1.0)
        sil = hb / (1.0 + jnp.exp(-hb))
        h_knot = 2.0 / _GRID_SIZE
        u = (hb - _KNOTS[0]) * (1.0 / h_knot)
        c = jnp.floor(u)
        f = u - c
        f2 = f * f
        f3 = f2 * f
        g = 1.0 - f
        p0 = f3 * (1.0 / 6.0)
        p1 = (-3.0 * f3 + 3.0 * f2 + 3.0 * f + 1.0) * (1.0 / 6.0)
        p2 = (3.0 * f3 - 6.0 * f2 + 4.0) * (1.0 / 6.0)
        p3 = g * g * g * (1.0 / 6.0)
        ps = [p0, p1, p2, p3]
        zero = jnp.zeros_like(hb)
        bs = []
        for t in range(_NB):
            b = zero
            for j in range(4):
                b = jnp.where(c == float(t + j), ps[j], b)
            bs.append(b)
        acc = jnp.dot(sil, kbwt_ref[...], preferred_element_type=jnp.float32)
        for t in range(_NB):
            acc += jnp.dot(bs[t], wspt_ref[t],
                           preferred_element_type=jnp.float32)
        feat_ref[...] = acc


def _stage_ab(xp, fb_wt, fb_b, bn_g, bn_b, kbw_t, wsp_t):
    return pl.pallas_call(
        _ab_body,
        grid=(2, _NBLK),
        in_specs=[pl.BlockSpec((_RB, _D_IN), lambda p, i: (i, 0)),
                  pl.BlockSpec((_D_IN, _D_HID), lambda p, i: (0, 0)),
                  pl.BlockSpec((1, _D_HID), lambda p, i: (0, 0)),
                  pl.BlockSpec((1, _D_HID), lambda p, i: (0, 0)),
                  pl.BlockSpec((1, _D_HID), lambda p, i: (0, 0)),
                  pl.BlockSpec((_D_HID, _D_OUT), lambda p, i: (0, 0)),
                  pl.BlockSpec((_NB, _D_HID, _D_OUT), lambda p, i: (0, 0, 0))],
        out_specs=pl.BlockSpec((_RB, _D_OUT), lambda p, i: (p * i, 0)),
        out_shape=jax.ShapeDtypeStruct((_NPAD, _D_OUT), jnp.float32),
        scratch_shapes=[pltpu.VMEM((_NPAD, _D_HID), jnp.float32),
                        pltpu.VMEM((2, _D_HID), jnp.float32)],
    )(xp, fb_wt, fb_b, bn_g, bn_b, kbw_t, wsp_t)


def _c_body(p_ref, w1_ref, b1_ref, w2_ref, out_ref):
    g = p_ref[0] + p_ref[1]
    z1 = jnp.maximum(
        jnp.dot(g, w1_ref[...], preferred_element_type=jnp.float32)
        + b1_ref[...], 0.0)
    out_ref[...] = jnp.dot(z1, w2_ref[...], preferred_element_type=jnp.float32)


def _stage_c(p, w1, b1, w2, fin, fmid, fout):
    return pl.pallas_call(
        _c_body,
        grid=(_NBLK,),
        in_specs=[pl.BlockSpec((_NC, _RB, fin), lambda i: (0, i, 0)),
                  _full((fin, fmid)), _full((1, fmid)), _full((fmid, fout))],
        out_specs=_rows(_RB, fout),
        out_shape=jax.ShapeDtypeStruct((_NPAD, fout), jnp.float32),
    )(p, w1, b1, w2)


def _e_body(p_ref, w1_ref, b1_ref, w2_ref, outa_ref, outb_ref):
    g = p_ref[0] + p_ref[1]
    d1 = jnp.maximum(
        jnp.dot(g, w1_ref[...], preferred_element_type=jnp.float32)
        + b1_ref[...], 0.0)
    m4 = jnp.dot(d1, w2_ref[...], preferred_element_type=jnp.float32)
    outa_ref[...] = m4[:, :_D_OUT]
    outb_ref[...] = m4[:, _D_OUT:]


def _stage_e(p, w1, b1, w2):
    return pl.pallas_call(
        _e_body,
        grid=(_NBLK,),
        in_specs=[pl.BlockSpec((_NC, _RB, _D_OUT), lambda i: (0, i, 0)),
                  _full((_D_OUT, _D_HID)), _full((1, _D_HID)),
                  _full((_D_HID, _D_IN))],
        out_specs=[_rows(_RB, _D_OUT), _rows(_RB, _D_OUT)],
        out_shape=[jax.ShapeDtypeStruct((_NPAD, _D_OUT), jnp.float32),
                   jax.ShapeDtypeStruct((_NPAD, _D_OUT), jnp.float32)],
    )(p, w1, b1, w2)


def _f_body(pa_ref, pb_ref, b_ref, out_ref):
    ra = pa_ref[0] + pa_ref[1] + b_ref[:, :_D_OUT]
    rb = pb_ref[0] + pb_ref[1] + b_ref[:, _D_OUT:]
    out_ref[...] = jnp.concatenate([ra, rb], axis=1)


def _stage_f(pa, pb, b):
    return pl.pallas_call(
        _f_body,
        grid=(_NBLK,),
        in_specs=[pl.BlockSpec((_NC, _RB, _D_OUT), lambda i: (0, i, 0)),
                  pl.BlockSpec((_NC, _RB, _D_OUT), lambda i: (0, i, 0)),
                  _full((1, _D_IN))],
        out_specs=_rows(_RB, _D_IN),
        out_shape=jax.ShapeDtypeStruct((_N, _D_IN), jnp.float32),
    )(pa, pb, b)


def _d_body(p_ref, b_ref, out_ref):
    out_ref[...] = p_ref[0] + p_ref[1] + b_ref[...]


def _stage_d(p, b, f):
    return pl.pallas_call(
        _d_body,
        grid=(_NBLK,),
        in_specs=[pl.BlockSpec((_NC, _RB, f), lambda i: (0, i, 0)),
                  _full((1, f))],
        out_specs=_rows(_RB, f),
        out_shape=jax.ShapeDtypeStruct((_NPAD, f), jnp.float32),
    )(p, b)



def kernel(x, edge_index, fb_w, fb_b, bn_g, bn_b, kan_base_w, kan_spline_w,
           gl1_w, gl1_b, gl2_w, gl2_b, dec1_w, dec1_b, dec2_w, dec2_b):
    f32 = jnp.float32
    xp = jnp.zeros((_NPAD, _D_IN), f32).at[:_N].set(x)
    edges = edge_index.reshape(2, _E // _CH, _CH)
    z64 = jnp.zeros((_NPAD, _D_OUT), f32)
    fb_wt = fb_w.T
    kbw_t = kan_base_w.T
    wsp_t = jnp.transpose(kan_spline_w, (2, 1, 0))

    feat = _stage_ab(xp, fb_wt, fb_b.reshape(1, -1), bn_g.reshape(1, -1),
                     bn_b.reshape(1, -1), kbw_t, wsp_t)

    p1 = _sc_spmm(_D_OUT)(edges, feat, z64)
    m2 = _stage_c(p1, gl1_w, gl1_b.reshape(1, -1), gl2_w,
                  _D_OUT, _D_HID, _D_OUT)
    p2 = _sc_spmm(_D_OUT)(edges, m2, z64)
    latent = _stage_d(p2, gl2_b.reshape(1, -1), _D_OUT)
    p3 = _sc_spmm(_D_OUT)(edges, latent, z64)
    m4a, m4b = _stage_e(p3, dec1_w, dec1_b.reshape(1, -1), dec2_w)
    p4a = _sc_spmm(_D_OUT)(edges, m4a, z64)
    p4b = _sc_spmm(_D_OUT)(edges, m4b, z64)
    return _stage_f(p4a, p4b, dec2_b.reshape(1, -1))

# --- scband reference (transcript-rebuilt; emitter-appended) ---
"""Pipeline reference for scband-stagcl-module-20083267076669 (READ-ONLY COPY).

The authoritative reference and input builder live on the scoring server;
editing this copy changes nothing except your own understanding.
"""

import jax, jax.numpy as jnp
import numpy as np

N = 10000
E = 320000
D_IN = 128
D_HID = 128
D_OUT = 64
GRID_SIZE = 5
SPLINE_ORDER = 3
NB = GRID_SIZE + SPLINE_ORDER


def _make_grid(in_features):
    h = 2.0 / GRID_SIZE
    g = (np.arange(-SPLINE_ORDER, GRID_SIZE + SPLINE_ORDER + 1) * h - 1.0).astype(np.float32)
    return jnp.asarray(np.tile(g[None, :], (in_features, 1)))

GRID = _make_grid(D_HID)


def _b_splines(x, grid):
    xe = x[:, :, None]
    bases = ((xe >= grid[None, :, :-1]) & (xe < grid[None, :, 1:])).astype(x.dtype)
    for k in range(1, SPLINE_ORDER + 1):
        left = (xe - grid[None, :, : -(k + 1)]) / (grid[None, :, k:-1] - grid[None, :, : -(k + 1)])
        right = (grid[None, :, k + 1:] - xe) / (grid[None, :, k + 1:] - grid[None, :, 1:-k])
        bases = left * bases[:, :, :-1] + right * bases[:, :, 1:]
    return bases


def _glorot(key, shape):
    s = float(np.sqrt(6.0 / (shape[-2] + shape[-1])))
    return jax.random.uniform(key, shape, jnp.float32, -s, s)


def _batchnorm(x, g, b, eps=0.001):
    mu = jnp.mean(x, axis=0)
    var = jnp.var(x, axis=0)
    return g * (x - mu) / jnp.sqrt(var + eps) + b


def _spmm(edge_index, h, n):
    # adj @ h with unit edge weights: scatter-add messages from src to dst
    return jnp.zeros((n, h.shape[1]), h.dtype).at[edge_index[1]].add(h[edge_index[0]])


def setup_inputs(seed: int = 0):
    key = jax.random.key(seed)
    ks = [jax.random.fold_in(key, i) for i in range(16)]
    x = jax.random.normal(ks[0], (N, D_IN), jnp.float32)
    edge_index = jax.random.randint(ks[1], (2, E), 0, N, jnp.int32)
    return {
        "x": x,
        "edge_index": edge_index,
        "fb_w": _glorot(ks[2], (D_HID, D_IN)),
        "fb_b": jnp.zeros((D_HID,), jnp.float32),
        "bn_g": jnp.ones((D_HID,), jnp.float32),
        "bn_b": jnp.zeros((D_HID,), jnp.float32),
        "kan_base_w": _glorot(ks[3], (D_OUT, D_HID)),
        "kan_spline_w": jax.random.normal(ks[4], (D_OUT, D_HID, NB), jnp.float32) * 0.1,
        "gl1_w": _glorot(ks[5], (D_OUT, D_HID)),
        "gl1_b": jnp.zeros((D_HID,), jnp.float32),
        "gl2_w": _glorot(ks[6], (D_HID, D_OUT)),
        "gl2_b": jnp.zeros((D_OUT,), jnp.float32),
        "dec1_w": _glorot(ks[7], (D_OUT, D_HID)),
        "dec1_b": jnp.zeros((D_HID,), jnp.float32),
        "dec2_w": _glorot(ks[8], (D_HID, D_IN)),
        "dec2_b": jnp.zeros((D_IN,), jnp.float32),
    }


def reference(x, edge_index, fb_w, fb_b, bn_g, bn_b, kan_base_w, kan_spline_w, gl1_w, gl1_b, gl2_w, gl2_b, dec1_w, dec1_b, dec2_w, dec2_b):
    n = x.shape[0]
    # Encodeer_Model: full_block (Linear + BatchNorm1d + ELU + Dropout[eval=identity]) then KANLinear
    h = x @ fb_w.T + fb_b
    h = _batchnorm(h, bn_g, bn_b)
    h = jax.nn.elu(h)
    base = jax.nn.silu(h) @ kan_base_w.T
    spl = _b_splines(h, GRID).reshape(h.shape[0], -1) @ kan_spline_w.reshape(D_OUT, -1).T
    feat = base + spl
    # encode_latent: GCN (GraphConvolution = adj @ (x W) + b)
    z1 = jax.nn.relu(_spmm(edge_index, feat @ gl1_w, n) + gl1_b)
    latent = _spmm(edge_index, z1 @ gl2_w, n) + gl2_b
    # decoder: GCN back to input_dim
    d1 = jax.nn.relu(_spmm(edge_index, latent @ dec1_w, n) + dec1_b)
    recon = _spmm(edge_index, d1 @ dec2_w, n) + dec2_b
    return recon

if __name__ == "__main__":
    import jax
    _d = setup_inputs()
    print(jax.jit(kernel)(*tuple(_d.values())))

</pallas_src>

<mosaic_0001>
#map = affine_map<(d0, d1) -> (0, 0, 0)>
#map1 = affine_map<(d0, d1) -> (0, 0)>
module attributes {stable_mosaic.version = 14 : i64} {
  func.func @body(%arg0: i32, %arg1: i32, %arg2: memref<2x4000x80xi32, #tpu.memory_space<hbm>>, %arg3: memref<10240x64xf32, #tpu.memory_space<hbm>>, %arg4: memref<10240x64xf32, #tpu.memory_space<hbm>>, %arg5: memref<2x10240x64xf32, #tpu.memory_space<hbm>>, %arg6: memref<125x80xi32, #tpu.memory_space<vmem>>, %arg7: memref<125x80xi32, #tpu.memory_space<vmem>>, %arg8: memref<2x80x64xf32, #tpu.memory_space<vmem>>, %arg9: memref<10240x64xf32, #tpu.memory_space<vmem_shared>>, %arg10: memref<10240x64xf32, #tpu.memory_space<vmem_shared>>, %arg11: memref<!tpu.dma_semaphore, #tpu.memory_space<semaphore_mem>>, %arg12: memref<!tpu.dma_semaphore, #tpu.memory_space<semaphore_mem>>) attributes {dimension_semantics = [#tpu.dimension_semantics<core_parallel>, #tpu.dimension_semantics<subcore_parallel>], iteration_bounds = array<i64: 2, 16>, scalar_prefetch = 0 : i64, scratch_operands = 7 : i64, tpu.core_type = #tpu.core_type<sc_vector_subcore>, window_params = [{transform_indices = #map}, {transform_indices = #map1}, {transform_indices = #map1}, {transform_indices = #map}]} {
    %mul3A = arith.constant 2 : i32
    %mul3A_0 = arith.muli %arg1, %mul3A : i32
    %add3A = arith.addi %mul3A_0, %arg0 : i32
    %mul3A_1 = arith.constant 125 : i32
    %mul3A_2 = arith.muli %add3A, %mul3A_1 : i32
    %dma_start3A = arith.constant 0 : i32
    %dma_start3A_3 = arith.constant 0 : i32
    %dma_start3A_4 = tpu.memref_slice %arg2[%dma_start3A, %mul3A_2, %dma_start3A_3] : memref<2x4000x80xi32, #tpu.memory_space<hbm>> -> memref<1x125x80xi32, #tpu.memory_space<hbm>>
    %dma_start3A_5 = tpu.memref_squeeze %dma_start3A_4 : memref<1x125x80xi32, #tpu.memory_space<hbm>> -> memref<125x80xi32, #tpu.memory_space<hbm>>
    %dma_start3A_6 = arith.constant 0 : i32
    %dma_start3A_7 = tpu.memref_slice %arg2[%dma_start3A, %mul3A_2, %dma_start3A_6] : memref<2x4000x80xi32, #tpu.memory_space<hbm>> -> memref<1x125x80xi32, #tpu.memory_space<hbm>>
    %dma_start3A_8 = tpu.memref_squeeze %dma_start3A_7 : memref<1x125x80xi32, #tpu.memory_space<hbm>> -> memref<125x80xi32, #tpu.memory_space<hbm>>
    tpu.enqueue_dma source(%dma_start3A_8 : memref<125x80xi32, #tpu.memory_space<hbm>>) target(%arg6 : memref<125x80xi32, #tpu.memory_space<vmem>>) target_semaphore(%arg12 : memref<!tpu.dma_semaphore, #tpu.memory_space<semaphore_mem>>)
    %mul3A_9 = arith.constant 125 : i32
    %mul3A_10 = arith.muli %add3A, %mul3A_9 : i32
    %dma_start3A_11 = arith.constant 1 : i32
    %dma_start3A_12 = arith.constant 0 : i32
    %dma_start3A_13 = tpu.memref_slice %arg2[%dma_start3A_11, %mul3A_10, %dma_start3A_12] : memref<2x4000x80xi32, #tpu.memory_space<hbm>> -> memref<1x125x80xi32, #tpu.memory_space<hbm>>
    %dma_start3A_14 = tpu.memref_squeeze %dma_start3A_13 : memref<1x125x80xi32, #tpu.memory_space<hbm>> -> memref<125x80xi32, #tpu.memory_space<hbm>>
    %dma_start3A_15 = arith.constant 0 : i32
    %dma_start3A_16 = tpu.memref_slice %arg2[%dma_start3A_11, %mul3A_10, %dma_start3A_15] : memref<2x4000x80xi32, #tpu.memory_space<hbm>> -> memref<1x125x80xi32, #tpu.memory_space<hbm>>
    %dma_start3A_17 = tpu.memref_squeeze %dma_start3A_16 : memref<1x125x80xi32, #tpu.memory_space<hbm>> -> memref<125x80xi32, #tpu.memory_space<hbm>>
    tpu.enqueue_dma source(%dma_start3A_17 : memref<125x80xi32, #tpu.memory_space<hbm>>) target(%arg7 : memref<125x80xi32, #tpu.memory_space<vmem>>) target_semaphore(%arg12 : memref<!tpu.dma_semaphore, #tpu.memory_space<semaphore_mem>>)
    %mul3A_18 = arith.constant 640 : i32
    %mul3A_19 = arith.muli %arg1, %mul3A_18 : i32
    %mul3A_20 = arith.constant 640 : i32
    %mul3A_21 = arith.muli %arg1, %mul3A_20 : i32
    "tpu.region"() ({
      %run_scoped3A = tpu.sem_alloc : memref<!tpu.dma_semaphore, #tpu.memory_space<semaphore_mem>>
      %dma_start3A_61 = arith.constant 0 : i32
      %dma_start3A_62 = tpu.memref_slice %arg10[%mul3A_21, %dma_start3A_61] : memref<10240x64xf32, #tpu.memory_space<vmem_shared>> -> memref<640x64xf32, #tpu.memory_space<vmem_shared>>
      %dma_start3A_63 = arith.constant 0 : i32
      %dma_start3A_64 = tpu.memref_slice %arg3[%mul3A_19, %dma_start3A_63] : memref<10240x64xf32, #tpu.memory_space<hbm>> -> memref<640x64xf32, #tpu.memory_space<hbm>>
      tpu.enqueue_dma source(%dma_start3A_64 : memref<640x64xf32, #tpu.memory_space<hbm>>) target(%dma_start3A_62 : memref<640x64xf32, #tpu.memory_space<vmem_shared>>) target_semaphore(%run_scoped3A : memref<!tpu.dma_semaphore, #tpu.memory_space<semaphore_mem>>)
      %dma_wait3A_65 = arith.constant 0 : i32
      %dma_wait3A_66 = tpu.memref_slice %arg10[%mul3A_21, %dma_wait3A_65] : memref<10240x64xf32, #tpu.memory_space<vmem_shared>> -> memref<640x64xf32, #tpu.memory_space<vmem_shared>>
      %dma_wait3A_67 = arith.constant 0 : i32
      %dma_wait3A_68 = tpu.memref_slice %arg3[%mul3A_19, %dma_wait3A_67] : memref<10240x64xf32, #tpu.memory_space<hbm>> -> memref<640x64xf32, #tpu.memory_space<hbm>>
      tpu.wait_dma2 semaphore(%run_scoped3A : memref<!tpu.dma_semaphore, #tpu.memory_space<semaphore_mem>>) src(%dma_wait3A_68 : memref<640x64xf32, #tpu.memory_space<hbm>>) dst(%dma_wait3A_66 : memref<640x64xf32, #tpu.memory_space<vmem_shared>>)
      tpu.yield
    }) : () -> ()
    %mul3A_22 = arith.constant 640 : i32
    %mul3A_23 = arith.muli %arg1, %mul3A_22 : i32
    %mul3A_24 = arith.constant 640 : i32
    %mul3A_25 = arith.muli %arg1, %mul3A_24 : i32
    "tpu.region"() ({
      %run_scoped3A = tpu.sem_alloc : memref<!tpu.dma_semaphore, #tpu.memory_space<semaphore_mem>>
      %dma_start3A_61 = arith.constant 0 : i32
      %dma_start3A_62 = tpu.memref_slice %arg9[%mul3A_25, %dma_start3A_61] : memref<10240x64xf32, #tpu.memory_space<vmem_shared>> -> memref<640x64xf32, #tpu.memory_space<vmem_shared>>
      %dma_start3A_63 = arith.constant 0 : i32
      %dma_start3A_64 = tpu.memref_slice %arg4[%mul3A_23, %dma_start3A_63] : memref<10240x64xf32, #tpu.memory_space<hbm>> -> memref<640x64xf32, #tpu.memory_space<hbm>>
      tpu.enqueue_dma source(%dma_start3A_64 : memref<640x64xf32, #tpu.memory_space<hbm>>) target(%dma_start3A_62 : memref<640x64xf32, #tpu.memory_space<vmem_shared>>) target_semaphore(%run_scoped3A : memref<!tpu.dma_semaphore, #tpu.memory_space<semaphore_mem>>)
      %dma_wait3A_65 = arith.constant 0 : i32
      %dma_wait3A_66 = tpu.memref_slice %arg9[%mul3A_25, %dma_wait3A_65] : memref<10240x64xf32, #tpu.memory_space<vmem_shared>> -> memref<640x64xf32, #tpu.memory_space<vmem_shared>>
      %dma_wait3A_67 = arith.constant 0 : i32
      %dma_wait3A_68 = tpu.memref_slice %arg4[%mul3A_23, %dma_wait3A_67] : memref<10240x64xf32, #tpu.memory_space<hbm>> -> memref<640x64xf32, #tpu.memory_space<hbm>>
      tpu.wait_dma2 semaphore(%run_scoped3A : memref<!tpu.dma_semaphore, #tpu.memory_space<semaphore_mem>>) src(%dma_wait3A_68 : memref<640x64xf32, #tpu.memory_space<hbm>>) dst(%dma_wait3A_66 : memref<640x64xf32, #tpu.memory_space<vmem_shared>>)
      tpu.yield
    }) : () -> ()
    %dma_wait3A = arith.constant 0 : i32
    %dma_wait3A_26 = arith.constant 0 : i32
    %dma_wait3A_27 = tpu.memref_slice %arg2[%dma_wait3A, %mul3A_2, %dma_wait3A_26] : memref<2x4000x80xi32, #tpu.memory_space<hbm>> -> memref<1x125x80xi32, #tpu.memory_space<hbm>>
    %dma_wait3A_28 = tpu.memref_squeeze %dma_wait3A_27 : memref<1x125x80xi32, #tpu.memory_space<hbm>> -> memref<125x80xi32, #tpu.memory_space<hbm>>
    %dma_wait3A_29 = arith.constant 0 : i32
    %dma_wait3A_30 = tpu.memref_slice %arg2[%dma_wait3A, %mul3A_2, %dma_wait3A_29] : memref<2x4000x80xi32, #tpu.memory_space<hbm>> -> memref<1x125x80xi32, #tpu.memory_space<hbm>>
    %dma_wait3A_31 = tpu.memref_squeeze %dma_wait3A_30 : memref<1x125x80xi32, #tpu.memory_space<hbm>> -> memref<125x80xi32, #tpu.memory_space<hbm>>
    tpu.wait_dma2 semaphore(%arg12 : memref<!tpu.dma_semaphore, #tpu.memory_space<semaphore_mem>>) src(%dma_wait3A_31 : memref<125x80xi32, #tpu.memory_space<hbm>>) dst(%arg6 : memref<125x80xi32, #tpu.memory_space<vmem>>)
    %dma_wait3A_32 = arith.constant 1 : i32
    %dma_wait3A_33 = arith.constant 0 : i32
    %dma_wait3A_34 = tpu.memref_slice %arg2[%dma_wait3A_32, %mul3A_10, %dma_wait3A_33] : memref<2x4000x80xi32, #tpu.memory_space<hbm>> -> memref<1x125x80xi32, #tpu.memory_space<hbm>>
    %dma_wait3A_35 = tpu.memref_squeeze %dma_wait3A_34 : memref<1x125x80xi32, #tpu.memory_space<hbm>> -> memref<125x80xi32, #tpu.memory_space<hbm>>
    %dma_wait3A_36 = arith.constant 0 : i32
    %dma_wait3A_37 = tpu.memref_slice %arg2[%dma_wait3A_32, %mul3A_10, %dma_wait3A_36] : memref<2x4000x80xi32, #tpu.memory_space<hbm>> -> memref<1x125x80xi32, #tpu.memory_space<hbm>>
    %dma_wait3A_38 = tpu.memref_squeeze %dma_wait3A_37 : memref<1x125x80xi32, #tpu.memory_space<hbm>> -> memref<125x80xi32, #tpu.memory_space<hbm>>
    tpu.wait_dma2 semaphore(%arg12 : memref<!tpu.dma_semaphore, #tpu.memory_space<semaphore_mem>>) src(%dma_wait3A_38 : memref<125x80xi32, #tpu.memory_space<hbm>>) dst(%arg7 : memref<125x80xi32, #tpu.memory_space<vmem>>)
    %barrier3A = arith.constant 0 : index
    tpu.barrier barrier_id(%barrier3A)
    %dma_start3A_39 = arith.constant 0 : i32
    %dma_start3A_40 = arith.constant 0 : i32
    %dma_start3A_41 = arith.constant 0 : i32
    %dma_start3A_42 = arith.constant 0 : i32
    %dma_start3A_43 = tpu.memref_slice %arg8[%dma_start3A_40, %dma_start3A_41, %dma_start3A_42] : memref<2x80x64xf32, #tpu.memory_space<vmem>> -> memref<1x80x64xf32, #tpu.memory_space<vmem>>
    %dma_start3A_44 = tpu.memref_squeeze %dma_start3A_43 : memref<1x80x64xf32, #tpu.memory_space<vmem>> -> memref<80x64xf32, #tpu.memory_space<vmem>>
    %dma_start3A_45 = arith.constant 0 : i32
    %dma_start3A_46 = tpu.memref_slice %arg6[%dma_start3A_39, %dma_start3A_45] : memref<125x80xi32, #tpu.memory_space<vmem>> -> memref<1x80xi32, #tpu.memory_space<vmem>>
    %dma_start3A_47 = tpu.memref_squeeze %dma_start3A_46 : memref<1x80xi32, #tpu.memory_space<vmem>> -> memref<80xi32, #tpu.memory_space<vmem>>
    %dma_start3A_48 = arith.constant 0 : i32
    %dma_start3A_49 = arith.constant 0 : i32
    %dma_start3A_50 = tpu.memref_slice %arg10[%dma_start3A_48, %dma_start3A_49] : memref<10240x64xf32, #tpu.memory_space<vmem_shared>> -> memref<10240x64xf32, #tpu.memory_space<vmem_shared>>
    tpu.enqueue_indirect_dma source(%dma_start3A_50 : memref<10240x64xf32, #tpu.memory_space<vmem_shared>>) target(%dma_start3A_44 : memref<80x64xf32, #tpu.memory_space<vmem>>) offsets(%dma_start3A_47 : memref<80xi32, #tpu.memory_space<vmem>>) semaphore(%arg11 : memref<!tpu.dma_semaphore, #tpu.memory_space<semaphore_mem>>)
    %scan3A = arith.constant 0 : i32
    %scan3A_51 = arith.constant 0 : i32
    %scan3A_52 = arith.constant 125 : i32
    %scan3A_53 = arith.addi %scan3A_51, %scan3A_52 : i32
    %scan3A_54 = arith.constant 1 : i32
    scf.for %scan3A_61 = %scan3A_51 to %scan3A_53 step %scan3A_54  : i32 {
      %rem3A = arith.constant 2 : i32
      %rem3A_62 = arith.remsi %scan3A_61, %rem3A : i32
      %add3A_63 = arith.constant 1 : i32
      %add3A_64 = arith.addi %scan3A_61, %add3A_63 : i32
      %lt3A = arith.constant 125 : i32
      %lt3A_65 = arith.cmpi slt, %add3A_64, %lt3A : i32
      %convert_element_type3A = arith.extui %lt3A_65 : i1 to i32
      %cond3A = arith.constant 0 : i32
      %cond3A_66 = arith.cmpi ne, %convert_element_type3A, %cond3A : i32
      scf.if %cond3A_66 {
        %add3A_79 = arith.constant 1 : i32
        %add3A_80 = arith.addi %scan3A_61, %add3A_79 : i32
        %sub3A = arith.constant 1 : i32
        %sub3A_81 = arith.subi %sub3A, %rem3A_62 : i32
        %dma_start3A_82 = arith.constant 0 : i32
        %dma_start3A_83 = arith.constant 0 : i32
        %dma_start3A_84 = tpu.memref_slice %arg8[%sub3A_81, %dma_start3A_82, %dma_start3A_83] : memref<2x80x64xf32, #tpu.memory_space<vmem>> -> memref<1x80x64xf32, #tpu.memory_space<vmem>>
        %dma_start3A_85 = tpu.memref_squeeze %dma_start3A_84 : memref<1x80x64xf32, #tpu.memory_space<vmem>> -> memref<80x64xf32, #tpu.memory_space<vmem>>
        %dma_start3A_86 = arith.constant 0 : i32
        %dma_start3A_87 = tpu.memref_slice %arg6[%add3A_80, %dma_start3A_86] : memref<125x80xi32, #tpu.memory_space<vmem>> -> memref<1x80xi32, #tpu.memory_space<vmem>>
        %dma_start3A_88 = tpu.memref_squeeze %dma_start3A_87 : memref<1x80xi32, #tpu.memory_space<vmem>> -> memref<80xi32, #tpu.memory_space<vmem>>
        %dma_start3A_89 = arith.constant 0 : i32
        %dma_start3A_90 = arith.constant 0 : i32
        %dma_start3A_91 = tpu.memref_slice %arg10[%dma_start3A_89, %dma_start3A_90] : memref<10240x64xf32, #tpu.memory_space<vmem_shared>> -> memref<10240x64xf32, #tpu.memory_space<vmem_shared>>
        tpu.enqueue_indirect_dma source(%dma_start3A_91 : memref<10240x64xf32, #tpu.memory_space<vmem_shared>>) target(%dma_start3A_85 : memref<80x64xf32, #tpu.memory_space<vmem>>) offsets(%dma_start3A_88 : memref<80xi32, #tpu.memory_space<vmem>>) semaphore(%arg11 : memref<!tpu.dma_semaphore, #tpu.memory_space<semaphore_mem>>)
      } else {
      }
      %dma_wait3A_67 = arith.constant 0 : i32
      %dma_wait3A_68 = arith.constant 0 : i32
      %dma_wait3A_69 = arith.constant 0 : i32
      %dma_wait3A_70 = arith.constant 0 : i32
      %dma_wait3A_71 = tpu.memref_slice %arg8[%dma_wait3A_68, %dma_wait3A_69, %dma_wait3A_70] : memref<2x80x64xf32, #tpu.memory_space<vmem>> -> memref<1x80x64xf32, #tpu.memory_space<vmem>>
      %dma_wait3A_72 = tpu.memref_squeeze %dma_wait3A_71 : memref<1x80x64xf32, #tpu.memory_space<vmem>> -> memref<80x64xf32, #tpu.memory_space<vmem>>
      %dma_wait3A_73 = arith.constant 0 : i32
      %dma_wait3A_74 = tpu.memref_slice %arg6[%dma_wait3A_67, %dma_wait3A_73] : memref<125x80xi32, #tpu.memory_space<vmem>> -> memref<1x80xi32, #tpu.memory_space<vmem>>
      %dma_wait3A_75 = tpu.memref_squeeze %dma_wait3A_74 : memref<1x80xi32, #tpu.memory_space<vmem>> -> memref<80xi32, #tpu.memory_space<vmem>>
      %dma_wait3A_76 = arith.constant 0 : i32
      %dma_wait3A_77 = arith.constant 0 : i32
      %dma_wait3A_78 = tpu.memref_slice %arg10[%dma_wait3A_76, %dma_wait3A_77] : memref<10240x64xf32, #tpu.memory_space<vmem_shared>> -> memref<10240x64xf32, #tpu.memory_space<vmem_shared>>
      tpu.wait_indirect_dma semaphore(%arg11 : memref<!tpu.dma_semaphore, #tpu.memory_space<semaphore_mem>>) src(%dma_wait3A_78 : memref<10240x64xf32, #tpu.memory_space<vmem_shared>>) dst(%dma_wait3A_72 : memref<80x64xf32, #tpu.memory_space<vmem>>)
      "tpu.region"() ({
        %run_scoped3A = tpu.sem_alloc : memref<!tpu.dma_semaphore, #tpu.memory_space<semaphore_mem>>
        %dma_start3A_79 = arith.constant 0 : i32
        %dma_start3A_80 = arith.constant 0 : i32
        %dma_start3A_81 = tpu.memref_slice %arg8[%rem3A_62, %dma_start3A_79, %dma_start3A_80] : memref<2x80x64xf32, #tpu.memory_space<vmem>> -> memref<1x80x64xf32, #tpu.memory_space<vmem>>
        %dma_start3A_82 = tpu.memref_squeeze %dma_start3A_81 : memref<1x80x64xf32, #tpu.memory_space<vmem>> -> memref<80x64xf32, #tpu.memory_space<vmem>>
        %dma_start3A_83 = arith.constant 0 : i32
        %dma_start3A_84 = tpu.memref_slice %arg7[%scan3A_61, %dma_start3A_83] : memref<125x80xi32, #tpu.memory_space<vmem>> -> memref<1x80xi32, #tpu.memory_space<vmem>>
        %dma_start3A_85 = tpu.memref_squeeze %dma_start3A_84 : memref<1x80xi32, #tpu.memory_space<vmem>> -> memref<80xi32, #tpu.memory_space<vmem>>
        %dma_start3A_86 = arith.constant 0 : i32
        %dma_start3A_87 = arith.constant 0 : i32
        %dma_start3A_88 = tpu.memref_slice %arg9[%dma_start3A_86, %dma_start3A_87] : memref<10240x64xf32, #tpu.memory_space<vmem_shared>> -> memref<10240x64xf32, #tpu.memory_space<vmem_shared>>
        tpu.enqueue_indirect_dma source(%dma_start3A_82 : memref<80x64xf32, #tpu.memory_space<vmem>>) target(%dma_start3A_88 : memref<10240x64xf32, #tpu.memory_space<vmem_shared>>) offsets(%dma_start3A_85 : memref<80xi32, #tpu.memory_space<vmem>>) semaphore(%run_scoped3A : memref<!tpu.dma_semaphore, #tpu.memory_space<semaphore_mem>>) {add = true}
        %dma_wait3A_89 = arith.constant 0 : i32
        %dma_wait3A_90 = arith.constant 0 : i32
        %dma_wait3A_91 = tpu.memref_slice %arg8[%rem3A_62, %dma_wait3A_89, %dma_wait3A_90] : memref<2x80x64xf32, #tpu.memory_space<vmem>> -> memref<1x80x64xf32, #tpu.memory_space<vmem>>
        %dma_wait3A_92 = tpu.memref_squeeze %dma_wait3A_91 : memref<1x80x64xf32, #tpu.memory_space<vmem>> -> memref<80x64xf32, #tpu.memory_space<vmem>>
        %dma_wait3A_93 = arith.constant 0 : i32
        %dma_wait3A_94 = tpu.memref_slice %arg7[%scan3A_61, %dma_wait3A_93] : memref<125x80xi32, #tpu.memory_space<vmem>> -> memref<1x80xi32, #tpu.memory_space<vmem>>
        %dma_wait3A_95 = tpu.memref_squeeze %dma_wait3A_94 : memref<1x80xi32, #tpu.memory_space<vmem>> -> memref<80xi32, #tpu.memory_space<vmem>>
        %dma_wait3A_96 = arith.constant 0 : i32
        %dma_wait3A_97 = arith.constant 0 : i32
        %dma_wait3A_98 = tpu.memref_slice %arg9[%dma_wait3A_96, %dma_wait3A_97] : memref<10240x64xf32, #tpu.memory_space<vmem_shared>> -> memref<10240x64xf32, #tpu.memory_space<vmem_shared>>
        tpu.wait_indirect_dma semaphore(%run_scoped3A : memref<!tpu.dma_semaphore, #tpu.memory_space<semaphore_mem>>) src(%dma_wait3A_92 : memref<80x64xf32, #tpu.memory_space<vmem>>) dst(%dma_wait3A_98 : memref<10240x64xf32, #tpu.memory_space<vmem_shared>>)
        tpu.yield
      }) : () -> ()
    }
    %scan3A_55 = arith.constant 125 : i32
    %barrier3A_56 = arith.constant 0 : index
    tpu.barrier barrier_id(%barrier3A_56)
    %mul3A_57 = arith.constant 640 : i32
    %mul3A_58 = arith.muli %arg1, %mul3A_57 : i32
    %mul3A_59 = arith.constant 640 : i32
    %mul3A_60 = arith.muli %arg1, %mul3A_59 : i32
    "tpu.region"() ({
      %run_scoped3A = tpu.sem_alloc : memref<!tpu.dma_semaphore, #tpu.memory_space<semaphore_mem>>
      %dma_start3A_61 = arith.constant 0 : i32
      %dma_start3A_62 = tpu.memref_slice %arg5[%arg0, %mul3A_60, %dma_start3A_61] : memref<2x10240x64xf32, #tpu.memory_space<hbm>> -> memref<1x640x64xf32, #tpu.memory_space<hbm>>
      %dma_start3A_63 = tpu.memref_squeeze %dma_start3A_62 : memref<1x640x64xf32, #tpu.memory_space<hbm>> -> memref<640x64xf32, #tpu.memory_space<hbm>>
      %dma_start3A_64 = arith.constant 0 : i32
      %dma_start3A_65 = tpu.memref_slice %arg9[%mul3A_58, %dma_start3A_64] : memref<10240x64xf32, #tpu.memory_space<vmem_shared>> -> memref<640x64xf32, #tpu.memory_space<vmem_shared>>
      tpu.enqueue_dma source(%dma_start3A_65 : memref<640x64xf32, #tpu.memory_space<vmem_shared>>) target(%dma_start3A_63 : memref<640x64xf32, #tpu.memory_space<hbm>>) target_semaphore(%run_scoped3A : memref<!tpu.dma_semaphore, #tpu.memory_space<semaphore_mem>>)
      %dma_wait3A_66 = arith.constant 0 : i32
      %dma_wait3A_67 = tpu.memref_slice %arg5[%arg0, %mul3A_60, %dma_wait3A_66] : memref<2x10240x64xf32, #tpu.memory_space<hbm>> -> memref<1x640x64xf32, #tpu.memory_space<hbm>>
      %dma_wait3A_68 = tpu.memref_squeeze %dma_wait3A_67 : memref<1x640x64xf32, #tpu.memory_space<hbm>> -> memref<640x64xf32, #tpu.memory_space<hbm>>
      %dma_wait3A_69 = arith.constant 0 : i32
      %dma_wait3A_70 = tpu.memref_slice %arg9[%mul3A_58, %dma_wait3A_69] : memref<10240x64xf32, #tpu.memory_space<vmem_shared>> -> memref<640x64xf32, #tpu.memory_space<vmem_shared>>
      tpu.wait_dma2 semaphore(%run_scoped3A : memref<!tpu.dma_semaphore, #tpu.memory_space<semaphore_mem>>) src(%dma_wait3A_70 : memref<640x64xf32, #tpu.memory_space<vmem_shared>>) dst(%dma_wait3A_68 : memref<640x64xf32, #tpu.memory_space<hbm>>)
      tpu.yield
    }) : () -> ()
    return
  }
}

#map = affine_map<(d0, d1) -> (0, 0, 0)>
#map1 = affine_map<(d0, d1) -> (0, 0)>
module attributes {stable_mosaic.version = 14 : i64} {
  func.func @body(%arg0: i32, %arg1: i32, %arg2: memref<2x4000x80xi32, #tpu.memory_space<hbm>>, %arg3: memref<10240x64xf32, #tpu.memory_space<hbm>>, %arg4: memref<10240x64xf32, #tpu.memory_space<hbm>>, %arg5: memref<2x10240x64xf32, #tpu.memory_space<hbm>>, %arg6: memref<125x80xi32, #tpu.memory_space<vmem>>, %arg7: memref<125x80xi32, #tpu.memory_space<vmem>>, %arg8: memref<2x80x64xf32, #tpu.memory_space<vmem>>, %arg9: memref<10240x64xf32, #tpu.memory_space<vmem_shared>>, %arg10: memref<10240x64xf32, #tpu.memory_space<vmem_shared>>, %arg11: memref<!tpu.dma_semaphore, #tpu.memory_space<semaphore_mem>>, %arg12: memref<!tpu.dma_semaphore, #tpu.memory_space<semaphore_mem>>) attributes {dimension_semantics = [#tpu.dimension_semantics<core_parallel>, #tpu.dimension_semantics<subcore_parallel>], iteration_bounds = array<i64: 2, 16>, scalar_prefetch = 0 : i64, scratch_operands = 7 : i64, tpu.core_type = #tpu.core_type<sc_vector_subcore>, window_params = [{transform_indices = #map}, {transform_indices = #map1}, {transform_indices = #map1}, {transform_indices = #map}]} {
    %mul3A = arith.constant 2 : i32
    %mul3A_0 = arith.muli %arg1, %mul3A : i32
    %add3A = arith.addi %mul3A_0, %arg0 : i32
    %mul3A_1 = arith.constant 125 : i32
    %mul3A_2 = arith.muli %add3A, %mul3A_1 : i32
    %dma_start3A = arith.constant 0 : i32
    %dma_start3A_3 = arith.constant 0 : i32
    %dma_start3A_4 = tpu.memref_slice %arg2[%dma_start3A, %mul3A_2, %dma_start3A_3] : memref<2x4000x80xi32, #tpu.memory_space<hbm>> -> memref<1x125x80xi32, #tpu.memory_space<hbm>>
    %dma_start3A_5 = tpu.memref_squeeze %dma_start3A_4 : memref<1x125x80xi32, #tpu.memory_space<hbm>> -> memref<125x80xi32, #tpu.memory_space<hbm>>
    %dma_start3A_6 = arith.constant 0 : i32
    %dma_start3A_7 = tpu.memref_slice %arg2[%dma_start3A, %mul3A_2, %dma_start3A_6] : memref<2x4000x80xi32, #tpu.memory_space<hbm>> -> memref<1x125x80xi32, #tpu.memory_space<hbm>>
    %dma_start3A_8 = tpu.memref_squeeze %dma_start3A_7 : memref<1x125x80xi32, #tpu.memory_space<hbm>> -> memref<125x80xi32, #tpu.memory_space<hbm>>
    tpu.enqueue_dma source(%dma_start3A_8 : memref<125x80xi32, #tpu.memory_space<hbm>>) target(%arg6 : memref<125x80xi32, #tpu.memory_space<vmem>>) target_semaphore(%arg12 : memref<!tpu.dma_semaphore, #tpu.memory_space<semaphore_mem>>)
    %mul3A_9 = arith.constant 125 : i32
    %mul3A_10 = arith.muli %add3A, %mul3A_9 : i32
    %dma_start3A_11 = arith.constant 1 : i32
    %dma_start3A_12 = arith.constant 0 : i32
    %dma_start3A_13 = tpu.memref_slice %arg2[%dma_start3A_11, %mul3A_10, %dma_start3A_12] : memref<2x4000x80xi32, #tpu.memory_space<hbm>> -> memref<1x125x80xi32, #tpu.memory_space<hbm>>
    %dma_start3A_14 = tpu.memref_squeeze %dma_start3A_13 : memref<1x125x80xi32, #tpu.memory_space<hbm>> -> memref<125x80xi32, #tpu.memory_space<hbm>>
    %dma_start3A_15 = arith.constant 0 : i32
    %dma_start3A_16 = tpu.memref_slice %arg2[%dma_start3A_11, %mul3A_10, %dma_start3A_15] : memref<2x4000x80xi32, #tpu.memory_space<hbm>> -> memref<1x125x80xi32, #tpu.memory_space<hbm>>
    %dma_start3A_17 = tpu.memref_squeeze %dma_start3A_16 : memref<1x125x80xi32, #tpu.memory_space<hbm>> -> memref<125x80xi32, #tpu.memory_space<hbm>>
    tpu.enqueue_dma source(%dma_start3A_17 : memref<125x80xi32, #tpu.memory_space<hbm>>) target(%arg7 : memref<125x80xi32, #tpu.memory_space<vmem>>) target_semaphore(%arg12 : memref<!tpu.dma_semaphore, #tpu.memory_space<semaphore_mem>>)
    %mul3A_18 = arith.constant 640 : i32
    %mul3A_19 = arith.muli %arg1, %mul3A_18 : i32
    %mul3A_20 = arith.constant 640 : i32
    %mul3A_21 = arith.muli %arg1, %mul3A_20 : i32
    "tpu.region"() ({
      %run_scoped3A = tpu.sem_alloc : memref<!tpu.dma_semaphore, #tpu.memory_space<semaphore_mem>>
      %dma_start3A_61 = arith.constant 0 : i32
      %dma_start3A_62 = tpu.memref_slice %arg10[%mul3A_21, %dma_start3A_61] : memref<10240x64xf32, #tpu.memory_space<vmem_shared>> -> memref<640x64xf32, #tpu.memory_space<vmem_shared>>
      %dma_start3A_63 = arith.constant 0 : i32
      %dma_start3A_64 = tpu.memref_slice %arg3[%mul3A_19, %dma_start3A_63] : memref<10240x64xf32, #tpu.memory_space<hbm>> -> memref<640x64xf32, #tpu.memory_space<hbm>>
      tpu.enqueue_dma source(%dma_start3A_64 : memref<640x64xf32, #tpu.memory_space<hbm>>) target(%dma_start3A_62 : memref<640x64xf32, #tpu.memory_space<vmem_shared>>) target_semaphore(%run_scoped3A : memref<!tpu.dma_semaphore, #tpu.memory_space<semaphore_mem>>)
      %dma_wait3A_65 = arith.constant 0 : i32
      %dma_wait3A_66 = tpu.memref_slice %arg10[%mul3A_21, %dma_wait3A_65] : memref<10240x64xf32, #tpu.memory_space<vmem_shared>> -> memref<640x64xf32, #tpu.memory_space<vmem_shared>>
      %dma_wait3A_67 = arith.constant 0 : i32
      %dma_wait3A_68 = tpu.memref_slice %arg3[%mul3A_19, %dma_wait3A_67] : memref<10240x64xf32, #tpu.memory_space<hbm>> -> memref<640x64xf32, #tpu.memory_space<hbm>>
      tpu.wait_dma2 semaphore(%run_scoped3A : memref<!tpu.dma_semaphore, #tpu.memory_space<semaphore_mem>>) src(%dma_wait3A_68 : memref<640x64xf32, #tpu.memory_space<hbm>>) dst(%dma_wait3A_66 : memref<640x64xf32, #tpu.memory_space<vmem_shared>>)
      tpu.yield
    }) : () -> ()
    %mul3A_22 = arith.constant 640 : i32
    %mul3A_23 = arith.muli %arg1, %mul3A_22 : i32
    %mul3A_24 = arith.constant 640 : i32
    %mul3A_25 = arith.muli %arg1, %mul3A_24 : i32
    "tpu.region"() ({
      %run_scoped3A = tpu.sem_alloc : memref<!tpu.dma_semaphore, #tpu.memory_space<semaphore_mem>>
      %dma_start3A_61 = arith.constant 0 : i32
      %dma_start3A_62 = tpu.memref_slice %arg9[%mul3A_25, %dma_start3A_61] : memref<10240x64xf32, #tpu.memory_space<vmem_shared>> -> memref<640x64xf32, #tpu.memory_space<vmem_shared>>
      %dma_start3A_63 = arith.constant 0 : i32
      %dma_start3A_64 = tpu.memref_slice %arg4[%mul3A_23, %dma_start3A_63] : memref<10240x64xf32, #tpu.memory_space<hbm>> -> memref<640x64xf32, #tpu.memory_space<hbm>>
      tpu.enqueue_dma source(%dma_start3A_64 : memref<640x64xf32, #tpu.memory_space<hbm>>) target(%dma_start3A_62 : memref<640x64xf32, #tpu.memory_space<vmem_shared>>) target_semaphore(%run_scoped3A : memref<!tpu.dma_semaphore, #tpu.memory_space<semaphore_mem>>)
      %dma_wait3A_65 = arith.constant 0 : i32
      %dma_wait3A_66 = tpu.memref_slice %arg9[%mul3A_25, %dma_wait3A_65] : memref<10240x64xf32, #tpu.memory_space<vmem_shared>> -> memref<640x64xf32, #tpu.memory_space<vmem_shared>>
      %dma_wait3A_67 = arith.constant 0 : i32
      %dma_wait3A_68 = tpu.memref_slice %arg4[%mul3A_23, %dma_wait3A_67] : memref<10240x64xf32, #tpu.memory_space<hbm>> -> memref<640x64xf32, #tpu.memory_space<hbm>>
      tpu.wait_dma2 semaphore(%run_scoped3A : memref<!tpu.dma_semaphore, #tpu.memory_space<semaphore_mem>>) src(%dma_wait3A_68 : memref<640x64xf32, #tpu.memory_space<hbm>>) dst(%dma_wait3A_66 : memref<640x64xf32, #tpu.memory_space<vmem_shared>>)
      tpu.yield
    }) : () -> ()
    %dma_wait3A = arith.constant 0 : i32
    %dma_wait3A_26 = arith.constant 0 : i32
    %dma_wait3A_27 = tpu.memref_slice %arg2[%dma_wait3A, %mul3A_2, %dma_wait3A_26] : memref<2x4000x80xi32, #tpu.memory_space<hbm>> -> memref<1x125x80xi32, #tpu.memory_space<hbm>>
    %dma_wait3A_28 = tpu.memref_squeeze %dma_wait3A_27 : memref<1x125x80xi32, #tpu.memory_space<hbm>> -> memref<125x80xi32, #tpu.memory_space<hbm>>
    %dma_wait3A_29 = arith.constant 0 : i32
    %dma_wait3A_30 = tpu.memref_slice %arg2[%dma_wait3A, %mul3A_2, %dma_wait3A_29] : memref<2x4000x80xi32, #tpu.memory_space<hbm>> -> memref<1x125x80xi32, #tpu.memory_space<hbm>>
    %dma_wait3A_31 = tpu.memref_squeeze %dma_wait3A_30 : memref<1x125x80xi32, #tpu.memory_space<hbm>> -> memref<125x80xi32, #tpu.memory_space<hbm>>
    tpu.wait_dma2 semaphore(%arg12 : memref<!tpu.dma_semaphore, #tpu.memory_space<semaphore_mem>>) src(%dma_wait3A_31 : memref<125x80xi32, #tpu.memory_space<hbm>>) dst(%arg6 : memref<125x80xi32, #tpu.memory_space<vmem>>)
    %dma_wait3A_32 = arith.constant 1 : i32
    %dma_wait3A_33 = arith.constant 0 : i32
    %dma_wait3A_34 = tpu.memref_slice %arg2[%dma_wait3A_32, %mul3A_10, %dma_wait3A_33] : memref<2x4000x80xi32, #tpu.memory_space<hbm>> -> memref<1x125x80xi32, #tpu.memory_space<hbm>>
    %dma_wait3A_35 = tpu.memref_squeeze %dma_wait3A_34 : memref<1x125x80xi32, #tpu.memory_space<hbm>> -> memref<125x80xi32, #tpu.memory_space<hbm>>
    %dma_wait3A_36 = arith.constant 0 : i32
    %dma_wait3A_37 = tpu.memref_slice %arg2[%dma_wait3A_32, %mul3A_10, %dma_wait3A_36] : memref<2x4000x80xi32, #tpu.memory_space<hbm>> -> memref<1x125x80xi32, #tpu.memory_space<hbm>>
    %dma_wait3A_38 = tpu.memref_squeeze %dma_wait3A_37 : memref<1x125x80xi32, #tpu.memory_space<hbm>> -> memref<125x80xi32, #tpu.memory_space<hbm>>
    tpu.wait_dma2 semaphore(%arg12 : memref<!tpu.dma_semaphore, #tpu.memory_space<semaphore_mem>>) src(%dma_wait3A_38 : memref<125x80xi32, #tpu.memory_space<hbm>>) dst(%arg7 : memref<125x80xi32, #tpu.memory_space<vmem>>)
    %barrier3A = arith.constant 0 : index
    tpu.barrier barrier_id(%barrier3A)
    %dma_start3A_39 = arith.constant 0 : i32
    %dma_start3A_40 = arith.constant 0 : i32
    %dma_start3A_41 = arith.constant 0 : i32
    %dma_start3A_42 = arith.constant 0 : i32
    %dma_start3A_43 = tpu.memref_slice %arg8[%dma_start3A_40, %dma_start3A_41, %dma_start3A_42] : memref<2x80x64xf32, #tpu.memory_space<vmem>> -> memref<1x80x64xf32, #tpu.memory_space<vmem>>
    %dma_start3A_44 = tpu.memref_squeeze %dma_start3A_43 : memref<1x80x64xf32, #tpu.memory_space<vmem>> -> memref<80x64xf32, #tpu.memory_space<vmem>>
    %dma_start3A_45 = arith.constant 0 : i32
    %dma_start3A_46 = tpu.memref_slice %arg6[%dma_start3A_39, %dma_start3A_45] : memref<125x80xi32, #tpu.memory_space<vmem>> -> memref<1x80xi32, #tpu.memory_space<vmem>>
    %dma_start3A_47 = tpu.memref_squeeze %dma_start3A_46 : memref<1x80xi32, #tpu.memory_space<vmem>> -> memref<80xi32, #tpu.memory_space<vmem>>
    %dma_start3A_48 = arith.constant 0 : i32
    %dma_start3A_49 = arith.constant 0 : i32
    %dma_start3A_50 = tpu.memref_slice %arg10[%dma_start3A_48, %dma_start3A_49] : memref<10240x64xf32, #tpu.memory_space<vmem_shared>> -> memref<10240x64xf32, #tpu.memory_space<vmem_shared>>
    tpu.enqueue_indirect_dma source(%dma_start3A_50 : memref<10240x64xf32, #tpu.memory_space<vmem_shared>>) target(%dma_start3A_44 : memref<80x64xf32, #tpu.memory_space<vmem>>) offsets(%dma_start3A_47 : memref<80xi32, #tpu.memory_space<vmem>>) semaphore(%arg11 : memref<!tpu.dma_semaphore, #tpu.memory_space<semaphore_mem>>)
    %scan3A = arith.constant 0 : i32
    %scan3A_51 = arith.constant 0 : i32
    %scan3A_52 = arith.constant 125 : i32
    %scan3A_53 = arith.addi %scan3A_51, %scan3A_52 : i32
    %scan3A_54 = arith.constant 1 : i32
    scf.for %scan3A_61 = %scan3A_51 to %scan3A_53 step %scan3A_54  : i32 {
      %rem3A = arith.constant 2 : i32
      %rem3A_62 = arith.remsi %scan3A_61, %rem3A : i32
      %add3A_63 = arith.constant 1 : i32
      %add3A_64 = arith.addi %scan3A_61, %add3A_63 : i32
      %lt3A = arith.constant 125 : i32
      %lt3A_65 = arith.cmpi slt, %add3A_64, %lt3A : i32
      %convert_element_type3A = arith.extui %lt3A_65 : i1 to i32
      %cond3A = arith.constant 0 : i32
      %cond3A_66 = arith.cmpi ne, %convert_element_type3A, %cond3A : i32
      scf.if %cond3A_66 {
        %add3A_79 = arith.constant 1 : i32
        %add3A_80 = arith.addi %scan3A_61, %add3A_79 : i32
        %sub3A = arith.constant 1 : i32
        %sub3A_81 = arith.subi %sub3A, %rem3A_62 : i32
        %dma_start3A_82 = arith.constant 0 : i32
        %dma_start3A_83 = arith.constant 0 : i32
        %dma_start3A_84 = tpu.memref_slice %arg8[%sub3A_81, %dma_start3A_82, %dma_start3A_83] : memref<2x80x64xf32, #tpu.memory_space<vmem>> -> memref<1x80x64xf32, #tpu.memory_space<vmem>>
        %dma_start3A_85 = tpu.memref_squeeze %dma_start3A_84 : memref<1x80x64xf32, #tpu.memory_space<vmem>> -> memref<80x64xf32, #tpu.memory_space<vmem>>
        %dma_start3A_86 = arith.constant 0 : i32
        %dma_start3A_87 = tpu.memref_slice %arg6[%add3A_80, %dma_start3A_86] : memref<125x80xi32, #tpu.memory_space<vmem>> -> memref<1x80xi32, #tpu.memory_space<vmem>>
        %dma_start3A_88 = tpu.memref_squeeze %dma_start3A_87 : memref<1x80xi32, #tpu.memory_space<vmem>> -> memref<80xi32, #tpu.memory_space<vmem>>
        %dma_start3A_89 = arith.constant 0 : i32
        %dma_start3A_90 = arith.constant 0 : i32
        %dma_start3A_91 = tpu.memref_slice %arg10[%dma_start3A_89, %dma_start3A_90] : memref<10240x64xf32, #tpu.memory_space<vmem_shared>> -> memref<10240x64xf32, #tpu.memory_space<vmem_shared>>
        tpu.enqueue_indirect_dma source(%dma_start3A_91 : memref<10240x64xf32, #tpu.memory_space<vmem_shared>>) target(%dma_start3A_85 : memref<80x64xf32, #tpu.memory_space<vmem>>) offsets(%dma_start3A_88 : memref<80xi32, #tpu.memory_space<vmem>>) semaphore(%arg11 : memref<!tpu.dma_semaphore, #tpu.memory_space<semaphore_mem>>)
      } else {
      }
      %dma_wait3A_67 = arith.constant 0 : i32
      %dma_wait3A_68 = arith.constant 0 : i32
      %dma_wait3A_69 = arith.constant 0 : i32
      %dma_wait3A_70 = arith.constant 0 : i32
      %dma_wait3A_71 = tpu.memref_slice %arg8[%dma_wait3A_68, %dma_wait3A_69, %dma_wait3A_70] : memref<2x80x64xf32, #tpu.memory_space<vmem>> -> memref<1x80x64xf32, #tpu.memory_space<vmem>>
      %dma_wait3A_72 = tpu.memref_squeeze %dma_wait3A_71 : memref<1x80x64xf32, #tpu.memory_space<vmem>> -> memref<80x64xf32, #tpu.memory_space<vmem>>
      %dma_wait3A_73 = arith.constant 0 : i32
      %dma_wait3A_74 = tpu.memref_slice %arg6[%dma_wait3A_67, %dma_wait3A_73] : memref<125x80xi32, #tpu.memory_space<vmem>> -> memref<1x80xi32, #tpu.memory_space<vmem>>
      %dma_wait3A_75 = tpu.memref_squeeze %dma_wait3A_74 : memref<1x80xi32, #tpu.memory_space<vmem>> -> memref<80xi32, #tpu.memory_space<vmem>>
      %dma_wait3A_76 = arith.constant 0 : i32
      %dma_wait3A_77 = arith.constant 0 : i32
      %dma_wait3A_78 = tpu.memref_slice %arg10[%dma_wait3A_76, %dma_wait3A_77] : memref<10240x64xf32, #tpu.memory_space<vmem_shared>> -> memref<10240x64xf32, #tpu.memory_space<vmem_shared>>
      tpu.wait_indirect_dma semaphore(%arg11 : memref<!tpu.dma_semaphore, #tpu.memory_space<semaphore_mem>>) src(%dma_wait3A_78 : memref<10240x64xf32, #tpu.memory_space<vmem_shared>>) dst(%dma_wait3A_72 : memref<80x64xf32, #tpu.memory_space<vmem>>)
      "tpu.region"() ({
        %run_scoped3A = tpu.sem_alloc : memref<!tpu.dma_semaphore, #tpu.memory_space<semaphore_mem>>
        %dma_start3A_79 = arith.constant 0 : i32
        %dma_start3A_80 = arith.constant 0 : i32
        %dma_start3A_81 = tpu.memref_slice %arg8[%rem3A_62, %dma_start3A_79, %dma_start3A_80] : memref<2x80x64xf32, #tpu.memory_space<vmem>> -> memref<1x80x64xf32, #tpu.memory_space<vmem>>
        %dma_start3A_82 = tpu.memref_squeeze %dma_start3A_81 : memref<1x80x64xf32, #tpu.memory_space<vmem>> -> memref<80x64xf32, #tpu.memory_space<vmem>>
        %dma_start3A_83 = arith.constant 0 : i32
        %dma_start3A_84 = tpu.memref_slice %arg7[%scan3A_61, %dma_start3A_83] : memref<125x80xi32, #tpu.memory_space<vmem>> -> memref<1x80xi32, #tpu.memory_space<vmem>>
        %dma_start3A_85 = tpu.memref_squeeze %dma_start3A_84 : memref<1x80xi32, #tpu.memory_space<vmem>> -> memref<80xi32, #tpu.memory_space<vmem>>
        %dma_start3A_86 = arith.constant 0 : i32
        %dma_start3A_87 = arith.constant 0 : i32
        %dma_start3A_88 = tpu.memref_slice %arg9[%dma_start3A_86, %dma_start3A_87] : memref<10240x64xf32, #tpu.memory_space<vmem_shared>> -> memref<10240x64xf32, #tpu.memory_space<vmem_shared>>
        tpu.enqueue_indirect_dma source(%dma_start3A_82 : memref<80x64xf32, #tpu.memory_space<vmem>>) target(%dma_start3A_88 : memref<10240x64xf32, #tpu.memory_space<vmem_shared>>) offsets(%dma_start3A_85 : memref<80xi32, #tpu.memory_space<vmem>>) semaphore(%run_scoped3A : memref<!tpu.dma_semaphore, #tpu.memory_space<semaphore_mem>>) {add = true}
        %dma_wait3A_89 = arith.constant 0 : i32
        %dma_wait3A_90 = arith.constant 0 : i32
        %dma_wait3A_91 = tpu.memref_slice %arg8[%rem3A_62, %dma_wait3A_89, %dma_wait3A_90] : memref<2x80x64xf32, #tpu.memory_space<vmem>> -> memref<1x80x64xf32, #tpu.memory_space<vmem>>
        %dma_wait3A_92 = tpu.memref_squeeze %dma_wait3A_91 : memref<1x80x64xf32, #tpu.memory_space<vmem>> -> memref<80x64xf32, #tpu.memory_space<vmem>>
        %dma_wait3A_93 = arith.constant 0 : i32
        %dma_wait3A_94 = tpu.memref_slice %arg7[%scan3A_61, %dma_wait3A_93] : memref<125x80xi32, #tpu.memory_space<vmem>> -> memref<1x80xi32, #tpu.memory_space<vmem>>
        %dma_wait3A_95 = tpu.memref_squeeze %dma_wait3A_94 : memref<1x80xi32, #tpu.memory_space<vmem>> -> memref<80xi32, #tpu.memory_space<vmem>>
        %dma_wait3A_96 = arith.constant 0 : i32
        %dma_wait3A_97 = arith.constant 0 : i32
        %dma_wait3A_98 = tpu.memref_slice %arg9[%dma_wait3A_96, %dma_wait3A_97] : memref<10240x64xf32, #tpu.memory_space<vmem_shared>> -> memref<10240x64xf32, #tpu.memory_space<vmem_shared>>
        tpu.wait_indirect_dma semaphore(%run_scoped3A : memref<!tpu.dma_semaphore, #tpu.memory_space<semaphore_mem>>) src(%dma_wait3A_92 : memref<80x64xf32, #tpu.memory_space<vmem>>) dst(%dma_wait3A_98 : memref<10240x64xf32, #tpu.memory_space<vmem_shared>>)
        tpu.yield
      }) : () -> ()
    }
    %scan3A_55 = arith.constant 125 : i32
    %barrier3A_56 = arith.constant 0 : index
    tpu.barrier barrier_id(%barrier3A_56)
    %mul3A_57 = arith.constant 640 : i32
    %mul3A_58 = arith.muli %arg1, %mul3A_57 : i32
    %mul3A_59 = arith.constant 640 : i32
    %mul3A_60 = arith.muli %arg1, %mul3A_59 : i32
    "tpu.region"() ({
      %run_scoped3A = tpu.sem_alloc : memref<!tpu.dma_semaphore, #tpu.memory_space<semaphore_mem>>
      %dma_start3A_61 = arith.constant 0 : i32
      %dma_start3A_62 = tpu.memref_slice %arg5[%arg0, %mul3A_60, %dma_start3A_61] : memref<2x10240x64xf32, #tpu.memory_space<hbm>> -> memref<1x640x64xf32, #tpu.memory_space<hbm>>
      %dma_start3A_63 = tpu.memref_squeeze %dma_start3A_62 : memref<1x640x64xf32, #tpu.memory_space<hbm>> -> memref<640x64xf32, #tpu.memory_space<hbm>>
      %dma_start3A_64 = arith.constant 0 : i32
      %dma_start3A_65 = tpu.memref_slice %arg9[%mul3A_58, %dma_start3A_64] : memref<10240x64xf32, #tpu.memory_space<vmem_shared>> -> memref<640x64xf32, #tpu.memory_space<vmem_shared>>
      tpu.enqueue_dma source(%dma_start3A_65 : memref<640x64xf32, #tpu.memory_space<vmem_shared>>) target(%dma_start3A_63 : memref<640x64xf32, #tpu.memory_space<hbm>>) target_semaphore(%run_scoped3A : memref<!tpu.dma_semaphore, #tpu.memory_space<semaphore_mem>>)
      %dma_wait3A_66 = arith.constant 0 : i32
      %dma_wait3A_67 = tpu.memref_slice %arg5[%arg0, %mul3A_60, %dma_wait3A_66] : memref<2x10240x64xf32, #tpu.memory_space<hbm>> -> memref<1x640x64xf32, #tpu.memory_space<hbm>>
      %dma_wait3A_68 = tpu.memref_squeeze %dma_wait3A_67 : memref<1x640x64xf32, #tpu.memory_space<hbm>> -> memref<640x64xf32, #tpu.memory_space<hbm>>
      %dma_wait3A_69 = arith.constant 0 : i32
      %dma_wait3A_70 = tpu.memref_slice %arg9[%mul3A_58, %dma_wait3A_69] : memref<10240x64xf32, #tpu.memory_space<vmem_shared>> -> memref<640x64xf32, #tpu.memory_space<vmem_shared>>
      tpu.wait_dma2 semaphore(%run_scoped3A : memref<!tpu.dma_semaphore, #tpu.memory_space<semaphore_mem>>) src(%dma_wait3A_70 : memref<640x64xf32, #tpu.memory_space<vmem_shared>>) dst(%dma_wait3A_68 : memref<640x64xf32, #tpu.memory_space<hbm>>)
      tpu.yield
    }) : () -> ()
    return
  }
}

#map = affine_map<(d0, d1) -> (0, 0, 0)>
#map1 = affine_map<(d0, d1) -> (0, 0)>
module attributes {stable_mosaic.version = 14 : i64} {
  func.func @body(%arg0: i32, %arg1: i32, %arg2: memref<2x4000x80xi32, #tpu.memory_space<hbm>>, %arg3: memref<10240x64xf32, #tpu.memory_space<hbm>>, %arg4: memref<10240x64xf32, #tpu.memory_space<hbm>>, %arg5: memref<2x10240x64xf32, #tpu.memory_space<hbm>>, %arg6: memref<125x80xi32, #tpu.memory_space<vmem>>, %arg7: memref<125x80xi32, #tpu.memory_space<vmem>>, %arg8: memref<2x80x64xf32, #tpu.memory_space<vmem>>, %arg9: memref<10240x64xf32, #tpu.memory_space<vmem_shared>>, %arg10: memref<10240x64xf32, #tpu.memory_space<vmem_shared>>, %arg11: memref<!tpu.dma_semaphore, #tpu.memory_space<semaphore_mem>>, %arg12: memref<!tpu.dma_semaphore, #tpu.memory_space<semaphore_mem>>) attributes {dimension_semantics = [#tpu.dimension_semantics<core_parallel>, #tpu.dimension_semantics<subcore_parallel>], iteration_bounds = array<i64: 2, 16>, scalar_prefetch = 0 : i64, scratch_operands = 7 : i64, tpu.core_type = #tpu.core_type<sc_vector_subcore>, window_params = [{transform_indices = #map}, {transform_indices = #map1}, {transform_indices = #map1}, {transform_indices = #map}]} {
    %mul3A = arith.constant 2 : i32
    %mul3A_0 = arith.muli %arg1, %mul3A : i32
    %add3A = arith.addi %mul3A_0, %arg0 : i32
    %mul3A_1 = arith.constant 125 : i32
    %mul3A_2 = arith.muli %add3A, %mul3A_1 : i32
    %dma_start3A = arith.constant 0 : i32
    %dma_start3A_3 = arith.constant 0 : i32
    %dma_start3A_4 = tpu.memref_slice %arg2[%dma_start3A, %mul3A_2, %dma_start3A_3] : memref<2x4000x80xi32, #tpu.memory_space<hbm>> -> memref<1x125x80xi32, #tpu.memory_space<hbm>>
    %dma_start3A_5 = tpu.memref_squeeze %dma_start3A_4 : memref<1x125x80xi32, #tpu.memory_space<hbm>> -> memref<125x80xi32, #tpu.memory_space<hbm>>
    %dma_start3A_6 = arith.constant 0 : i32
    %dma_start3A_7 = tpu.memref_slice %arg2[%dma_start3A, %mul3A_2, %dma_start3A_6] : memref<2x4000x80xi32, #tpu.memory_space<hbm>> -> memref<1x125x80xi32, #tpu.memory_space<hbm>>
    %dma_start3A_8 = tpu.memref_squeeze %dma_start3A_7 : memref<1x125x80xi32, #tpu.memory_space<hbm>> -> memref<125x80xi32, #tpu.memory_space<hbm>>
    tpu.enqueue_dma source(%dma_start3A_8 : memref<125x80xi32, #tpu.memory_space<hbm>>) target(%arg6 : memref<125x80xi32, #tpu.memory_space<vmem>>) target_semaphore(%arg12 : memref<!tpu.dma_semaphore, #tpu.memory_space<semaphore_mem>>)
    %mul3A_9 = arith.constant 125 : i32
    %mul3A_10 = arith.muli %add3A, %mul3A_9 : i32
    %dma_start3A_11 = arith.constant 1 : i32
    %dma_start3A_12 = arith.constant 0 : i32
    %dma_start3A_13 = tpu.memref_slice %arg2[%dma_start3A_11, %mul3A_10, %dma_start3A_12] : memref<2x4000x80xi32, #tpu.memory_space<hbm>> -> memref<1x125x80xi32, #tpu.memory_space<hbm>>
    %dma_start3A_14 = tpu.memref_squeeze %dma_start3A_13 : memref<1x125x80xi32, #tpu.memory_space<hbm>> -> memref<125x80xi32, #tpu.memory_space<hbm>>
    %dma_start3A_15 = arith.constant 0 : i32
    %dma_start3A_16 = tpu.memref_slice %arg2[%dma_start3A_11, %mul3A_10, %dma_start3A_15] : memref<2x4000x80xi32, #tpu.memory_space<hbm>> -> memref<1x125x80xi32, #tpu.memory_space<hbm>>
    %dma_start3A_17 = tpu.memref_squeeze %dma_start3A_16 : memref<1x125x80xi32, #tpu.memory_space<hbm>> -> memref<125x80xi32, #tpu.memory_space<hbm>>
    tpu.enqueue_dma source(%dma_start3A_17 : memref<125x80xi32, #tpu.memory_space<hbm>>) target(%arg7 : memref<125x80xi32, #tpu.memory_space<vmem>>) target_semaphore(%arg12 : memref<!tpu.dma_semaphore, #tpu.memory_space<semaphore_mem>>)
    %mul3A_18 = arith.constant 640 : i32
    %mul3A_19 = arith.muli %arg1, %mul3A_18 : i32
    %mul3A_20 = arith.constant 640 : i32
    %mul3A_21 = arith.muli %arg1, %mul3A_20 : i32
    "tpu.region"() ({
      %run_scoped3A = tpu.sem_alloc : memref<!tpu.dma_semaphore, #tpu.memory_space<semaphore_mem>>
      %dma_start3A_61 = arith.constant 0 : i32
      %dma_start3A_62 = tpu.memref_slice %arg10[%mul3A_21, %dma_start3A_61] : memref<10240x64xf32, #tpu.memory_space<vmem_shared>> -> memref<640x64xf32, #tpu.memory_space<vmem_shared>>
      %dma_start3A_63 = arith.constant 0 : i32
      %dma_start3A_64 = tpu.memref_slice %arg3[%mul3A_19, %dma_start3A_63] : memref<10240x64xf32, #tpu.memory_space<hbm>> -> memref<640x64xf32, #tpu.memory_space<hbm>>
      tpu.enqueue_dma source(%dma_start3A_64 : memref<640x64xf32, #tpu.memory_space<hbm>>) target(%dma_start3A_62 : memref<640x64xf32, #tpu.memory_space<vmem_shared>>) target_semaphore(%run_scoped3A : memref<!tpu.dma_semaphore, #tpu.memory_space<semaphore_mem>>)
      %dma_wait3A_65 = arith.constant 0 : i32
      %dma_wait3A_66 = tpu.memref_slice %arg10[%mul3A_21, %dma_wait3A_65] : memref<10240x64xf32, #tpu.memory_space<vmem_shared>> -> memref<640x64xf32, #tpu.memory_space<vmem_shared>>
      %dma_wait3A_67 = arith.constant 0 : i32
      %dma_wait3A_68 = tpu.memref_slice %arg3[%mul3A_19, %dma_wait3A_67] : memref<10240x64xf32, #tpu.memory_space<hbm>> -> memref<640x64xf32, #tpu.memory_space<hbm>>
      tpu.wait_dma2 semaphore(%run_scoped3A : memref<!tpu.dma_semaphore, #tpu.memory_space<semaphore_mem>>) src(%dma_wait3A_68 : memref<640x64xf32, #tpu.memory_space<hbm>>) dst(%dma_wait3A_66 : memref<640x64xf32, #tpu.memory_space<vmem_shared>>)
      tpu.yield
    }) : () -> ()
    %mul3A_22 = arith.constant 640 : i32
    %mul3A_23 = arith.muli %arg1, %mul3A_22 : i32
    %mul3A_24 = arith.constant 640 : i32
    %mul3A_25 = arith.muli %arg1, %mul3A_24 : i32
    "tpu.region"() ({
      %run_scoped3A = tpu.sem_alloc : memref<!tpu.dma_semaphore, #tpu.memory_space<semaphore_mem>>
      %dma_start3A_61 = arith.constant 0 : i32
      %dma_start3A_62 = tpu.memref_slice %arg9[%mul3A_25, %dma_start3A_61] : memref<10240x64xf32, #tpu.memory_space<vmem_shared>> -> memref<640x64xf32, #tpu.memory_space<vmem_shared>>
      %dma_start3A_63 = arith.constant 0 : i32
      %dma_start3A_64 = tpu.memref_slice %arg4[%mul3A_23, %dma_start3A_63] : memref<10240x64xf32, #tpu.memory_space<hbm>> -> memref<640x64xf32, #tpu.memory_space<hbm>>
      tpu.enqueue_dma source(%dma_start3A_64 : memref<640x64xf32, #tpu.memory_space<hbm>>) target(%dma_start3A_62 : memref<640x64xf32, #tpu.memory_space<vmem_shared>>) target_semaphore(%run_scoped3A : memref<!tpu.dma_semaphore, #tpu.memory_space<semaphore_mem>>)
      %dma_wait3A_65 = arith.constant 0 : i32
      %dma_wait3A_66 = tpu.memref_slice %arg9[%mul3A_25, %dma_wait3A_65] : memref<10240x64xf32, #tpu.memory_space<vmem_shared>> -> memref<640x64xf32, #tpu.memory_space<vmem_shared>>
      %dma_wait3A_67 = arith.constant 0 : i32
      %dma_wait3A_68 = tpu.memref_slice %arg4[%mul3A_23, %dma_wait3A_67] : memref<10240x64xf32, #tpu.memory_space<hbm>> -> memref<640x64xf32, #tpu.memory_space<hbm>>
      tpu.wait_dma2 semaphore(%run_scoped3A : memref<!tpu.dma_semaphore, #tpu.memory_space<semaphore_mem>>) src(%dma_wait3A_68 : memref<640x64xf32, #tpu.memory_space<hbm>>) dst(%dma_wait3A_66 : memref<640x64xf32, #tpu.memory_space<vmem_shared>>)
      tpu.yield
    }) : () -> ()
    %dma_wait3A = arith.constant 0 : i32
    %dma_wait3A_26 = arith.constant 0 : i32
    %dma_wait3A_27 = tpu.memref_slice %arg2[%dma_wait3A, %mul3A_2, %dma_wait3A_26] : memref<2x4000x80xi32, #tpu.memory_space<hbm>> -> memref<1x125x80xi32, #tpu.memory_space<hbm>>
    %dma_wait3A_28 = tpu.memref_squeeze %dma_wait3A_27 : memref<1x125x80xi32, #tpu.memory_space<hbm>> -> memref<125x80xi32, #tpu.memory_space<hbm>>
    %dma_wait3A_29 = arith.constant 0 : i32
    %dma_wait3A_30 = tpu.memref_slice %arg2[%dma_wait3A, %mul3A_2, %dma_wait3A_29] : memref<2x4000x80xi32, #tpu.memory_space<hbm>> -> memref<1x125x80xi32, #tpu.memory_space<hbm>>
    %dma_wait3A_31 = tpu.memref_squeeze %dma_wait3A_30 : memref<1x125x80xi32, #tpu.memory_space<hbm>> -> memref<125x80xi32, #tpu.memory_space<hbm>>
    tpu.wait_dma2 semaphore(%arg12 : memref<!tpu.dma_semaphore, #tpu.memory_space<semaphore_mem>>) src(%dma_wait3A_31 : memref<125x80xi32, #tpu.memory_space<hbm>>) dst(%arg6 : memref<125x80xi32, #tpu.memory_space<vmem>>)
    %dma_wait3A_32 = arith.constant 1 : i32
    %dma_wait3A_33 = arith.constant 0 : i32
    %dma_wait3A_34 = tpu.memref_slice %arg2[%dma_wait3A_32, %mul3A_10, %dma_wait3A_33] : memref<2x4000x80xi32, #tpu.memory_space<hbm>> -> memref<1x125x80xi32, #tpu.memory_space<hbm>>
    %dma_wait3A_35 = tpu.memref_squeeze %dma_wait3A_34 : memref<1x125x80xi32, #tpu.memory_space<hbm>> -> memref<125x80xi32, #tpu.memory_space<hbm>>
    %dma_wait3A_36 = arith.constant 0 : i32
    %dma_wait3A_37 = tpu.memref_slice %arg2[%dma_wait3A_32, %mul3A_10, %dma_wait3A_36] : memref<2x4000x80xi32, #tpu.memory_space<hbm>> -> memref<1x125x80xi32, #tpu.memory_space<hbm>>
    %dma_wait3A_38 = tpu.memref_squeeze %dma_wait3A_37 : memref<1x125x80xi32, #tpu.memory_space<hbm>> -> memref<125x80xi32, #tpu.memory_space<hbm>>
    tpu.wait_dma2 semaphore(%arg12 : memref<!tpu.dma_semaphore, #tpu.memory_space<semaphore_mem>>) src(%dma_wait3A_38 : memref<125x80xi32, #tpu.memory_space<hbm>>) dst(%arg7 : memref<125x80xi32, #tpu.memory_space<vmem>>)
    %barrier3A = arith.constant 0 : index
    tpu.barrier barrier_id(%barrier3A)
    %dma_start3A_39 = arith.constant 0 : i32
    %dma_start3A_40 = arith.constant 0 : i32
    %dma_start3A_41 = arith.constant 0 : i32
    %dma_start3A_42 = arith.constant 0 : i32
    %dma_start3A_43 = tpu.memref_slice %arg8[%dma_start3A_40, %dma_start3A_41, %dma_start3A_42] : memref<2x80x64xf32, #tpu.memory_space<vmem>> -> memref<1x80x64xf32, #tpu.memory_space<vmem>>
    %dma_start3A_44 = tpu.memref_squeeze %dma_start3A_43 : memref<1x80x64xf32, #tpu.memory_space<vmem>> -> memref<80x64xf32, #tpu.memory_space<vmem>>
    %dma_start3A_45 = arith.constant 0 : i32
    %dma_start3A_46 = tpu.memref_slice %arg6[%dma_start3A_39, %dma_start3A_45] : memref<125x80xi32, #tpu.memory_space<vmem>> -> memref<1x80xi32, #tpu.memory_space<vmem>>
    %dma_start3A_47 = tpu.memref_squeeze %dma_start3A_46 : memref<1x80xi32, #tpu.memory_space<vmem>> -> memref<80xi32, #tpu.memory_space<vmem>>
    %dma_start3A_48 = arith.constant 0 : i32
    %dma_start3A_49 = arith.constant 0 : i32
    %dma_start3A_50 = tpu.memref_slice %arg10[%dma_start3A_48, %dma_start3A_49] : memref<10240x64xf32, #tpu.memory_space<vmem_shared>> -> memref<10240x64xf32, #tpu.memory_space<vmem_shared>>
    tpu.enqueue_indirect_dma source(%dma_start3A_50 : memref<10240x64xf32, #tpu.memory_space<vmem_shared>>) target(%dma_start3A_44 : memref<80x64xf32, #tpu.memory_space<vmem>>) offsets(%dma_start3A_47 : memref<80xi32, #tpu.memory_space<vmem>>) semaphore(%arg11 : memref<!tpu.dma_semaphore, #tpu.memory_space<semaphore_mem>>)
    %scan3A = arith.constant 0 : i32
    %scan3A_51 = arith.constant 0 : i32
    %scan3A_52 = arith.constant 125 : i32
    %scan3A_53 = arith.addi %scan3A_51, %scan3A_52 : i32
    %scan3A_54 = arith.constant 1 : i32
    scf.for %scan3A_61 = %scan3A_51 to %scan3A_53 step %scan3A_54  : i32 {
      %rem3A = arith.constant 2 : i32
      %rem3A_62 = arith.remsi %scan3A_61, %rem3A : i32
      %add3A_63 = arith.constant 1 : i32
      %add3A_64 = arith.addi %scan3A_61, %add3A_63 : i32
      %lt3A = arith.constant 125 : i32
      %lt3A_65 = arith.cmpi slt, %add3A_64, %lt3A : i32
      %convert_element_type3A = arith.extui %lt3A_65 : i1 to i32
      %cond3A = arith.constant 0 : i32
      %cond3A_66 = arith.cmpi ne, %convert_element_type3A, %cond3A : i32
      scf.if %cond3A_66 {
        %add3A_79 = arith.constant 1 : i32
        %add3A_80 = arith.addi %scan3A_61, %add3A_79 : i32
        %sub3A = arith.constant 1 : i32
        %sub3A_81 = arith.subi %sub3A, %rem3A_62 : i32
        %dma_start3A_82 = arith.constant 0 : i32
        %dma_start3A_83 = arith.constant 0 : i32
        %dma_start3A_84 = tpu.memref_slice %arg8[%sub3A_81, %dma_start3A_82, %dma_start3A_83] : memref<2x80x64xf32, #tpu.memory_space<vmem>> -> memref<1x80x64xf32, #tpu.memory_space<vmem>>
        %dma_start3A_85 = tpu.memref_squeeze %dma_start3A_84 : memref<1x80x64xf32, #tpu.memory_space<vmem>> -> memref<80x64xf32, #tpu.memory_space<vmem>>
        %dma_start3A_86 = arith.constant 0 : i32
        %dma_start3A_87 = tpu.memref_slice %arg6[%add3A_80, %dma_start3A_86] : memref<125x80xi32, #tpu.memory_space<vmem>> -> memref<1x80xi32, #tpu.memory_space<vmem>>
        %dma_start3A_88 = tpu.memref_squeeze %dma_start3A_87 : memref<1x80xi32, #tpu.memory_space<vmem>> -> memref<80xi32, #tpu.memory_space<vmem>>
        %dma_start3A_89 = arith.constant 0 : i32
        %dma_start3A_90 = arith.constant 0 : i32
        %dma_start3A_91 = tpu.memref_slice %arg10[%dma_start3A_89, %dma_start3A_90] : memref<10240x64xf32, #tpu.memory_space<vmem_shared>> -> memref<10240x64xf32, #tpu.memory_space<vmem_shared>>
        tpu.enqueue_indirect_dma source(%dma_start3A_91 : memref<10240x64xf32, #tpu.memory_space<vmem_shared>>) target(%dma_start3A_85 : memref<80x64xf32, #tpu.memory_space<vmem>>) offsets(%dma_start3A_88 : memref<80xi32, #tpu.memory_space<vmem>>) semaphore(%arg11 : memref<!tpu.dma_semaphore, #tpu.memory_space<semaphore_mem>>)
      } else {
      }
      %dma_wait3A_67 = arith.constant 0 : i32
      %dma_wait3A_68 = arith.constant 0 : i32
      %dma_wait3A_69 = arith.constant 0 : i32
      %dma_wait3A_70 = arith.constant 0 : i32
      %dma_wait3A_71 = tpu.memref_slice %arg8[%dma_wait3A_68, %dma_wait3A_69, %dma_wait3A_70] : memref<2x80x64xf32, #tpu.memory_space<vmem>> -> memref<1x80x64xf32, #tpu.memory_space<vmem>>
      %dma_wait3A_72 = tpu.memref_squeeze %dma_wait3A_71 : memref<1x80x64xf32, #tpu.memory_space<vmem>> -> memref<80x64xf32, #tpu.memory_space<vmem>>
      %dma_wait3A_73 = arith.constant 0 : i32
      %dma_wait3A_74 = tpu.memref_slice %arg6[%dma_wait3A_67, %dma_wait3A_73] : memref<125x80xi32, #tpu.memory_space<vmem>> -> memref<1x80xi32, #tpu.memory_space<vmem>>
      %dma_wait3A_75 = tpu.memref_squeeze %dma_wait3A_74 : memref<1x80xi32, #tpu.memory_space<vmem>> -> memref<80xi32, #tpu.memory_space<vmem>>
      %dma_wait3A_76 = arith.constant 0 : i32
      %dma_wait3A_77 = arith.constant 0 : i32
      %dma_wait3A_78 = tpu.memref_slice %arg10[%dma_wait3A_76, %dma_wait3A_77] : memref<10240x64xf32, #tpu.memory_space<vmem_shared>> -> memref<10240x64xf32, #tpu.memory_space<vmem_shared>>
      tpu.wait_indirect_dma semaphore(%arg11 : memref<!tpu.dma_semaphore, #tpu.memory_space<semaphore_mem>>) src(%dma_wait3A_78 : memref<10240x64xf32, #tpu.memory_space<vmem_shared>>) dst(%dma_wait3A_72 : memref<80x64xf32, #tpu.memory_space<vmem>>)
      "tpu.region"() ({
        %run_scoped3A = tpu.sem_alloc : memref<!tpu.dma_semaphore, #tpu.memory_space<semaphore_mem>>
        %dma_start3A_79 = arith.constant 0 : i32
        %dma_start3A_80 = arith.constant 0 : i32
        %dma_start3A_81 = tpu.memref_slice %arg8[%rem3A_62, %dma_start3A_79, %dma_start3A_80] : memref<2x80x64xf32, #tpu.memory_space<vmem>> -> memref<1x80x64xf32, #tpu.memory_space<vmem>>
        %dma_start3A_82 = tpu.memref_squeeze %dma_start3A_81 : memref<1x80x64xf32, #tpu.memory_space<vmem>> -> memref<80x64xf32, #tpu.memory_space<vmem>>
        %dma_start3A_83 = arith.constant 0 : i32
        %dma_start3A_84 = tpu.memref_slice %arg7[%scan3A_61, %dma_start3A_83] : memref<125x80xi32, #tpu.memory_space<vmem>> -> memref<1x80xi32, #tpu.memory_space<vmem>>
        %dma_start3A_85 = tpu.memref_squeeze %dma_start3A_84 : memref<1x80xi32, #tpu.memory_space<vmem>> -> memref<80xi32, #tpu.memory_space<vmem>>
        %dma_start3A_86 = arith.constant 0 : i32
        %dma_start3A_87 = arith.constant 0 : i32
        %dma_start3A_88 = tpu.memref_slice %arg9[%dma_start3A_86, %dma_start3A_87] : memref<10240x64xf32, #tpu.memory_space<vmem_shared>> -> memref<10240x64xf32, #tpu.memory_space<vmem_shared>>
        tpu.enqueue_indirect_dma source(%dma_start3A_82 : memref<80x64xf32, #tpu.memory_space<vmem>>) target(%dma_start3A_88 : memref<10240x64xf32, #tpu.memory_space<vmem_shared>>) offsets(%dma_start3A_85 : memref<80xi32, #tpu.memory_space<vmem>>) semaphore(%run_scoped3A : memref<!tpu.dma_semaphore, #tpu.memory_space<semaphore_mem>>) {add = true}
        %dma_wait3A_89 = arith.constant 0 : i32
        %dma_wait3A_90 = arith.constant 0 : i32
        %dma_wait3A_91 = tpu.memref_slice %arg8[%rem3A_62, %dma_wait3A_89, %dma_wait3A_90] : memref<2x80x64xf32, #tpu.memory_space<vmem>> -> memref<1x80x64xf32, #tpu.memory_space<vmem>>
        %dma_wait3A_92 = tpu.memref_squeeze %dma_wait3A_91 : memref<1x80x64xf32, #tpu.memory_space<vmem>> -> memref<80x64xf32, #tpu.memory_space<vmem>>
        %dma_wait3A_93 = arith.constant 0 : i32
        %dma_wait3A_94 = tpu.memref_slice %arg7[%scan3A_61, %dma_wait3A_93] : memref<125x80xi32, #tpu.memory_space<vmem>> -> memref<1x80xi32, #tpu.memory_space<vmem>>
        %dma_wait3A_95 = tpu.memref_squeeze %dma_wait3A_94 : memref<1x80xi32, #tpu.memory_space<vmem>> -> memref<80xi32, #tpu.memory_space<vmem>>
        %dma_wait3A_96 = arith.constant 0 : i32
        %dma_wait3A_97 = arith.constant 0 : i32
        %dma_wait3A_98 = tpu.memref_slice %arg9[%dma_wait3A_96, %dma_wait3A_97] : memref<10240x64xf32, #tpu.memory_space<vmem_shared>> -> memref<10240x64xf32, #tpu.memory_space<vmem_shared>>
        tpu.wait_indirect_dma semaphore(%run_scoped3A : memref<!tpu.dma_semaphore, #tpu.memory_space<semaphore_mem>>) src(%dma_wait3A_92 : memref<80x64xf32, #tpu.memory_space<vmem>>) dst(%dma_wait3A_98 : memref<10240x64xf32, #tpu.memory_space<vmem_shared>>)
        tpu.yield
      }) : () -> ()
    }
    %scan3A_55 = arith.constant 125 : i32
    %barrier3A_56 = arith.constant 0 : index
    tpu.barrier barrier_id(%barrier3A_56)
    %mul3A_57 = arith.constant 640 : i32
    %mul3A_58 = arith.muli %arg1, %mul3A_57 : i32
    %mul3A_59 = arith.constant 640 : i32
    %mul3A_60 = arith.muli %arg1, %mul3A_59 : i32
    "tpu.region"() ({
      %run_scoped3A = tpu.sem_alloc : memref<!tpu.dma_semaphore, #tpu.memory_space<semaphore_mem>>
      %dma_start3A_61 = arith.constant 0 : i32
      %dma_start3A_62 = tpu.memref_slice %arg5[%arg0, %mul3A_60, %dma_start3A_61] : memref<2x10240x64xf32, #tpu.memory_space<hbm>> -> memref<1x640x64xf32, #tpu.memory_space<hbm>>
      %dma_start3A_63 = tpu.memref_squeeze %dma_start3A_62 : memref<1x640x64xf32, #tpu.memory_space<hbm>> -> memref<640x64xf32, #tpu.memory_space<hbm>>
      %dma_start3A_64 = arith.constant 0 : i32
      %dma_start3A_65 = tpu.memref_slice %arg9[%mul3A_58, %dma_start3A_64] : memref<10240x64xf32, #tpu.memory_space<vmem_shared>> -> memref<640x64xf32, #tpu.memory_space<vmem_shared>>
      tpu.enqueue_dma source(%dma_start3A_65 : memref<640x64xf32, #tpu.memory_space<vmem_shared>>) target(%dma_start3A_63 : memref<640x64xf32, #tpu.memory_space<hbm>>) target_semaphore(%run_scoped3A : memref<!tpu.dma_semaphore, #tpu.memory_space<semaphore_mem>>)
      %dma_wait3A_66 = arith.constant 0 : i32
      %dma_wait3A_67 = tpu.memref_slice %arg5[%arg0, %mul3A_60, %dma_wait3A_66] : memref<2x10240x64xf32, #tpu.memory_space<hbm>> -> memref<1x640x64xf32, #tpu.memory_space<hbm>>
      %dma_wait3A_68 = tpu.memref_squeeze %dma_wait3A_67 : memref<1x640x64xf32, #tpu.memory_space<hbm>> -> memref<640x64xf32, #tpu.memory_space<hbm>>
      %dma_wait3A_69 = arith.constant 0 : i32
      %dma_wait3A_70 = tpu.memref_slice %arg9[%mul3A_58, %dma_wait3A_69] : memref<10240x64xf32, #tpu.memory_space<vmem_shared>> -> memref<640x64xf32, #tpu.memory_space<vmem_shared>>
      tpu.wait_dma2 semaphore(%run_scoped3A : memref<!tpu.dma_semaphore, #tpu.memory_space<semaphore_mem>>) src(%dma_wait3A_70 : memref<640x64xf32, #tpu.memory_space<vmem_shared>>) dst(%dma_wait3A_68 : memref<640x64xf32, #tpu.memory_space<hbm>>)
      tpu.yield
    }) : () -> ()
    return
  }
}

#map = affine_map<(d0, d1) -> (0, 0, 0)>
#map1 = affine_map<(d0, d1) -> (0, 0)>
module attributes {stable_mosaic.version = 14 : i64} {
  func.func @body(%arg0: i32, %arg1: i32, %arg2: memref<2x4000x80xi32, #tpu.memory_space<hbm>>, %arg3: memref<10240x64xf32, #tpu.memory_space<hbm>>, %arg4: memref<10240x64xf32, #tpu.memory_space<hbm>>, %arg5: memref<2x10240x64xf32, #tpu.memory_space<hbm>>, %arg6: memref<125x80xi32, #tpu.memory_space<vmem>>, %arg7: memref<125x80xi32, #tpu.memory_space<vmem>>, %arg8: memref<2x80x64xf32, #tpu.memory_space<vmem>>, %arg9: memref<10240x64xf32, #tpu.memory_space<vmem_shared>>, %arg10: memref<10240x64xf32, #tpu.memory_space<vmem_shared>>, %arg11: memref<!tpu.dma_semaphore, #tpu.memory_space<semaphore_mem>>, %arg12: memref<!tpu.dma_semaphore, #tpu.memory_space<semaphore_mem>>) attributes {dimension_semantics = [#tpu.dimension_semantics<core_parallel>, #tpu.dimension_semantics<subcore_parallel>], iteration_bounds = array<i64: 2, 16>, scalar_prefetch = 0 : i64, scratch_operands = 7 : i64, tpu.core_type = #tpu.core_type<sc_vector_subcore>, window_params = [{transform_indices = #map}, {transform_indices = #map1}, {transform_indices = #map1}, {transform_indices = #map}]} {
    %mul3A = arith.constant 2 : i32
    %mul3A_0 = arith.muli %arg1, %mul3A : i32
    %add3A = arith.addi %mul3A_0, %arg0 : i32
    %mul3A_1 = arith.constant 125 : i32
    %mul3A_2 = arith.muli %add3A, %mul3A_1 : i32
    %dma_start3A = arith.constant 0 : i32
    %dma_start3A_3 = arith.constant 0 : i32
    %dma_start3A_4 = tpu.memref_slice %arg2[%dma_start3A, %mul3A_2, %dma_start3A_3] : memref<2x4000x80xi32, #tpu.memory_space<hbm>> -> memref<1x125x80xi32, #tpu.memory_space<hbm>>
    %dma_start3A_5 = tpu.memref_squeeze %dma_start3A_4 : memref<1x125x80xi32, #tpu.memory_space<hbm>> -> memref<125x80xi32, #tpu.memory_space<hbm>>
    %dma_start3A_6 = arith.constant 0 : i32
    %dma_start3A_7 = tpu.memref_slice %arg2[%dma_start3A, %mul3A_2, %dma_start3A_6] : memref<2x4000x80xi32, #tpu.memory_space<hbm>> -> memref<1x125x80xi32, #tpu.memory_space<hbm>>
    %dma_start3A_8 = tpu.memref_squeeze %dma_start3A_7 : memref<1x125x80xi32, #tpu.memory_space<hbm>> -> memref<125x80xi32, #tpu.memory_space<hbm>>
    tpu.enqueue_dma source(%dma_start3A_8 : memref<125x80xi32, #tpu.memory_space<hbm>>) target(%arg6 : memref<125x80xi32, #tpu.memory_space<vmem>>) target_semaphore(%arg12 : memref<!tpu.dma_semaphore, #tpu.memory_space<semaphore_mem>>)
    %mul3A_9 = arith.constant 125 : i32
    %mul3A_10 = arith.muli %add3A, %mul3A_9 : i32
    %dma_start3A_11 = arith.constant 1 : i32
    %dma_start3A_12 = arith.constant 0 : i32
    %dma_start3A_13 = tpu.memref_slice %arg2[%dma_start3A_11, %mul3A_10, %dma_start3A_12] : memref<2x4000x80xi32, #tpu.memory_space<hbm>> -> memref<1x125x80xi32, #tpu.memory_space<hbm>>
    %dma_start3A_14 = tpu.memref_squeeze %dma_start3A_13 : memref<1x125x80xi32, #tpu.memory_space<hbm>> -> memref<125x80xi32, #tpu.memory_space<hbm>>
    %dma_start3A_15 = arith.constant 0 : i32
    %dma_start3A_16 = tpu.memref_slice %arg2[%dma_start3A_11, %mul3A_10, %dma_start3A_15] : memref<2x4000x80xi32, #tpu.memory_space<hbm>> -> memref<1x125x80xi32, #tpu.memory_space<hbm>>
    %dma_start3A_17 = tpu.memref_squeeze %dma_start3A_16 : memref<1x125x80xi32, #tpu.memory_space<hbm>> -> memref<125x80xi32, #tpu.memory_space<hbm>>
    tpu.enqueue_dma source(%dma_start3A_17 : memref<125x80xi32, #tpu.memory_space<hbm>>) target(%arg7 : memref<125x80xi32, #tpu.memory_space<vmem>>) target_semaphore(%arg12 : memref<!tpu.dma_semaphore, #tpu.memory_space<semaphore_mem>>)
    %mul3A_18 = arith.constant 640 : i32
    %mul3A_19 = arith.muli %arg1, %mul3A_18 : i32
    %mul3A_20 = arith.constant 640 : i32
    %mul3A_21 = arith.muli %arg1, %mul3A_20 : i32
    "tpu.region"() ({
      %run_scoped3A = tpu.sem_alloc : memref<!tpu.dma_semaphore, #tpu.memory_space<semaphore_mem>>
      %dma_start3A_61 = arith.constant 0 : i32
      %dma_start3A_62 = tpu.memref_slice %arg10[%mul3A_21, %dma_start3A_61] : memref<10240x64xf32, #tpu.memory_space<vmem_shared>> -> memref<640x64xf32, #tpu.memory_space<vmem_shared>>
      %dma_start3A_63 = arith.constant 0 : i32
      %dma_start3A_64 = tpu.memref_slice %arg3[%mul3A_19, %dma_start3A_63] : memref<10240x64xf32, #tpu.memory_space<hbm>> -> memref<640x64xf32, #tpu.memory_space<hbm>>
      tpu.enqueue_dma source(%dma_start3A_64 : memref<640x64xf32, #tpu.memory_space<hbm>>) target(%dma_start3A_62 : memref<640x64xf32, #tpu.memory_space<vmem_shared>>) target_semaphore(%run_scoped3A : memref<!tpu.dma_semaphore, #tpu.memory_space<semaphore_mem>>)
      %dma_wait3A_65 = arith.constant 0 : i32
      %dma_wait3A_66 = tpu.memref_slice %arg10[%mul3A_21, %dma_wait3A_65] : memref<10240x64xf32, #tpu.memory_space<vmem_shared>> -> memref<640x64xf32, #tpu.memory_space<vmem_shared>>
      %dma_wait3A_67 = arith.constant 0 : i32
      %dma_wait3A_68 = tpu.memref_slice %arg3[%mul3A_19, %dma_wait3A_67] : memref<10240x64xf32, #tpu.memory_space<hbm>> -> memref<640x64xf32, #tpu.memory_space<hbm>>
      tpu.wait_dma2 semaphore(%run_scoped3A : memref<!tpu.dma_semaphore, #tpu.memory_space<semaphore_mem>>) src(%dma_wait3A_68 : memref<640x64xf32, #tpu.memory_space<hbm>>) dst(%dma_wait3A_66 : memref<640x64xf32, #tpu.memory_space<vmem_shared>>)
      tpu.yield
    }) : () -> ()
    %mul3A_22 = arith.constant 640 : i32
    %mul3A_23 = arith.muli %arg1, %mul3A_22 : i32
    %mul3A_24 = arith.constant 640 : i32
    %mul3A_25 = arith.muli %arg1, %mul3A_24 : i32
    "tpu.region"() ({
      %run_scoped3A = tpu.sem_alloc : memref<!tpu.dma_semaphore, #tpu.memory_space<semaphore_mem>>
      %dma_start3A_61 = arith.constant 0 : i32
      %dma_start3A_62 = tpu.memref_slice %arg9[%mul3A_25, %dma_start3A_61] : memref<10240x64xf32, #tpu.memory_space<vmem_shared>> -> memref<640x64xf32, #tpu.memory_space<vmem_shared>>
      %dma_start3A_63 = arith.constant 0 : i32
      %dma_start3A_64 = tpu.memref_slice %arg4[%mul3A_23, %dma_start3A_63] : memref<10240x64xf32, #tpu.memory_space<hbm>> -> memref<640x64xf32, #tpu.memory_space<hbm>>
      tpu.enqueue_dma source(%dma_start3A_64 : memref<640x64xf32, #tpu.memory_space<hbm>>) target(%dma_start3A_62 : memref<640x64xf32, #tpu.memory_space<vmem_shared>>) target_semaphore(%run_scoped3A : memref<!tpu.dma_semaphore, #tpu.memory_space<semaphore_mem>>)
      %dma_wait3A_65 = arith.constant 0 : i32
      %dma_wait3A_66 = tpu.memref_slice %arg9[%mul3A_25, %dma_wait3A_65] : memref<10240x64xf32, #tpu.memory_space<vmem_shared>> -> memref<640x64xf32, #tpu.memory_space<vmem_shared>>
      %dma_wait3A_67 = arith.constant 0 : i32
      %dma_wait3A_68 = tpu.memref_slice %arg4[%mul3A_23, %dma_wait3A_67] : memref<10240x64xf32, #tpu.memory_space<hbm>> -> memref<640x64xf32, #tpu.memory_space<hbm>>
      tpu.wait_dma2 semaphore(%run_scoped3A : memref<!tpu.dma_semaphore, #tpu.memory_space<semaphore_mem>>) src(%dma_wait3A_68 : memref<640x64xf32, #tpu.memory_space<hbm>>) dst(%dma_wait3A_66 : memref<640x64xf32, #tpu.memory_space<vmem_shared>>)
      tpu.yield
    }) : () -> ()
    %dma_wait3A = arith.constant 0 : i32
    %dma_wait3A_26 = arith.constant 0 : i32
    %dma_wait3A_27 = tpu.memref_slice %arg2[%dma_wait3A, %mul3A_2, %dma_wait3A_26] : memref<2x4000x80xi32, #tpu.memory_space<hbm>> -> memref<1x125x80xi32, #tpu.memory_space<hbm>>
    %dma_wait3A_28 = tpu.memref_squeeze %dma_wait3A_27 : memref<1x125x80xi32, #tpu.memory_space<hbm>> -> memref<125x80xi32, #tpu.memory_space<hbm>>
    %dma_wait3A_29 = arith.constant 0 : i32
    %dma_wait3A_30 = tpu.memref_slice %arg2[%dma_wait3A, %mul3A_2, %dma_wait3A_29] : memref<2x4000x80xi32, #tpu.memory_space<hbm>> -> memref<1x125x80xi32, #tpu.memory_space<hbm>>
    %dma_wait3A_31 = tpu.memref_squeeze %dma_wait3A_30 : memref<1x125x80xi32, #tpu.memory_space<hbm>> -> memref<125x80xi32, #tpu.memory_space<hbm>>
    tpu.wait_dma2 semaphore(%arg12 : memref<!tpu.dma_semaphore, #tpu.memory_space<semaphore_mem>>) src(%dma_wait3A_31 : memref<125x80xi32, #tpu.memory_space<hbm>>) dst(%arg6 : memref<125x80xi32, #tpu.memory_space<vmem>>)
    %dma_wait3A_32 = arith.constant 1 : i32
    %dma_wait3A_33 = arith.constant 0 : i32
    %dma_wait3A_34 = tpu.memref_slice %arg2[%dma_wait3A_32, %mul3A_10, %dma_wait3A_33] : memref<2x4000x80xi32, #tpu.memory_space<hbm>> -> memref<1x125x80xi32, #tpu.memory_space<hbm>>
    %dma_wait3A_35 = tpu.memref_squeeze %dma_wait3A_34 : memref<1x125x80xi32, #tpu.memory_space<hbm>> -> memref<125x80xi32, #tpu.memory_space<hbm>>
    %dma_wait3A_36 = arith.constant 0 : i32
    %dma_wait3A_37 = tpu.memref_slice %arg2[%dma_wait3A_32, %mul3A_10, %dma_wait3A_36] : memref<2x4000x80xi32, #tpu.memory_space<hbm>> -> memref<1x125x80xi32, #tpu.memory_space<hbm>>
    %dma_wait3A_38 = tpu.memref_squeeze %dma_wait3A_37 : memref<1x125x80xi32, #tpu.memory_space<hbm>> -> memref<125x80xi32, #tpu.memory_space<hbm>>
    tpu.wait_dma2 semaphore(%arg12 : memref<!tpu.dma_semaphore, #tpu.memory_space<semaphore_mem>>) src(%dma_wait3A_38 : memref<125x80xi32, #tpu.memory_space<hbm>>) dst(%arg7 : memref<125x80xi32, #tpu.memory_space<vmem>>)
    %barrier3A = arith.constant 0 : index
    tpu.barrier barrier_id(%barrier3A)
    %dma_start3A_39 = arith.constant 0 : i32
    %dma_start3A_40 = arith.constant 0 : i32
    %dma_start3A_41 = arith.constant 0 : i32
    %dma_start3A_42 = arith.constant 0 : i32
    %dma_start3A_43 = tpu.memref_slice %arg8[%dma_start3A_40, %dma_start3A_41, %dma_start3A_42] : memref<2x80x64xf32, #tpu.memory_space<vmem>> -> memref<1x80x64xf32, #tpu.memory_space<vmem>>
    %dma_start3A_44 = tpu.memref_squeeze %dma_start3A_43 : memref<1x80x64xf32, #tpu.memory_space<vmem>> -> memref<80x64xf32, #tpu.memory_space<vmem>>
    %dma_start3A_45 = arith.constant 0 : i32
    %dma_start3A_46 = tpu.memref_slice %arg6[%dma_start3A_39, %dma_start3A_45] : memref<125x80xi32, #tpu.memory_space<vmem>> -> memref<1x80xi32, #tpu.memory_space<vmem>>
    %dma_start3A_47 = tpu.memref_squeeze %dma_start3A_46 : memref<1x80xi32, #tpu.memory_space<vmem>> -> memref<80xi32, #tpu.memory_space<vmem>>
    %dma_start3A_48 = arith.constant 0 : i32
    %dma_start3A_49 = arith.constant 0 : i32
    %dma_start3A_50 = tpu.memref_slice %arg10[%dma_start3A_48, %dma_start3A_49] : memref<10240x64xf32, #tpu.memory_space<vmem_shared>> -> memref<10240x64xf32, #tpu.memory_space<vmem_shared>>
    tpu.enqueue_indirect_dma source(%dma_start3A_50 : memref<10240x64xf32, #tpu.memory_space<vmem_shared>>) target(%dma_start3A_44 : memref<80x64xf32, #tpu.memory_space<vmem>>) offsets(%dma_start3A_47 : memref<80xi32, #tpu.memory_space<vmem>>) semaphore(%arg11 : memref<!tpu.dma_semaphore, #tpu.memory_space<semaphore_mem>>)
    %scan3A = arith.constant 0 : i32
    %scan3A_51 = arith.constant 0 : i32
    %scan3A_52 = arith.constant 125 : i32
    %scan3A_53 = arith.addi %scan3A_51, %scan3A_52 : i32
    %scan3A_54 = arith.constant 1 : i32
    scf.for %scan3A_61 = %scan3A_51 to %scan3A_53 step %scan3A_54  : i32 {
      %rem3A = arith.constant 2 : i32
      %rem3A_62 = arith.remsi %scan3A_61, %rem3A : i32
      %add3A_63 = arith.constant 1 : i32
      %add3A_64 = arith.addi %scan3A_61, %add3A_63 : i32
      %lt3A = arith.constant 125 : i32
      %lt3A_65 = arith.cmpi slt, %add3A_64, %lt3A : i32
      %convert_element_type3A = arith.extui %lt3A_65 : i1 to i32
      %cond3A = arith.constant 0 : i32
      %cond3A_66 = arith.cmpi ne, %convert_element_type3A, %cond3A : i32
      scf.if %cond3A_66 {
        %add3A_79 = arith.constant 1 : i32
        %add3A_80 = arith.addi %scan3A_61, %add3A_79 : i32
        %sub3A = arith.constant 1 : i32
        %sub3A_81 = arith.subi %sub3A, %rem3A_62 : i32
        %dma_start3A_82 = arith.constant 0 : i32
        %dma_start3A_83 = arith.constant 0 : i32
        %dma_start3A_84 = tpu.memref_slice %arg8[%sub3A_81, %dma_start3A_82, %dma_start3A_83] : memref<2x80x64xf32, #tpu.memory_space<vmem>> -> memref<1x80x64xf32, #tpu.memory_space<vmem>>
        %dma_start3A_85 = tpu.memref_squeeze %dma_start3A_84 : memref<1x80x64xf32, #tpu.memory_space<vmem>> -> memref<80x64xf32, #tpu.memory_space<vmem>>
        %dma_start3A_86 = arith.constant 0 : i32
        %dma_start3A_87 = tpu.memref_slice %arg6[%add3A_80, %dma_start3A_86] : memref<125x80xi32, #tpu.memory_space<vmem>> -> memref<1x80xi32, #tpu.memory_space<vmem>>
        %dma_start3A_88 = tpu.memref_squeeze %dma_start3A_87 : memref<1x80xi32, #tpu.memory_space<vmem>> -> memref<80xi32, #tpu.memory_space<vmem>>
        %dma_start3A_89 = arith.constant 0 : i32
        %dma_start3A_90 = arith.constant 0 : i32
        %dma_start3A_91 = tpu.memref_slice %arg10[%dma_start3A_89, %dma_start3A_90] : memref<10240x64xf32, #tpu.memory_space<vmem_shared>> -> memref<10240x64xf32, #tpu.memory_space<vmem_shared>>
        tpu.enqueue_indirect_dma source(%dma_start3A_91 : memref<10240x64xf32, #tpu.memory_space<vmem_shared>>) target(%dma_start3A_85 : memref<80x64xf32, #tpu.memory_space<vmem>>) offsets(%dma_start3A_88 : memref<80xi32, #tpu.memory_space<vmem>>) semaphore(%arg11 : memref<!tpu.dma_semaphore, #tpu.memory_space<semaphore_mem>>)
      } else {
      }
      %dma_wait3A_67 = arith.constant 0 : i32
      %dma_wait3A_68 = arith.constant 0 : i32
      %dma_wait3A_69 = arith.constant 0 : i32
      %dma_wait3A_70 = arith.constant 0 : i32
      %dma_wait3A_71 = tpu.memref_slice %arg8[%dma_wait3A_68, %dma_wait3A_69, %dma_wait3A_70] : memref<2x80x64xf32, #tpu.memory_space<vmem>> -> memref<1x80x64xf32, #tpu.memory_space<vmem>>
      %dma_wait3A_72 = tpu.memref_squeeze %dma_wait3A_71 : memref<1x80x64xf32, #tpu.memory_space<vmem>> -> memref<80x64xf32, #tpu.memory_space<vmem>>
      %dma_wait3A_73 = arith.constant 0 : i32
      %dma_wait3A_74 = tpu.memref_slice %arg6[%dma_wait3A_67, %dma_wait3A_73] : memref<125x80xi32, #tpu.memory_space<vmem>> -> memref<1x80xi32, #tpu.memory_space<vmem>>
      %dma_wait3A_75 = tpu.memref_squeeze %dma_wait3A_74 : memref<1x80xi32, #tpu.memory_space<vmem>> -> memref<80xi32, #tpu.memory_space<vmem>>
      %dma_wait3A_76 = arith.constant 0 : i32
      %dma_wait3A_77 = arith.constant 0 : i32
      %dma_wait3A_78 = tpu.memref_slice %arg10[%dma_wait3A_76, %dma_wait3A_77] : memref<10240x64xf32, #tpu.memory_space<vmem_shared>> -> memref<10240x64xf32, #tpu.memory_space<vmem_shared>>
      tpu.wait_indirect_dma semaphore(%arg11 : memref<!tpu.dma_semaphore, #tpu.memory_space<semaphore_mem>>) src(%dma_wait3A_78 : memref<10240x64xf32, #tpu.memory_space<vmem_shared>>) dst(%dma_wait3A_72 : memref<80x64xf32, #tpu.memory_space<vmem>>)
      "tpu.region"() ({
        %run_scoped3A = tpu.sem_alloc : memref<!tpu.dma_semaphore, #tpu.memory_space<semaphore_mem>>
        %dma_start3A_79 = arith.constant 0 : i32
        %dma_start3A_80 = arith.constant 0 : i32
        %dma_start3A_81 = tpu.memref_slice %arg8[%rem3A_62, %dma_start3A_79, %dma_start3A_80] : memref<2x80x64xf32, #tpu.memory_space<vmem>> -> memref<1x80x64xf32, #tpu.memory_space<vmem>>
        %dma_start3A_82 = tpu.memref_squeeze %dma_start3A_81 : memref<1x80x64xf32, #tpu.memory_space<vmem>> -> memref<80x64xf32, #tpu.memory_space<vmem>>
        %dma_start3A_83 = arith.constant 0 : i32
        %dma_start3A_84 = tpu.memref_slice %arg7[%scan3A_61, %dma_start3A_83] : memref<125x80xi32, #tpu.memory_space<vmem>> -> memref<1x80xi32, #tpu.memory_space<vmem>>
        %dma_start3A_85 = tpu.memref_squeeze %dma_start3A_84 : memref<1x80xi32, #tpu.memory_space<vmem>> -> memref<80xi32, #tpu.memory_space<vmem>>
        %dma_start3A_86 = arith.constant 0 : i32
        %dma_start3A_87 = arith.constant 0 : i32
        %dma_start3A_88 = tpu.memref_slice %arg9[%dma_start3A_86, %dma_start3A_87] : memref<10240x64xf32, #tpu.memory_space<vmem_shared>> -> memref<10240x64xf32, #tpu.memory_space<vmem_shared>>
        tpu.enqueue_indirect_dma source(%dma_start3A_82 : memref<80x64xf32, #tpu.memory_space<vmem>>) target(%dma_start3A_88 : memref<10240x64xf32, #tpu.memory_space<vmem_shared>>) offsets(%dma_start3A_85 : memref<80xi32, #tpu.memory_space<vmem>>) semaphore(%run_scoped3A : memref<!tpu.dma_semaphore, #tpu.memory_space<semaphore_mem>>) {add = true}
        %dma_wait3A_89 = arith.constant 0 : i32
        %dma_wait3A_90 = arith.constant 0 : i32
        %dma_wait3A_91 = tpu.memref_slice %arg8[%rem3A_62, %dma_wait3A_89, %dma_wait3A_90] : memref<2x80x64xf32, #tpu.memory_space<vmem>> -> memref<1x80x64xf32, #tpu.memory_space<vmem>>
        %dma_wait3A_92 = tpu.memref_squeeze %dma_wait3A_91 : memref<1x80x64xf32, #tpu.memory_space<vmem>> -> memref<80x64xf32, #tpu.memory_space<vmem>>
        %dma_wait3A_93 = arith.constant 0 : i32
        %dma_wait3A_94 = tpu.memref_slice %arg7[%scan3A_61, %dma_wait3A_93] : memref<125x80xi32, #tpu.memory_space<vmem>> -> memref<1x80xi32, #tpu.memory_space<vmem>>
        %dma_wait3A_95 = tpu.memref_squeeze %dma_wait3A_94 : memref<1x80xi32, #tpu.memory_space<vmem>> -> memref<80xi32, #tpu.memory_space<vmem>>
        %dma_wait3A_96 = arith.constant 0 : i32
        %dma_wait3A_97 = arith.constant 0 : i32
        %dma_wait3A_98 = tpu.memref_slice %arg9[%dma_wait3A_96, %dma_wait3A_97] : memref<10240x64xf32, #tpu.memory_space<vmem_shared>> -> memref<10240x64xf32, #tpu.memory_space<vmem_shared>>
        tpu.wait_indirect_dma semaphore(%run_scoped3A : memref<!tpu.dma_semaphore, #tpu.memory_space<semaphore_mem>>) src(%dma_wait3A_92 : memref<80x64xf32, #tpu.memory_space<vmem>>) dst(%dma_wait3A_98 : memref<10240x64xf32, #tpu.memory_space<vmem_shared>>)
        tpu.yield
      }) : () -> ()
    }
    %scan3A_55 = arith.constant 125 : i32
    %barrier3A_56 = arith.constant 0 : index
    tpu.barrier barrier_id(%barrier3A_56)
    %mul3A_57 = arith.constant 640 : i32
    %mul3A_58 = arith.muli %arg1, %mul3A_57 : i32
    %mul3A_59 = arith.constant 640 : i32
    %mul3A_60 = arith.muli %arg1, %mul3A_59 : i32
    "tpu.region"() ({
      %run_scoped3A = tpu.sem_alloc : memref<!tpu.dma_semaphore, #tpu.memory_space<semaphore_mem>>
      %dma_start3A_61 = arith.constant 0 : i32
      %dma_start3A_62 = tpu.memref_slice %arg5[%arg0, %mul3A_60, %dma_start3A_61] : memref<2x10240x64xf32, #tpu.memory_space<hbm>> -> memref<1x640x64xf32, #tpu.memory_space<hbm>>
      %dma_start3A_63 = tpu.memref_squeeze %dma_start3A_62 : memref<1x640x64xf32, #tpu.memory_space<hbm>> -> memref<640x64xf32, #tpu.memory_space<hbm>>
      %dma_start3A_64 = arith.constant 0 : i32
      %dma_start3A_65 = tpu.memref_slice %arg9[%mul3A_58, %dma_start3A_64] : memref<10240x64xf32, #tpu.memory_space<vmem_shared>> -> memref<640x64xf32, #tpu.memory_space<vmem_shared>>
      tpu.enqueue_dma source(%dma_start3A_65 : memref<640x64xf32, #tpu.memory_space<vmem_shared>>) target(%dma_start3A_63 : memref<640x64xf32, #tpu.memory_space<hbm>>) target_semaphore(%run_scoped3A : memref<!tpu.dma_semaphore, #tpu.memory_space<semaphore_mem>>)
      %dma_wait3A_66 = arith.constant 0 : i32
      %dma_wait3A_67 = tpu.memref_slice %arg5[%arg0, %mul3A_60, %dma_wait3A_66] : memref<2x10240x64xf32, #tpu.memory_space<hbm>> -> memref<1x640x64xf32, #tpu.memory_space<hbm>>
      %dma_wait3A_68 = tpu.memref_squeeze %dma_wait3A_67 : memref<1x640x64xf32, #tpu.memory_space<hbm>> -> memref<640x64xf32, #tpu.memory_space<hbm>>
      %dma_wait3A_69 = arith.constant 0 : i32
      %dma_wait3A_70 = tpu.memref_slice %arg9[%mul3A_58, %dma_wait3A_69] : memref<10240x64xf32, #tpu.memory_space<vmem_shared>> -> memref<640x64xf32, #tpu.memory_space<vmem_shared>>
      tpu.wait_dma2 semaphore(%run_scoped3A : memref<!tpu.dma_semaphore, #tpu.memory_space<semaphore_mem>>) src(%dma_wait3A_70 : memref<640x64xf32, #tpu.memory_space<vmem_shared>>) dst(%dma_wait3A_68 : memref<640x64xf32, #tpu.memory_space<hbm>>)
      tpu.yield
    }) : () -> ()
    return
  }
}

#map = affine_map<(d0, d1) -> (0, 0, 0)>
#map1 = affine_map<(d0, d1) -> (0, 0)>
module attributes {stable_mosaic.version = 14 : i64} {
  func.func @body(%arg0: i32, %arg1: i32, %arg2: memref<2x4000x80xi32, #tpu.memory_space<hbm>>, %arg3: memref<10240x64xf32, #tpu.memory_space<hbm>>, %arg4: memref<10240x64xf32, #tpu.memory_space<hbm>>, %arg5: memref<2x10240x64xf32, #tpu.memory_space<hbm>>, %arg6: memref<125x80xi32, #tpu.memory_space<vmem>>, %arg7: memref<125x80xi32, #tpu.memory_space<vmem>>, %arg8: memref<2x80x64xf32, #tpu.memory_space<vmem>>, %arg9: memref<10240x64xf32, #tpu.memory_space<vmem_shared>>, %arg10: memref<10240x64xf32, #tpu.memory_space<vmem_shared>>, %arg11: memref<!tpu.dma_semaphore, #tpu.memory_space<semaphore_mem>>, %arg12: memref<!tpu.dma_semaphore, #tpu.memory_space<semaphore_mem>>) attributes {dimension_semantics = [#tpu.dimension_semantics<core_parallel>, #tpu.dimension_semantics<subcore_parallel>], iteration_bounds = array<i64: 2, 16>, scalar_prefetch = 0 : i64, scratch_operands = 7 : i64, tpu.core_type = #tpu.core_type<sc_vector_subcore>, window_params = [{transform_indices = #map}, {transform_indices = #map1}, {transform_indices = #map1}, {transform_indices = #map}]} {
    %mul3A = arith.constant 2 : i32
    %mul3A_0 = arith.muli %arg1, %mul3A : i32
    %add3A = arith.addi %mul3A_0, %arg0 : i32
    %mul3A_1 = arith.constant 125 : i32
    %mul3A_2 = arith.muli %add3A, %mul3A_1 : i32
    %dma_start3A = arith.constant 0 : i32
    %dma_start3A_3 = arith.constant 0 : i32
    %dma_start3A_4 = tpu.memref_slice %arg2[%dma_start3A, %mul3A_2, %dma_start3A_3] : memref<2x4000x80xi32, #tpu.memory_space<hbm>> -> memref<1x125x80xi32, #tpu.memory_space<hbm>>
    %dma_start3A_5 = tpu.memref_squeeze %dma_start3A_4 : memref<1x125x80xi32, #tpu.memory_space<hbm>> -> memref<125x80xi32, #tpu.memory_space<hbm>>
    %dma_start3A_6 = arith.constant 0 : i32
    %dma_start3A_7 = tpu.memref_slice %arg2[%dma_start3A, %mul3A_2, %dma_start3A_6] : memref<2x4000x80xi32, #tpu.memory_space<hbm>> -> memref<1x125x80xi32, #tpu.memory_space<hbm>>
    %dma_start3A_8 = tpu.memref_squeeze %dma_start3A_7 : memref<1x125x80xi32, #tpu.memory_space<hbm>> -> memref<125x80xi32, #tpu.memory_space<hbm>>
    tpu.enqueue_dma source(%dma_start3A_8 : memref<125x80xi32, #tpu.memory_space<hbm>>) target(%arg6 : memref<125x80xi32, #tpu.memory_space<vmem>>) target_semaphore(%arg12 : memref<!tpu.dma_semaphore, #tpu.memory_space<semaphore_mem>>)
    %mul3A_9 = arith.constant 125 : i32
    %mul3A_10 = arith.muli %add3A, %mul3A_9 : i32
    %dma_start3A_11 = arith.constant 1 : i32
    %dma_start3A_12 = arith.constant 0 : i32
    %dma_start3A_13 = tpu.memref_slice %arg2[%dma_start3A_11, %mul3A_10, %dma_start3A_12] : memref<2x4000x80xi32, #tpu.memory_space<hbm>> -> memref<1x125x80xi32, #tpu.memory_space<hbm>>
    %dma_start3A_14 = tpu.memref_squeeze %dma_start3A_13 : memref<1x125x80xi32, #tpu.memory_space<hbm>> -> memref<125x80xi32, #tpu.memory_space<hbm>>
    %dma_start3A_15 = arith.constant 0 : i32
    %dma_start3A_16 = tpu.memref_slice %arg2[%dma_start3A_11, %mul3A_10, %dma_start3A_15] : memref<2x4000x80xi32, #tpu.memory_space<hbm>> -> memref<1x125x80xi32, #tpu.memory_space<hbm>>
    %dma_start3A_17 = tpu.memref_squeeze %dma_start3A_16 : memref<1x125x80xi32, #tpu.memory_space<hbm>> -> memref<125x80xi32, #tpu.memory_space<hbm>>
    tpu.enqueue_dma source(%dma_start3A_17 : memref<125x80xi32, #tpu.memory_space<hbm>>) target(%arg7 : memref<125x80xi32, #tpu.memory_space<vmem>>) target_semaphore(%arg12 : memref<!tpu.dma_semaphore, #tpu.memory_space<semaphore_mem>>)
    %mul3A_18 = arith.constant 640 : i32
    %mul3A_19 = arith.muli %arg1, %mul3A_18 : i32
    %mul3A_20 = arith.constant 640 : i32
    %mul3A_21 = arith.muli %arg1, %mul3A_20 : i32
    "tpu.region"() ({
      %run_scoped3A = tpu.sem_alloc : memref<!tpu.dma_semaphore, #tpu.memory_space<semaphore_mem>>
      %dma_start3A_61 = arith.constant 0 : i32
      %dma_start3A_62 = tpu.memref_slice %arg10[%mul3A_21, %dma_start3A_61] : memref<10240x64xf32, #tpu.memory_space<vmem_shared>> -> memref<640x64xf32, #tpu.memory_space<vmem_shared>>
      %dma_start3A_63 = arith.constant 0 : i32
      %dma_start3A_64 = tpu.memref_slice %arg3[%mul3A_19, %dma_start3A_63] : memref<10240x64xf32, #tpu.memory_space<hbm>> -> memref<640x64xf32, #tpu.memory_space<hbm>>
      tpu.enqueue_dma source(%dma_start3A_64 : memref<640x64xf32, #tpu.memory_space<hbm>>) target(%dma_start3A_62 : memref<640x64xf32, #tpu.memory_space<vmem_shared>>) target_semaphore(%run_scoped3A : memref<!tpu.dma_semaphore, #tpu.memory_space<semaphore_mem>>)
      %dma_wait3A_65 = arith.constant 0 : i32
      %dma_wait3A_66 = tpu.memref_slice %arg10[%mul3A_21, %dma_wait3A_65] : memref<10240x64xf32, #tpu.memory_space<vmem_shared>> -> memref<640x64xf32, #tpu.memory_space<vmem_shared>>
      %dma_wait3A_67 = arith.constant 0 : i32
      %dma_wait3A_68 = tpu.memref_slice %arg3[%mul3A_19, %dma_wait3A_67] : memref<10240x64xf32, #tpu.memory_space<hbm>> -> memref<640x64xf32, #tpu.memory_space<hbm>>
      tpu.wait_dma2 semaphore(%run_scoped3A : memref<!tpu.dma_semaphore, #tpu.memory_space<semaphore_mem>>) src(%dma_wait3A_68 : memref<640x64xf32, #tpu.memory_space<hbm>>) dst(%dma_wait3A_66 : memref<640x64xf32, #tpu.memory_space<vmem_shared>>)
      tpu.yield
    }) : () -> ()
    %mul3A_22 = arith.constant 640 : i32
    %mul3A_23 = arith.muli %arg1, %mul3A_22 : i32
    %mul3A_24 = arith.constant 640 : i32
    %mul3A_25 = arith.muli %arg1, %mul3A_24 : i32
    "tpu.region"() ({
      %run_scoped3A = tpu.sem_alloc : memref<!tpu.dma_semaphore, #tpu.memory_space<semaphore_mem>>
      %dma_start3A_61 = arith.constant 0 : i32
      %dma_start3A_62 = tpu.memref_slice %arg9[%mul3A_25, %dma_start3A_61] : memref<10240x64xf32, #tpu.memory_space<vmem_shared>> -> memref<640x64xf32, #tpu.memory_space<vmem_shared>>
      %dma_start3A_63 = arith.constant 0 : i32
      %dma_start3A_64 = tpu.memref_slice %arg4[%mul3A_23, %dma_start3A_63] : memref<10240x64xf32, #tpu.memory_space<hbm>> -> memref<640x64xf32, #tpu.memory_space<hbm>>
      tpu.enqueue_dma source(%dma_start3A_64 : memref<640x64xf32, #tpu.memory_space<hbm>>) target(%dma_start3A_62 : memref<640x64xf32, #tpu.memory_space<vmem_shared>>) target_semaphore(%run_scoped3A : memref<!tpu.dma_semaphore, #tpu.memory_space<semaphore_mem>>)
      %dma_wait3A_65 = arith.constant 0 : i32
      %dma_wait3A_66 = tpu.memref_slice %arg9[%mul3A_25, %dma_wait3A_65] : memref<10240x64xf32, #tpu.memory_space<vmem_shared>> -> memref<640x64xf32, #tpu.memory_space<vmem_shared>>
      %dma_wait3A_67 = arith.constant 0 : i32
      %dma_wait3A_68 = tpu.memref_slice %arg4[%mul3A_23, %dma_wait3A_67] : memref<10240x64xf32, #tpu.memory_space<hbm>> -> memref<640x64xf32, #tpu.memory_space<hbm>>
      tpu.wait_dma2 semaphore(%run_scoped3A : memref<!tpu.dma_semaphore, #tpu.memory_space<semaphore_mem>>) src(%dma_wait3A_68 : memref<640x64xf32, #tpu.memory_space<hbm>>) dst(%dma_wait3A_66 : memref<640x64xf32, #tpu.memory_space<vmem_shared>>)
      tpu.yield
    }) : () -> ()
    %dma_wait3A = arith.constant 0 : i32
    %dma_wait3A_26 = arith.constant 0 : i32
    %dma_wait3A_27 = tpu.memref_slice %arg2[%dma_wait3A, %mul3A_2, %dma_wait3A_26] : memref<2x4000x80xi32, #tpu.memory_space<hbm>> -> memref<1x125x80xi32, #tpu.memory_space<hbm>>
    %dma_wait3A_28 = tpu.memref_squeeze %dma_wait3A_27 : memref<1x125x80xi32, #tpu.memory_space<hbm>> -> memref<125x80xi32, #tpu.memory_space<hbm>>
    %dma_wait3A_29 = arith.constant 0 : i32
    %dma_wait3A_30 = tpu.memref_slice %arg2[%dma_wait3A, %mul3A_2, %dma_wait3A_29] : memref<2x4000x80xi32, #tpu.memory_space<hbm>> -> memref<1x125x80xi32, #tpu.memory_space<hbm>>
    %dma_wait3A_31 = tpu.memref_squeeze %dma_wait3A_30 : memref<1x125x80xi32, #tpu.memory_space<hbm>> -> memref<125x80xi32, #tpu.memory_space<hbm>>
    tpu.wait_dma2 semaphore(%arg12 : memref<!tpu.dma_semaphore, #tpu.memory_space<semaphore_mem>>) src(%dma_wait3A_31 : memref<125x80xi32, #tpu.memory_space<hbm>>) dst(%arg6 : memref<125x80xi32, #tpu.memory_space<vmem>>)
    %dma_wait3A_32 = arith.constant 1 : i32
    %dma_wait3A_33 = arith.constant 0 : i32
    %dma_wait3A_34 = tpu.memref_slice %arg2[%dma_wait3A_32, %mul3A_10, %dma_wait3A_33] : memref<2x4000x80xi32, #tpu.memory_space<hbm>> -> memref<1x125x80xi32, #tpu.memory_space<hbm>>
    %dma_wait3A_35 = tpu.memref_squeeze %dma_wait3A_34 : memref<1x125x80xi32, #tpu.memory_space<hbm>> -> memref<125x80xi32, #tpu.memory_space<hbm>>
    %dma_wait3A_36 = arith.constant 0 : i32
    %dma_wait3A_37 = tpu.memref_slice %arg2[%dma_wait3A_32, %mul3A_10, %dma_wait3A_36] : memref<2x4000x80xi32, #tpu.memory_space<hbm>> -> memref<1x125x80xi32, #tpu.memory_space<hbm>>
    %dma_wait3A_38 = tpu.memref_squeeze %dma_wait3A_37 : memref<1x125x80xi32, #tpu.memory_space<hbm>> -> memref<125x80xi32, #tpu.memory_space<hbm>>
    tpu.wait_dma2 semaphore(%arg12 : memref<!tpu.dma_semaphore, #tpu.memory_space<semaphore_mem>>) src(%dma_wait3A_38 : memref<125x80xi32, #tpu.memory_space<hbm>>) dst(%arg7 : memref<125x80xi32, #tpu.memory_space<vmem>>)
    %barrier3A = arith.constant 0 : index
    tpu.barrier barrier_id(%barrier3A)
    %dma_start3A_39 = arith.constant 0 : i32
    %dma_start3A_40 = arith.constant 0 : i32
    %dma_start3A_41 = arith.constant 0 : i32
    %dma_start3A_42 = arith.constant 0 : i32
    %dma_start3A_43 = tpu.memref_slice %arg8[%dma_start3A_40, %dma_start3A_41, %dma_start3A_42] : memref<2x80x64xf32, #tpu.memory_space<vmem>> -> memref<1x80x64xf32, #tpu.memory_space<vmem>>
    %dma_start3A_44 = tpu.memref_squeeze %dma_start3A_43 : memref<1x80x64xf32, #tpu.memory_space<vmem>> -> memref<80x64xf32, #tpu.memory_space<vmem>>
    %dma_start3A_45 = arith.constant 0 : i32
    %dma_start3A_46 = tpu.memref_slice %arg6[%dma_start3A_39, %dma_start3A_45] : memref<125x80xi32, #tpu.memory_space<vmem>> -> memref<1x80xi32, #tpu.memory_space<vmem>>
    %dma_start3A_47 = tpu.memref_squeeze %dma_start3A_46 : memref<1x80xi32, #tpu.memory_space<vmem>> -> memref<80xi32, #tpu.memory_space<vmem>>
    %dma_start3A_48 = arith.constant 0 : i32
    %dma_start3A_49 = arith.constant 0 : i32
    %dma_start3A_50 = tpu.memref_slice %arg10[%dma_start3A_48, %dma_start3A_49] : memref<10240x64xf32, #tpu.memory_space<vmem_shared>> -> memref<10240x64xf32, #tpu.memory_space<vmem_shared>>
    tpu.enqueue_indirect_dma source(%dma_start3A_50 : memref<10240x64xf32, #tpu.memory_space<vmem_shared>>) target(%dma_start3A_44 : memref<80x64xf32, #tpu.memory_space<vmem>>) offsets(%dma_start3A_47 : memref<80xi32, #tpu.memory_space<vmem>>) semaphore(%arg11 : memref<!tpu.dma_semaphore, #tpu.memory_space<semaphore_mem>>)
    %scan3A = arith.constant 0 : i32
    %scan3A_51 = arith.constant 0 : i32
    %scan3A_52 = arith.constant 125 : i32
    %scan3A_53 = arith.addi %scan3A_51, %scan3A_52 : i32
    %scan3A_54 = arith.constant 1 : i32
    scf.for %scan3A_61 = %scan3A_51 to %scan3A_53 step %scan3A_54  : i32 {
      %rem3A = arith.constant 2 : i32
      %rem3A_62 = arith.remsi %scan3A_61, %rem3A : i32
      %add3A_63 = arith.constant 1 : i32
      %add3A_64 = arith.addi %scan3A_61, %add3A_63 : i32
      %lt3A = arith.constant 125 : i32
      %lt3A_65 = arith.cmpi slt, %add3A_64, %lt3A : i32
      %convert_element_type3A = arith.extui %lt3A_65 : i1 to i32
      %cond3A = arith.constant 0 : i32
      %cond3A_66 = arith.cmpi ne, %convert_element_type3A, %cond3A : i32
      scf.if %cond3A_66 {
        %add3A_79 = arith.constant 1 : i32
        %add3A_80 = arith.addi %scan3A_61, %add3A_79 : i32
        %sub3A = arith.constant 1 : i32
        %sub3A_81 = arith.subi %sub3A, %rem3A_62 : i32
        %dma_start3A_82 = arith.constant 0 : i32
        %dma_start3A_83 = arith.constant 0 : i32
        %dma_start3A_84 = tpu.memref_slice %arg8[%sub3A_81, %dma_start3A_82, %dma_start3A_83] : memref<2x80x64xf32, #tpu.memory_space<vmem>> -> memref<1x80x64xf32, #tpu.memory_space<vmem>>
        %dma_start3A_85 = tpu.memref_squeeze %dma_start3A_84 : memref<1x80x64xf32, #tpu.memory_space<vmem>> -> memref<80x64xf32, #tpu.memory_space<vmem>>
        %dma_start3A_86 = arith.constant 0 : i32
        %dma_start3A_87 = tpu.memref_slice %arg6[%add3A_80, %dma_start3A_86] : memref<125x80xi32, #tpu.memory_space<vmem>> -> memref<1x80xi32, #tpu.memory_space<vmem>>
        %dma_start3A_88 = tpu.memref_squeeze %dma_start3A_87 : memref<1x80xi32, #tpu.memory_space<vmem>> -> memref<80xi32, #tpu.memory_space<vmem>>
        %dma_start3A_89 = arith.constant 0 : i32
        %dma_start3A_90 = arith.constant 0 : i32
        %dma_start3A_91 = tpu.memref_slice %arg10[%dma_start3A_89, %dma_start3A_90] : memref<10240x64xf32, #tpu.memory_space<vmem_shared>> -> memref<10240x64xf32, #tpu.memory_space<vmem_shared>>
        tpu.enqueue_indirect_dma source(%dma_start3A_91 : memref<10240x64xf32, #tpu.memory_space<vmem_shared>>) target(%dma_start3A_85 : memref<80x64xf32, #tpu.memory_space<vmem>>) offsets(%dma_start3A_88 : memref<80xi32, #tpu.memory_space<vmem>>) semaphore(%arg11 : memref<!tpu.dma_semaphore, #tpu.memory_space<semaphore_mem>>)
      } else {
      }
      %dma_wait3A_67 = arith.constant 0 : i32
      %dma_wait3A_68 = arith.constant 0 : i32
      %dma_wait3A_69 = arith.constant 0 : i32
      %dma_wait3A_70 = arith.constant 0 : i32
      %dma_wait3A_71 = tpu.memref_slice %arg8[%dma_wait3A_68, %dma_wait3A_69, %dma_wait3A_70] : memref<2x80x64xf32, #tpu.memory_space<vmem>> -> memref<1x80x64xf32, #tpu.memory_space<vmem>>
      %dma_wait3A_72 = tpu.memref_squeeze %dma_wait3A_71 : memref<1x80x64xf32, #tpu.memory_space<vmem>> -> memref<80x64xf32, #tpu.memory_space<vmem>>
      %dma_wait3A_73 = arith.constant 0 : i32
      %dma_wait3A_74 = tpu.memref_slice %arg6[%dma_wait3A_67, %dma_wait3A_73] : memref<125x80xi32, #tpu.memory_space<vmem>> -> memref<1x80xi32, #tpu.memory_space<vmem>>
      %dma_wait3A_75 = tpu.memref_squeeze %dma_wait3A_74 : memref<1x80xi32, #tpu.memory_space<vmem>> -> memref<80xi32, #tpu.memory_space<vmem>>
      %dma_wait3A_76 = arith.constant 0 : i32
      %dma_wait3A_77 = arith.constant 0 : i32
      %dma_wait3A_78 = tpu.memref_slice %arg10[%dma_wait3A_76, %dma_wait3A_77] : memref<10240x64xf32, #tpu.memory_space<vmem_shared>> -> memref<10240x64xf32, #tpu.memory_space<vmem_shared>>
      tpu.wait_indirect_dma semaphore(%arg11 : memref<!tpu.dma_semaphore, #tpu.memory_space<semaphore_mem>>) src(%dma_wait3A_78 : memref<10240x64xf32, #tpu.memory_space<vmem_shared>>) dst(%dma_wait3A_72 : memref<80x64xf32, #tpu.memory_space<vmem>>)
      "tpu.region"() ({
        %run_scoped3A = tpu.sem_alloc : memref<!tpu.dma_semaphore, #tpu.memory_space<semaphore_mem>>
        %dma_start3A_79 = arith.constant 0 : i32
        %dma_start3A_80 = arith.constant 0 : i32
        %dma_start3A_81 = tpu.memref_slice %arg8[%rem3A_62, %dma_start3A_79, %dma_start3A_80] : memref<2x80x64xf32, #tpu.memory_space<vmem>> -> memref<1x80x64xf32, #tpu.memory_space<vmem>>
        %dma_start3A_82 = tpu.memref_squeeze %dma_start3A_81 : memref<1x80x64xf32, #tpu.memory_space<vmem>> -> memref<80x64xf32, #tpu.memory_space<vmem>>
        %dma_start3A_83 = arith.constant 0 : i32
        %dma_start3A_84 = tpu.memref_slice %arg7[%scan3A_61, %dma_start3A_83] : memref<125x80xi32, #tpu.memory_space<vmem>> -> memref<1x80xi32, #tpu.memory_space<vmem>>
        %dma_start3A_85 = tpu.memref_squeeze %dma_start3A_84 : memref<1x80xi32, #tpu.memory_space<vmem>> -> memref<80xi32, #tpu.memory_space<vmem>>
        %dma_start3A_86 = arith.constant 0 : i32
        %dma_start3A_87 = arith.constant 0 : i32
        %dma_start3A_88 = tpu.memref_slice %arg9[%dma_start3A_86, %dma_start3A_87] : memref<10240x64xf32, #tpu.memory_space<vmem_shared>> -> memref<10240x64xf32, #tpu.memory_space<vmem_shared>>
        tpu.enqueue_indirect_dma source(%dma_start3A_82 : memref<80x64xf32, #tpu.memory_space<vmem>>) target(%dma_start3A_88 : memref<10240x64xf32, #tpu.memory_space<vmem_shared>>) offsets(%dma_start3A_85 : memref<80xi32, #tpu.memory_space<vmem>>) semaphore(%run_scoped3A : memref<!tpu.dma_semaphore, #tpu.memory_space<semaphore_mem>>) {add = true}
        %dma_wait3A_89 = arith.constant 0 : i32
        %dma_wait3A_90 = arith.constant 0 : i32
        %dma_wait3A_91 = tpu.memref_slice %arg8[%rem3A_62, %dma_wait3A_89, %dma_wait3A_90] : memref<2x80x64xf32, #tpu.memory_space<vmem>> -> memref<1x80x64xf32, #tpu.memory_space<vmem>>
        %dma_wait3A_92 = tpu.memref_squeeze %dma_wait3A_91 : memref<1x80x64xf32, #tpu.memory_space<vmem>> -> memref<80x64xf32, #tpu.memory_space<vmem>>
        %dma_wait3A_93 = arith.constant 0 : i32
        %dma_wait3A_94 = tpu.memref_slice %arg7[%scan3A_61, %dma_wait3A_93] : memref<125x80xi32, #tpu.memory_space<vmem>> -> memref<1x80xi32, #tpu.memory_space<vmem>>
        %dma_wait3A_95 = tpu.memref_squeeze %dma_wait3A_94 : memref<1x80xi32, #tpu.memory_space<vmem>> -> memref<80xi32, #tpu.memory_space<vmem>>
        %dma_wait3A_96 = arith.constant 0 : i32
        %dma_wait3A_97 = arith.constant 0 : i32
        %dma_wait3A_98 = tpu.memref_slice %arg9[%dma_wait3A_96, %dma_wait3A_97] : memref<10240x64xf32, #tpu.memory_space<vmem_shared>> -> memref<10240x64xf32, #tpu.memory_space<vmem_shared>>
        tpu.wait_indirect_dma semaphore(%run_scoped3A : memref<!tpu.dma_semaphore, #tpu.memory_space<semaphore_mem>>) src(%dma_wait3A_92 : memref<80x64xf32, #tpu.memory_space<vmem>>) dst(%dma_wait3A_98 : memref<10240x64xf32, #tpu.memory_space<vmem_shared>>)
        tpu.yield
      }) : () -> ()
    }
    %scan3A_55 = arith.constant 125 : i32
    %barrier3A_56 = arith.constant 0 : index
    tpu.barrier barrier_id(%barrier3A_56)
    %mul3A_57 = arith.constant 640 : i32
    %mul3A_58 = arith.muli %arg1, %mul3A_57 : i32
    %mul3A_59 = arith.constant 640 : i32
    %mul3A_60 = arith.muli %arg1, %mul3A_59 : i32
    "tpu.region"() ({
      %run_scoped3A = tpu.sem_alloc : memref<!tpu.dma_semaphore, #tpu.memory_space<semaphore_mem>>
      %dma_start3A_61 = arith.constant 0 : i32
      %dma_start3A_62 = tpu.memref_slice %arg5[%arg0, %mul3A_60, %dma_start3A_61] : memref<2x10240x64xf32, #tpu.memory_space<hbm>> -> memref<1x640x64xf32, #tpu.memory_space<hbm>>
      %dma_start3A_63 = tpu.memref_squeeze %dma_start3A_62 : memref<1x640x64xf32, #tpu.memory_space<hbm>> -> memref<640x64xf32, #tpu.memory_space<hbm>>
      %dma_start3A_64 = arith.constant 0 : i32
      %dma_start3A_65 = tpu.memref_slice %arg9[%mul3A_58, %dma_start3A_64] : memref<10240x64xf32, #tpu.memory_space<vmem_shared>> -> memref<640x64xf32, #tpu.memory_space<vmem_shared>>
      tpu.enqueue_dma source(%dma_start3A_65 : memref<640x64xf32, #tpu.memory_space<vmem_shared>>) target(%dma_start3A_63 : memref<640x64xf32, #tpu.memory_space<hbm>>) target_semaphore(%run_scoped3A : memref<!tpu.dma_semaphore, #tpu.memory_space<semaphore_mem>>)
      %dma_wait3A_66 = arith.constant 0 : i32
      %dma_wait3A_67 = tpu.memref_slice %arg5[%arg0, %mul3A_60, %dma_wait3A_66] : memref<2x10240x64xf32, #tpu.memory_space<hbm>> -> memref<1x640x64xf32, #tpu.memory_space<hbm>>
      %dma_wait3A_68 = tpu.memref_squeeze %dma_wait3A_67 : memref<1x640x64xf32, #tpu.memory_space<hbm>> -> memref<640x64xf32, #tpu.memory_space<hbm>>
      %dma_wait3A_69 = arith.constant 0 : i32
      %dma_wait3A_70 = tpu.memref_slice %arg9[%mul3A_58, %dma_wait3A_69] : memref<10240x64xf32, #tpu.memory_space<vmem_shared>> -> memref<640x64xf32, #tpu.memory_space<vmem_shared>>
      tpu.wait_dma2 semaphore(%run_scoped3A : memref<!tpu.dma_semaphore, #tpu.memory_space<semaphore_mem>>) src(%dma_wait3A_70 : memref<640x64xf32, #tpu.memory_space<vmem_shared>>) dst(%dma_wait3A_68 : memref<640x64xf32, #tpu.memory_space<hbm>>)
      tpu.yield
    }) : () -> ()
    return
  }
}

module attributes {stable_mosaic.version = 14 : i64} {
  func.func @_ab_body(%arg0: i32, %arg1: i32, %arg2: memref<1024x128xf32, #tpu.memory_space<vmem>>, %arg3: memref<128x128xf32, #tpu.memory_space<vmem>>, %arg4: memref<1x128xf32, #tpu.memory_space<vmem>>, %arg5: memref<1x128xf32, #tpu.memory_space<vmem>>, %arg6: memref<1x128xf32, #tpu.memory_space<vmem>>, %arg7: memref<128x64xf32, #tpu.memory_space<vmem>>, %arg8: memref<8x128x64xf32, #tpu.memory_space<vmem>>, %arg9: memref<1024x64xf32, #tpu.memory_space<vmem>>, %arg10: memref<10240x128xf32, #tpu.memory_space<vmem>>, %arg11: memref<2x128xf32, #tpu.memory_space<vmem>>) attributes {dimension_semantics = [#tpu.dimension_semantics<arbitrary>, #tpu.dimension_semantics<arbitrary>], iteration_bounds = array<i64: 2, 10>, scalar_prefetch = 0 : i64, scratch_operands = 2 : i64, tpu.core_type = #tpu.core_type<tc>, window_params = [{transform_indices = @transform_0, window_bounds = array<i64: 1024, 128>}, {pipeline_mode = #tpu.pipeline_mode<synchronous>, transform_indices = @transform_1, window_bounds = array<i64: 128, 128>}, {pipeline_mode = #tpu.pipeline_mode<synchronous>, transform_indices = @transform_2, window_bounds = array<i64: 1, 128>}, {pipeline_mode = #tpu.pipeline_mode<synchronous>, transform_indices = @transform_3, window_bounds = array<i64: 1, 128>}, {pipeline_mode = #tpu.pipeline_mode<synchronous>, transform_indices = @transform_4, window_bounds = array<i64: 1, 128>}, {pipeline_mode = #tpu.pipeline_mode<synchronous>, transform_indices = @transform_5, window_bounds = array<i64: 128, 64>}, {pipeline_mode = #tpu.pipeline_mode<synchronous>, transform_indices = @transform_6, window_bounds = array<i64: 8, 128, 64>}, {transform_indices = @transform_7, window_bounds = array<i64: 1024, 64>}]} {
    %eq3A = arith.constant 0 : i32
    %eq3A_0 = arith.cmpi eq, %arg0, %eq3A : i32
    %convert_element_type3A = arith.extui %eq3A_0 : i1 to i32
    %cond3A = arith.constant 0 : i32
    %cond3A_1 = arith.cmpi ne, %convert_element_type3A, %cond3A : i32
    scf.if %cond3A_1 {
      %get3A = arith.constant 0 : index
      %get3A_7 = arith.constant 0 : index
      %get3A_8 = vector.load %arg2[%get3A, %get3A_7] : memref<1024x128xf32, #tpu.memory_space<vmem>>, vector<1024x128xf32>
      %get3A_9 = arith.constant 0 : index
      %get3A_10 = arith.constant 0 : index
      %get3A_11 = vector.load %arg3[%get3A_9, %get3A_10] : memref<128x128xf32, #tpu.memory_space<vmem>>, vector<128x128xf32>
      %dot_general3A = arith.constant dense<0.000000e+00> : vector<1024x128xf32>
      %dot_general3A_12 = tpu.matmul %get3A_8, %get3A_11, %dot_general3A {dimension_numbers = #tpu.dot_dimension_numbers<[1], [0], [0], [1], [0, 0, 1, 1], [], []>, transpose_lhs_hint = false} : vector<1024x128xf32>, vector<128x128xf32>, vector<1024x128xf32> -> vector<1024x128xf32>
      %get3A_13 = arith.constant 0 : index
      %get3A_14 = arith.constant 0 : index
      %get3A_15 = vector.load %arg4[%get3A_13, %get3A_14] : memref<1x128xf32, #tpu.memory_space<vmem>>, vector<1x128xf32>
      %add3A = vector.broadcast %get3A_15 : vector<1x128xf32> to vector<1024x128xf32>
      %add3A_16 = arith.addf %dot_general3A_12, %add3A : vector<1024x128xf32>
      %mul3A = arith.constant 1024 : i32
      %mul3A_17 = arith.muli %arg1, %mul3A : i32
      %swap3A = arith.index_cast %mul3A_17 : i32 to index
      %swap3A_18 = arith.constant 0 : index
      %swap3A_19 = vector.load %arg10[%swap3A, %swap3A_18] : memref<10240x128xf32, #tpu.memory_space<vmem>>, vector<1024x128xf32>
      tpu.vector_store %arg10[%swap3A, %swap3A_18], %add3A_16 {strides = array<i32>} : memref<10240x128xf32, #tpu.memory_space<vmem>>, vector<1024x128xf32>,
      %mul3A_20 = arith.constant 1024 : i32
      %mul3A_21 = arith.muli %arg1, %mul3A_20 : i32
      %iota3A = tpu.iota {dimensions = array<i32: 0>} : vector<1024x1xi32>
      %add3A_22 = vector.broadcast %mul3A_21 : i32 to vector<1024x1xi32>
      %add3A_23 = arith.addi %add3A_22, %iota3A : vector<1024x1xi32>
      %lt3A = arith.constant 10000 : i32
      %lt3A_24 = vector.broadcast %lt3A : i32 to vector<1024x1xi32>
      %lt3A_25 = arith.cmpi slt, %add3A_23, %lt3A_24 : vector<1024x1xi32>
      %jit3A = arith.constant 0.000000e+00 : f32
      %broadcast_in_dim3A = vector.shape_cast %lt3A_25 : vector<1024x1xi1> to vector<1024x1xi1>
      %broadcast_in_dim3A_26 = vector.broadcast %broadcast_in_dim3A : vector<1024x1xi1> to vector<1024x128xi1>
      %broadcast_in_dim3A_27 = vector.broadcast %jit3A : f32 to vector<1024x128xf32>
      %select_n3A = arith.select %broadcast_in_dim3A_26, %add3A_16, %broadcast_in_dim3A_27 : vector<1024x128xi1>, vector<1024x128xf32>
      %reduce_sum3A = arith.constant dense<0.000000e+00> : vector<128xf32>
      %reduce_sum3A_28 = vector.multi_reduction <add>, %select_n3A, %reduce_sum3A [0] : vector<1024x128xf32> to vector<128xf32>
      %broadcast_in_dim3A_29 = vector.shape_cast %reduce_sum3A_28 : vector<128xf32> to vector<1x128xf32>
      %mul3A_30 = arith.mulf %select_n3A, %select_n3A : vector<1024x128xf32>
      %reduce_sum3A_31 = arith.constant dense<0.000000e+00> : vector<128xf32>
      %reduce_sum3A_32 = vector.multi_reduction <add>, %mul3A_30, %reduce_sum3A_31 [0] : vector<1024x128xf32> to vector<128xf32>
      %broadcast_in_dim3A_33 = vector.shape_cast %reduce_sum3A_32 : vector<128xf32> to vector<1x128xf32>
      %concatenate3A = tpu.concatenate %broadcast_in_dim3A_29, %broadcast_in_dim3A_33 in 0 : vector<1x128xf32>, vector<1x128xf32> -> vector<2x128xf32>
      %eq3A_34 = arith.constant 0 : i32
      %eq3A_35 = arith.cmpi eq, %arg1, %eq3A_34 : i32
      %convert_element_type3A_36 = arith.extui %eq3A_35 : i1 to i32
      %cond3A_37 = arith.constant 0 : i32
      %cond3A_38 = arith.cmpi ne, %convert_element_type3A_36, %cond3A_37 : i32
      scf.if %cond3A_38 {
        %broadcast_in_dim3A_46 = arith.constant 0.000000e+00 : f32
        %broadcast_in_dim3A_47 = vector.broadcast %broadcast_in_dim3A_46 : f32 to vector<2x128xf32>
        %swap3A_48 = arith.constant 0 : index
        %swap3A_49 = arith.constant 0 : index
        %swap3A_50 = vector.load %arg11[%swap3A_48, %swap3A_49] : memref<2x128xf32, #tpu.memory_space<vmem>>, vector<2x128xf32>
        tpu.vector_store %arg11[%swap3A_48, %swap3A_49], %broadcast_in_dim3A_47 {strides = array<i32>} : memref<2x128xf32, #tpu.memory_space<vmem>>, vector<2x128xf32>,
      } else {
      }
      %get3A_39 = arith.constant 0 : index
      %get3A_40 = arith.constant 0 : index
      %get3A_41 = vector.load %arg11[%get3A_39, %get3A_40] : memref<2x128xf32, #tpu.memory_space<vmem>>, vector<2x128xf32>
      %add3A_42 = arith.addf %get3A_41, %concatenate3A : vector<2x128xf32>
      %swap3A_43 = arith.constant 0 : index
      %swap3A_44 = arith.constant 0 : index
      %swap3A_45 = vector.load %arg11[%swap3A_43, %swap3A_44] : memref<2x128xf32, #tpu.memory_space<vmem>>, vector<2x128xf32>
      tpu.vector_store %arg11[%swap3A_43, %swap3A_44], %add3A_42 {strides = array<i32>} : memref<2x128xf32, #tpu.memory_space<vmem>>, vector<2x128xf32>,
    } else {
    }
    %eq3A_2 = arith.constant 1 : i32
    %eq3A_3 = arith.cmpi eq, %arg0, %eq3A_2 : i32
    %convert_element_type3A_4 = arith.extui %eq3A_3 : i1 to i32
    %cond3A_5 = arith.constant 0 : i32
    %cond3A_6 = arith.cmpi ne, %convert_element_type3A_4, %cond3A_5 : i32
    scf.if %cond3A_6 {
      %mul3A = arith.constant 1024 : i32
      %mul3A_7 = arith.muli %arg1, %mul3A : i32
      %get3A = arith.index_cast %mul3A_7 : i32 to index
      %get3A_8 = arith.constant 0 : index
      %get3A_9 = vector.load %arg10[%get3A, %get3A_8] : memref<10240x128xf32, #tpu.memory_space<vmem>>, vector<1024x128xf32>
      %get3A_10 = arith.constant 0 : index
      %get3A_11 = arith.constant 0 : index
      %get3A_12 = vector.load %arg11[%get3A_10, %get3A_11] : memref<2x128xf32, #tpu.memory_space<vmem>>, vector<1x128xf32>
      %mul3A_13 = arith.constant 9.99999974E-5 : f32
      %mul3A_14 = vector.broadcast %mul3A_13 : f32 to vector<1x128xf32>
      %mul3A_15 = arith.mulf %get3A_12, %mul3A_14 : vector<1x128xf32>
      %get3A_16 = arith.constant 1 : index
      %get3A_17 = arith.constant 0 : index
      %get3A_18 = vector.load %arg11[%get3A_16, %get3A_17] : memref<2x128xf32, #tpu.memory_space<vmem>>, vector<1x128xf32>
      %mul3A_19 = arith.constant 9.99999974E-5 : f32
      %mul3A_20 = vector.broadcast %mul3A_19 : f32 to vector<1x128xf32>
      %mul3A_21 = arith.mulf %get3A_18, %mul3A_20 : vector<1x128xf32>
      %mul3A_22 = arith.mulf %mul3A_15, %mul3A_15 : vector<1x128xf32>
      %sub3A = arith.subf %mul3A_21, %mul3A_22 : vector<1x128xf32>
      %get3A_23 = arith.constant 0 : index
      %get3A_24 = arith.constant 0 : index
      %get3A_25 = vector.load %arg5[%get3A_23, %get3A_24] : memref<1x128xf32, #tpu.memory_space<vmem>>, vector<1x128xf32>
      %sub3A_26 = vector.broadcast %mul3A_15 : vector<1x128xf32> to vector<1024x128xf32>
      %sub3A_27 = arith.subf %get3A_9, %sub3A_26 : vector<1024x128xf32>
      %mul3A_28 = vector.broadcast %get3A_25 : vector<1x128xf32> to vector<1024x128xf32>
      %mul3A_29 = arith.mulf %mul3A_28, %sub3A_27 : vector<1024x128xf32>
      %add3A = arith.constant 1.000000e-03 : f32
      %add3A_30 = vector.broadcast %add3A : f32 to vector<1x128xf32>
      %add3A_31 = arith.addf %sub3A, %add3A_30 : vector<1x128xf32>
      %sqrt3A = math.sqrt %add3A_31 : vector<1x128xf32>
      %div3A = vector.broadcast %sqrt3A : vector<1x128xf32> to vector<1024x128xf32>
      %div3A_32 = arith.divf %mul3A_29, %div3A : vector<1024x128xf32>
      %get3A_33 = arith.constant 0 : index
      %get3A_34 = arith.constant 0 : index
      %get3A_35 = vector.load %arg6[%get3A_33, %get3A_34] : memref<1x128xf32, #tpu.memory_space<vmem>>, vector<1x128xf32>
      %add3A_36 = vector.broadcast %get3A_35 : vector<1x128xf32> to vector<1024x128xf32>
      %add3A_37 = arith.addf %div3A_32, %add3A_36 : vector<1024x128xf32>
      %gt3A = arith.constant 0.000000e+00 : f32
      %gt3A_38 = vector.broadcast %gt3A : f32 to vector<1024x128xf32>
      %gt3A_39 = arith.cmpf ogt, %add3A_37, %gt3A_38 : vector<1024x128xf32>
      %min3A = arith.constant 0.000000e+00 : f32
      %min3A_40 = vector.broadcast %min3A : f32 to vector<1024x128xf32>
      %min3A_41 = arith.minimumf %add3A_37, %min3A_40 : vector<1024x128xf32>
      %exp3A = math.exp %min3A_41 : vector<1024x128xf32>
      %sub3A_42 = arith.constant 1.000000e+00 : f32
      %sub3A_43 = vector.broadcast %sub3A_42 : f32 to vector<1024x128xf32>
      %sub3A_44 = arith.subf %exp3A, %sub3A_43 : vector<1024x128xf32>
      %select_n3A = arith.select %gt3A_39, %add3A_37, %sub3A_44 : vector<1024x128xi1>, vector<1024x128xf32>
      %neg3A = arith.constant 0.000000e+00 : f32
      %neg3A_45 = vector.broadcast %neg3A : f32 to vector<1024x128xf32>
      %neg3A_46 = arith.subf %neg3A_45, %select_n3A : vector<1024x128xf32>
      %exp3A_47 = math.exp %neg3A_46 : vector<1024x128xf32>
      %add3A_48 = arith.constant 1.000000e+00 : f32
      %add3A_49 = vector.broadcast %add3A_48 : f32 to vector<1024x128xf32>
      %add3A_50 = arith.addf %add3A_49, %exp3A_47 : vector<1024x128xf32>
      %div3A_51 = arith.divf %select_n3A, %add3A_50 : vector<1024x128xf32>
      %sub3A_52 = arith.constant -2.200000e+00 : f32
      %sub3A_53 = vector.broadcast %sub3A_52 : f32 to vector<1024x128xf32>
      %sub3A_54 = arith.subf %select_n3A, %sub3A_53 : vector<1024x128xf32>
      %mul3A_55 = arith.constant 2.500000e+00 : f32
      %mul3A_56 = vector.broadcast %mul3A_55 : f32 to vector<1024x128xf32>
      %mul3A_57 = arith.mulf %sub3A_54, %mul3A_56 : vector<1024x128xf32>
      %floor3A = math.floor %mul3A_57 : vector<1024x128xf32>
      %sub3A_58 = arith.subf %mul3A_57, %floor3A : vector<1024x128xf32>
      %mul3A_59 = arith.mulf %sub3A_58, %sub3A_58 : vector<1024x128xf32>
      %mul3A_60 = arith.mulf %mul3A_59, %sub3A_58 : vector<1024x128xf32>
      %sub3A_61 = arith.constant 1.000000e+00 : f32
      %sub3A_62 = vector.broadcast %sub3A_61 : f32 to vector<1024x128xf32>
      %sub3A_63 = arith.subf %sub3A_62, %sub3A_58 : vector<1024x128xf32>
      %mul3A_64 = arith.constant 0.166666672 : f32
      %mul3A_65 = vector.broadcast %mul3A_64 : f32 to vector<1024x128xf32>
      %mul3A_66 = arith.mulf %mul3A_60, %mul3A_65 : vector<1024x128xf32>
      %mul3A_67 = arith.constant -3.000000e+00 : f32
      %mul3A_68 = vector.broadcast %mul3A_67 : f32 to vector<1024x128xf32>
      %mul3A_69 = arith.mulf %mul3A_68, %mul3A_60 : vector<1024x128xf32>
      %mul3A_70 = arith.constant 3.000000e+00 : f32
      %mul3A_71 = vector.broadcast %mul3A_70 : f32 to vector<1024x128xf32>
      %mul3A_72 = arith.mulf %mul3A_71, %mul3A_59 : vector<1024x128xf32>
      %add3A_73 = arith.addf %mul3A_69, %mul3A_72 : vector<1024x128xf32>
      %mul3A_74 = arith.constant 3.000000e+00 : f32
      %mul3A_75 = vector.broadcast %mul3A_74 : f32 to vector<1024x128xf32>
      %mul3A_76 = arith.mulf %mul3A_75, %sub3A_58 : vector<1024x128xf32>
      %add3A_77 = arith.addf %add3A_73, %mul3A_76 : vector<1024x128xf32>
      %add3A_78 = arith.constant 1.000000e+00 : f32
      %add3A_79 = vector.broadcast %add3A_78 : f32 to vector<1024x128xf32>
      %add3A_80 = arith.addf %add3A_77, %add3A_79 : vector<1024x128xf32>
      %mul3A_81 = arith.constant 0.166666672 : f32
      %mul3A_82 = vector.broadcast %mul3A_81 : f32 to vector<1024x128xf32>
      %mul3A_83 = arith.mulf %add3A_80, %mul3A_82 : vector<1024x128xf32>
      %mul3A_84 = arith.constant 3.000000e+00 : f32
      %mul3A_85 = vector.broadcast %mul3A_84 : f32 to vector<1024x128xf32>
      %mul3A_86 = arith.mulf %mul3A_85, %mul3A_60 : vector<1024x128xf32>
      %mul3A_87 = arith.constant 6.000000e+00 : f32
      %mul3A_88 = vector.broadcast %mul3A_87 : f32 to vector<1024x128xf32>
      %mul3A_89 = arith.mulf %mul3A_88, %mul3A_59 : vector<1024x128xf32>
      %sub3A_90 = arith.subf %mul3A_86, %mul3A_89 : vector<1024x128xf32>
      %add3A_91 = arith.constant 4.000000e+00 : f32
      %add3A_92 = vector.broadcast %add3A_91 : f32 to vector<1024x128xf32>
      %add3A_93 = arith.addf %sub3A_90, %add3A_92 : vector<1024x128xf32>
      %mul3A_94 = arith.constant 0.166666672 : f32
      %mul3A_95 = vector.broadcast %mul3A_94 : f32 to vector<1024x128xf32>
      %mul3A_96 = arith.mulf %add3A_93, %mul3A_95 : vector<1024x128xf32>
      %mul3A_97 = arith.mulf %sub3A_63, %sub3A_63 : vector<1024x128xf32>
      %mul3A_98 = arith.mulf %mul3A_97, %sub3A_63 : vector<1024x128xf32>
      %mul3A_99 = arith.constant 0.166666672 : f32
      %mul3A_100 = vector.broadcast %mul3A_99 : f32 to vector<1024x128xf32>
      %mul3A_101 = arith.mulf %mul3A_98, %mul3A_100 : vector<1024x128xf32>
      %broadcast_in_dim3A = arith.constant 0.000000e+00 : f32
      %broadcast_in_dim3A_102 = vector.broadcast %broadcast_in_dim3A : f32 to vector<1024x128xf32>
      %eq3A_103 = arith.constant 0.000000e+00 : f32
      %eq3A_104 = vector.broadcast %eq3A_103 : f32 to vector<1024x128xf32>
      %eq3A_105 = arith.cmpf oeq, %floor3A, %eq3A_104 : vector<1024x128xf32>
      %select_n3A_106 = arith.select %eq3A_105, %mul3A_66, %broadcast_in_dim3A_102 : vector<1024x128xi1>, vector<1024x128xf32>
      %eq3A_107 = arith.constant 1.000000e+00 : f32
      %eq3A_108 = vector.broadcast %eq3A_107 : f32 to vector<1024x128xf32>
      %eq3A_109 = arith.cmpf oeq, %floor3A, %eq3A_108 : vector<1024x128xf32>
      %select_n3A_110 = arith.select %eq3A_109, %mul3A_83, %select_n3A_106 : vector<1024x128xi1>, vector<1024x128xf32>
      %eq3A_111 = arith.constant 2.000000e+00 : f32
      %eq3A_112 = vector.broadcast %eq3A_111 : f32 to vector<1024x128xf32>
      %eq3A_113 = arith.cmpf oeq, %floor3A, %eq3A_112 : vector<1024x128xf32>
      %select_n3A_114 = arith.select %eq3A_113, %mul3A_96, %select_n3A_110 : vector<1024x128xi1>, vector<1024x128xf32>
      %eq3A_115 = arith.constant 3.000000e+00 : f32
      %eq3A_116 = vector.broadcast %eq3A_115 : f32 to vector<1024x128xf32>
      %eq3A_117 = arith.cmpf oeq, %floor3A, %eq3A_116 : vector<1024x128xf32>
      %select_n3A_118 = arith.select %eq3A_117, %mul3A_101, %select_n3A_114 : vector<1024x128xi1>, vector<1024x128xf32>
      %eq3A_119 = arith.constant 1.000000e+00 : f32
      %eq3A_120 = vector.broadcast %eq3A_119 : f32 to vector<1024x128xf32>
      %eq3A_121 = arith.cmpf oeq, %floor3A, %eq3A_120 : vector<1024x128xf32>
      %select_n3A_122 = arith.select %eq3A_121, %mul3A_66, %broadcast_in_dim3A_102 : vector<1024x128xi1>, vector<1024x128xf32>
      %eq3A_123 = arith.constant 2.000000e+00 : f32
      %eq3A_124 = vector.broadcast %eq3A_123 : f32 to vector<1024x128xf32>
      %eq3A_125 = arith.cmpf oeq, %floor3A, %eq3A_124 : vector<1024x128xf32>
      %select_n3A_126 = arith.select %eq3A_125, %mul3A_83, %select_n3A_122 : vector<1024x128xi1>, vector<1024x128xf32>
      %eq3A_127 = arith.constant 3.000000e+00 : f32
      %eq3A_128 = vector.broadcast %eq3A_127 : f32 to vector<1024x128xf32>
      %eq3A_129 = arith.cmpf oeq, %floor3A, %eq3A_128 : vector<1024x128xf32>
      %select_n3A_130 = arith.select %eq3A_129, %mul3A_96, %select_n3A_126 : vector<1024x128xi1>, vector<1024x128xf32>
      %eq3A_131 = arith.constant 4.000000e+00 : f32
      %eq3A_132 = vector.broadcast %eq3A_131 : f32 to vector<1024x128xf32>
      %eq3A_133 = arith.cmpf oeq, %floor3A, %eq3A_132 : vector<1024x128xf32>
      %select_n3A_134 = arith.select %eq3A_133, %mul3A_101, %select_n3A_130 : vector<1024x128xi1>, vector<1024x128xf32>
      %eq3A_135 = arith.constant 2.000000e+00 : f32
      %eq3A_136 = vector.broadcast %eq3A_135 : f32 to vector<1024x128xf32>
      %eq3A_137 = arith.cmpf oeq, %floor3A, %eq3A_136 : vector<1024x128xf32>
      %select_n3A_138 = arith.select %eq3A_137, %mul3A_66, %broadcast_in_dim3A_102 : vector<1024x128xi1>, vector<1024x128xf32>
      %eq3A_139 = arith.constant 3.000000e+00 : f32
      %eq3A_140 = vector.broadcast %eq3A_139 : f32 to vector<1024x128xf32>
      %eq3A_141 = arith.cmpf oeq, %floor3A, %eq3A_140 : vector<1024x128xf32>
      %select_n3A_142 = arith.select %eq3A_141, %mul3A_83, %select_n3A_138 : vector<1024x128xi1>, vector<1024x128xf32>
      %eq3A_143 = arith.constant 4.000000e+00 : f32
      %eq3A_144 = vector.broadcast %eq3A_143 : f32 to vector<1024x128xf32>
      %eq3A_145 = arith.cmpf oeq, %floor3A, %eq3A_144 : vector<1024x128xf32>
      %select_n3A_146 = arith.select %eq3A_145, %mul3A_96, %select_n3A_142 : vector<1024x128xi1>, vector<1024x128xf32>
      %eq3A_147 = arith.constant 5.000000e+00 : f32
      %eq3A_148 = vector.broadcast %eq3A_147 : f32 to vector<1024x128xf32>
      %eq3A_149 = arith.cmpf oeq, %floor3A, %eq3A_148 : vector<1024x128xf32>
      %select_n3A_150 = arith.select %eq3A_149, %mul3A_101, %select_n3A_146 : vector<1024x128xi1>, vector<1024x128xf32>
      %eq3A_151 = arith.constant 3.000000e+00 : f32
      %eq3A_152 = vector.broadcast %eq3A_151 : f32 to vector<1024x128xf32>
      %eq3A_153 = arith.cmpf oeq, %floor3A, %eq3A_152 : vector<1024x128xf32>
      %select_n3A_154 = arith.select %eq3A_153, %mul3A_66, %broadcast_in_dim3A_102 : vector<1024x128xi1>, vector<1024x128xf32>
      %eq3A_155 = arith.constant 4.000000e+00 : f32
      %eq3A_156 = vector.broadcast %eq3A_155 : f32 to vector<1024x128xf32>
      %eq3A_157 = arith.cmpf oeq, %floor3A, %eq3A_156 : vector<1024x128xf32>
      %select_n3A_158 = arith.select %eq3A_157, %mul3A_83, %select_n3A_154 : vector<1024x128xi1>, vector<1024x128xf32>
      %eq3A_159 = arith.constant 5.000000e+00 : f32
      %eq3A_160 = vector.broadcast %eq3A_159 : f32 to vector<1024x128xf32>
      %eq3A_161 = arith.cmpf oeq, %floor3A, %eq3A_160 : vector<1024x128xf32>
      %select_n3A_162 = arith.select %eq3A_161, %mul3A_96, %select_n3A_158 : vector<1024x128xi1>, vector<1024x128xf32>
      %eq3A_163 = arith.constant 6.000000e+00 : f32
      %eq3A_164 = vector.broadcast %eq3A_163 : f32 to vector<1024x128xf32>
      %eq3A_165 = arith.cmpf oeq, %floor3A, %eq3A_164 : vector<1024x128xf32>
      %select_n3A_166 = arith.select %eq3A_165, %mul3A_101, %select_n3A_162 : vector<1024x128xi1>, vector<1024x128xf32>
      %eq3A_167 = arith.constant 4.000000e+00 : f32
      %eq3A_168 = vector.broadcast %eq3A_167 : f32 to vector<1024x128xf32>
      %eq3A_169 = arith.cmpf oeq, %floor3A, %eq3A_168 : vector<1024x128xf32>
      %select_n3A_170 = arith.select %eq3A_169, %mul3A_66, %broadcast_in_dim3A_102 : vector<1024x128xi1>, vector<1024x128xf32>
      %eq3A_171 = arith.constant 5.000000e+00 : f32
      %eq3A_172 = vector.broadcast %eq3A_171 : f32 to vector<1024x128xf32>
      %eq3A_173 = arith.cmpf oeq, %floor3A, %eq3A_172 : vector<1024x128xf32>
      %select_n3A_174 = arith.select %eq3A_173, %mul3A_83, %select_n3A_170 : vector<1024x128xi1>, vector<1024x128xf32>
      %eq3A_175 = arith.constant 6.000000e+00 : f32
      %eq3A_176 = vector.broadcast %eq3A_175 : f32 to vector<1024x128xf32>
      %eq3A_177 = arith.cmpf oeq, %floor3A, %eq3A_176 : vector<1024x128xf32>
      %select_n3A_178 = arith.select %eq3A_177, %mul3A_96, %select_n3A_174 : vector<1024x128xi1>, vector<1024x128xf32>
      %eq3A_179 = arith.constant 7.000000e+00 : f32
      %eq3A_180 = vector.broadcast %eq3A_179 : f32 to vector<1024x128xf32>
      %eq3A_181 = arith.cmpf oeq, %floor3A, %eq3A_180 : vector<1024x128xf32>
      %select_n3A_182 = arith.select %eq3A_181, %mul3A_101, %select_n3A_178 : vector<1024x128xi1>, vector<1024x128xf32>
      %eq3A_183 = arith.constant 5.000000e+00 : f32
      %eq3A_184 = vector.broadcast %eq3A_183 : f32 to vector<1024x128xf32>
      %eq3A_185 = arith.cmpf oeq, %floor3A, %eq3A_184 : vector<1024x128xf32>
      %select_n3A_186 = arith.select %eq3A_185, %mul3A_66, %broadcast_in_dim3A_102 : vector<1024x128xi1>, vector<1024x128xf32>
      %eq3A_187 = arith.constant 6.000000e+00 : f32
      %eq3A_188 = vector.broadcast %eq3A_187 : f32 to vector<1024x128xf32>
      %eq3A_189 = arith.cmpf oeq, %floor3A, %eq3A_188 : vector<1024x128xf32>
      %select_n3A_190 = arith.select %eq3A_189, %mul3A_83, %select_n3A_186 : vector<1024x128xi1>, vector<1024x128xf32>
      %eq3A_191 = arith.constant 7.000000e+00 : f32
      %eq3A_192 = vector.broadcast %eq3A_191 : f32 to vector<1024x128xf32>
      %eq3A_193 = arith.cmpf oeq, %floor3A, %eq3A_192 : vector<1024x128xf32>
      %select_n3A_194 = arith.select %eq3A_193, %mul3A_96, %select_n3A_190 : vector<1024x128xi1>, vector<1024x128xf32>
      %eq3A_195 = arith.constant 8.000000e+00 : f32
      %eq3A_196 = vector.broadcast %eq3A_195 : f32 to vector<1024x128xf32>
      %eq3A_197 = arith.cmpf oeq, %floor3A, %eq3A_196 : vector<1024x128xf32>
      %select_n3A_198 = arith.select %eq3A_197, %mul3A_101, %select_n3A_194 : vector<1024x128xi1>, vector<1024x128xf32>
      %eq3A_199 = arith.constant 6.000000e+00 : f32
      %eq3A_200 = vector.broadcast %eq3A_199 : f32 to vector<1024x128xf32>
      %eq3A_201 = arith.cmpf oeq, %floor3A, %eq3A_200 : vector<1024x128xf32>
      %select_n3A_202 = arith.select %eq3A_201, %mul3A_66, %broadcast_in_dim3A_102 : vector<1024x128xi1>, vector<1024x128xf32>
      %eq3A_203 = arith.constant 7.000000e+00 : f32
      %eq3A_204 = vector.broadcast %eq3A_203 : f32 to vector<1024x128xf32>
      %eq3A_205 = arith.cmpf oeq, %floor3A, %eq3A_204 : vector<1024x128xf32>
      %select_n3A_206 = arith.select %eq3A_205, %mul3A_83, %select_n3A_202 : vector<1024x128xi1>, vector<1024x128xf32>
      %eq3A_207 = arith.constant 8.000000e+00 : f32
      %eq3A_208 = vector.broadcast %eq3A_207 : f32 to vector<1024x128xf32>
      %eq3A_209 = arith.cmpf oeq, %floor3A, %eq3A_208 : vector<1024x128xf32>
      %select_n3A_210 = arith.select %eq3A_209, %mul3A_96, %select_n3A_206 : vector<1024x128xi1>, vector<1024x128xf32>
      %eq3A_211 = arith.constant 9.000000e+00 : f32
      %eq3A_212 = vector.broadcast %eq3A_211 : f32 to vector<1024x128xf32>
      %eq3A_213 = arith.cmpf oeq, %floor3A, %eq3A_212 : vector<1024x128xf32>
      %select_n3A_214 = arith.select %eq3A_213, %mul3A_101, %select_n3A_210 : vector<1024x128xi1>, vector<1024x128xf32>
      %eq3A_215 = arith.constant 7.000000e+00 : f32
      %eq3A_216 = vector.broadcast %eq3A_215 : f32 to vector<1024x128xf32>
      %eq3A_217 = arith.cmpf oeq, %floor3A, %eq3A_216 : vector<1024x128xf32>
      %select_n3A_218 = arith.select %eq3A_217, %mul3A_66, %broadcast_in_dim3A_102 : vector<1024x128xi1>, vector<1024x128xf32>
      %eq3A_219 = arith.constant 8.000000e+00 : f32
      %eq3A_220 = vector.broadcast %eq3A_219 : f32 to vector<1024x128xf32>
      %eq3A_221 = arith.cmpf oeq, %floor3A, %eq3A_220 : vector<1024x128xf32>
      %select_n3A_222 = arith.select %eq3A_221, %mul3A_83, %select_n3A_218 : vector<1024x128xi1>, vector<1024x128xf32>
      %eq3A_223 = arith.constant 9.000000e+00 : f32
      %eq3A_224 = vector.broadcast %eq3A_223 : f32 to vector<1024x128xf32>
      %eq3A_225 = arith.cmpf oeq, %floor3A, %eq3A_224 : vector<1024x128xf32>
      %select_n3A_226 = arith.select %eq3A_225, %mul3A_96, %select_n3A_222 : vector<1024x128xi1>, vector<1024x128xf32>
      %eq3A_227 = arith.constant 1.000000e+01 : f32
      %eq3A_228 = vector.broadcast %eq3A_227 : f32 to vector<1024x128xf32>
      %eq3A_229 = arith.cmpf oeq, %floor3A, %eq3A_228 : vector<1024x128xf32>
      %select_n3A_230 = arith.select %eq3A_229, %mul3A_101, %select_n3A_226 : vector<1024x128xi1>, vector<1024x128xf32>
      %get3A_231 = arith.constant 0 : index
      %get3A_232 = arith.constant 0 : index
      %get3A_233 = vector.load %arg7[%get3A_231, %get3A_232] : memref<128x64xf32, #tpu.memory_space<vmem>>, vector<128x64xf32>
      %dot_general3A = arith.constant dense<0.000000e+00> : vector<1024x64xf32>
      %dot_general3A_234 = tpu.matmul %div3A_51, %get3A_233, %dot_general3A {dimension_numbers = #tpu.dot_dimension_numbers<[1], [0], [0], [1], [0, 0, 1, 1], [], []>, transpose_lhs_hint = false} : vector<1024x128xf32>, vector<128x64xf32>, vector<1024x64xf32> -> vector<1024x64xf32>
      %get3A_235 = arith.constant 0 : index
      %get3A_236 = arith.constant 0 : index
      %get3A_237 = arith.constant 0 : index
      %get3A_238 = vector.load %arg8[%get3A_235, %get3A_236, %get3A_237] : memref<8x128x64xf32, #tpu.memory_space<vmem>>, vector<1x128x64xf32>
      %get3A_239 = vector.shape_cast %get3A_238 : vector<1x128x64xf32> to vector<128x64xf32>
      %dot_general3A_240 = arith.constant dense<0.000000e+00> : vector<1024x64xf32>
      %dot_general3A_241 = tpu.matmul %select_n3A_118, %get3A_239, %dot_general3A_240 {dimension_numbers = #tpu.dot_dimension_numbers<[1], [0], [0], [1], [0, 0, 1, 1], [], []>, transpose_lhs_hint = false} : vector<1024x128xf32>, vector<128x64xf32>, vector<1024x64xf32> -> vector<1024x64xf32>
      %add3A_242 = arith.addf %dot_general3A_234, %dot_general3A_241 : vector<1024x64xf32>
      %get3A_243 = arith.constant 1 : index
      %get3A_244 = arith.constant 0 : index
      %get3A_245 = arith.constant 0 : index
      %get3A_246 = vector.load %arg8[%get3A_243, %get3A_244, %get3A_245] : memref<8x128x64xf32, #tpu.memory_space<vmem>>, vector<1x128x64xf32>
      %get3A_247 = vector.shape_cast %get3A_246 : vector<1x128x64xf32> to vector<128x64xf32>
      %dot_general3A_248 = arith.constant dense<0.000000e+00> : vector<1024x64xf32>
      %dot_general3A_249 = tpu.matmul %select_n3A_134, %get3A_247, %dot_general3A_248 {dimension_numbers = #tpu.dot_dimension_numbers<[1], [0], [0], [1], [0, 0, 1, 1], [], []>, transpose_lhs_hint = false} : vector<1024x128xf32>, vector<128x64xf32>, vector<1024x64xf32> -> vector<1024x64xf32>
      %add3A_250 = arith.addf %add3A_242, %dot_general3A_249 : vector<1024x64xf32>
      %get3A_251 = arith.constant 2 : index
      %get3A_252 = arith.constant 0 : index
      %get3A_253 = arith.constant 0 : index
      %get3A_254 = vector.load %arg8[%get3A_251, %get3A_252, %get3A_253] : memref<8x128x64xf32, #tpu.memory_space<vmem>>, vector<1x128x64xf32>
      %get3A_255 = vector.shape_cast %get3A_254 : vector<1x128x64xf32> to vector<128x64xf32>
      %dot_general3A_256 = arith.constant dense<0.000000e+00> : vector<1024x64xf32>
      %dot_general3A_257 = tpu.matmul %select_n3A_150, %get3A_255, %dot_general3A_256 {dimension_numbers = #tpu.dot_dimension_numbers<[1], [0], [0], [1], [0, 0, 1, 1], [], []>, transpose_lhs_hint = false} : vector<1024x128xf32>, vector<128x64xf32>, vector<1024x64xf32> -> vector<1024x64xf32>
      %add3A_258 = arith.addf %add3A_250, %dot_general3A_257 : vector<1024x64xf32>
      %get3A_259 = arith.constant 3 : index
      %get3A_260 = arith.constant 0 : index
      %get3A_261 = arith.constant 0 : index
      %get3A_262 = vector.load %arg8[%get3A_259, %get3A_260, %get3A_261] : memref<8x128x64xf32, #tpu.memory_space<vmem>>, vector<1x128x64xf32>
      %get3A_263 = vector.shape_cast %get3A_262 : vector<1x128x64xf32> to vector<128x64xf32>
      %dot_general3A_264 = arith.constant dense<0.000000e+00> : vector<1024x64xf32>
      %dot_general3A_265 = tpu.matmul %select_n3A_166, %get3A_263, %dot_general3A_264 {dimension_numbers = #tpu.dot_dimension_numbers<[1], [0], [0], [1], [0, 0, 1, 1], [], []>, transpose_lhs_hint = false} : vector<1024x128xf32>, vector<128x64xf32>, vector<1024x64xf32> -> vector<1024x64xf32>
      %add3A_266 = arith.addf %add3A_258, %dot_general3A_265 : vector<1024x64xf32>
      %get3A_267 = arith.constant 4 : index
      %get3A_268 = arith.constant 0 : index
      %get3A_269 = arith.constant 0 : index
      %get3A_270 = vector.load %arg8[%get3A_267, %get3A_268, %get3A_269] : memref<8x128x64xf32, #tpu.memory_space<vmem>>, vector<1x128x64xf32>
      %get3A_271 = vector.shape_cast %get3A_270 : vector<1x128x64xf32> to vector<128x64xf32>
      %dot_general3A_272 = arith.constant dense<0.000000e+00> : vector<1024x64xf32>
      %dot_general3A_273 = tpu.matmul %select_n3A_182, %get3A_271, %dot_general3A_272 {dimension_numbers = #tpu.dot_dimension_numbers<[1], [0], [0], [1], [0, 0, 1, 1], [], []>, transpose_lhs_hint = false} : vector<1024x128xf32>, vector<128x64xf32>, vector<1024x64xf32> -> vector<1024x64xf32>
      %add3A_274 = arith.addf %add3A_266, %dot_general3A_273 : vector<1024x64xf32>
      %get3A_275 = arith.constant 5 : index
      %get3A_276 = arith.constant 0 : index
      %get3A_277 = arith.constant 0 : index
      %get3A_278 = vector.load %arg8[%get3A_275, %get3A_276, %get3A_277] : memref<8x128x64xf32, #tpu.memory_space<vmem>>, vector<1x128x64xf32>
      %get3A_279 = vector.shape_cast %get3A_278 : vector<1x128x64xf32> to vector<128x64xf32>
      %dot_general3A_280 = arith.constant dense<0.000000e+00> : vector<1024x64xf32>
      %dot_general3A_281 = tpu.matmul %select_n3A_198, %get3A_279, %dot_general3A_280 {dimension_numbers = #tpu.dot_dimension_numbers<[1], [0], [0], [1], [0, 0, 1, 1], [], []>, transpose_lhs_hint = false} : vector<1024x128xf32>, vector<128x64xf32>, vector<1024x64xf32> -> vector<1024x64xf32>
      %add3A_282 = arith.addf %add3A_274, %dot_general3A_281 : vector<1024x64xf32>
      %get3A_283 = arith.constant 6 : index
      %get3A_284 = arith.constant 0 : index
      %get3A_285 = arith.constant 0 : index
      %get3A_286 = vector.load %arg8[%get3A_283, %get3A_284, %get3A_285] : memref<8x128x64xf32, #tpu.memory_space<vmem>>, vector<1x128x64xf32>
      %get3A_287 = vector.shape_cast %get3A_286 : vector<1x128x64xf32> to vector<128x64xf32>
      %dot_general3A_288 = arith.constant dense<0.000000e+00> : vector<1024x64xf32>
      %dot_general3A_289 = tpu.matmul %select_n3A_214, %get3A_287, %dot_general3A_288 {dimension_numbers = #tpu.dot_dimension_numbers<[1], [0], [0], [1], [0, 0, 1, 1], [], []>, transpose_lhs_hint = false} : vector<1024x128xf32>, vector<128x64xf32>, vector<1024x64xf32> -> vector<1024x64xf32>
      %add3A_290 = arith.addf %add3A_282, %dot_general3A_289 : vector<1024x64xf32>
      %get3A_291 = arith.constant 7 : index
      %get3A_292 = arith.constant 0 : index
      %get3A_293 = arith.constant 0 : index
      %get3A_294 = vector.load %arg8[%get3A_291, %get3A_292, %get3A_293] : memref<8x128x64xf32, #tpu.memory_space<vmem>>, vector<1x128x64xf32>
      %get3A_295 = vector.shape_cast %get3A_294 : vector<1x128x64xf32> to vector<128x64xf32>
      %dot_general3A_296 = arith.constant dense<0.000000e+00> : vector<1024x64xf32>
      %dot_general3A_297 = tpu.matmul %select_n3A_230, %get3A_295, %dot_general3A_296 {dimension_numbers = #tpu.dot_dimension_numbers<[1], [0], [0], [1], [0, 0, 1, 1], [], []>, transpose_lhs_hint = false} : vector<1024x128xf32>, vector<128x64xf32>, vector<1024x64xf32> -> vector<1024x64xf32>
      %add3A_298 = arith.addf %add3A_290, %dot_general3A_297 : vector<1024x64xf32>
      %swap3A = arith.constant 0 : index
      %swap3A_299 = arith.constant 0 : index
      %swap3A_300 = vector.load %arg9[%swap3A, %swap3A_299] : memref<1024x64xf32, #tpu.memory_space<vmem>>, vector<1024x64xf32>
      tpu.vector_store %arg9[%swap3A, %swap3A_299], %add3A_298 {strides = array<i32>} : memref<1024x64xf32, #tpu.memory_space<vmem>>, vector<1024x64xf32>,
    } else {
    }
    return
  }
  func.func @transform_0(%arg0: i32, %arg1: i32) -> (i32, i32) {
    %c0_i32 = arith.constant 0 : i32
    %c0_i32_0 = arith.constant 0 : i32
    return %arg1, %c0_i32 : i32, i32
  }
  func.func @transform_1(%arg0: i32, %arg1: i32) -> (i32, i32) {
    %c0_i32 = arith.constant 0 : i32
    %c0_i32_0 = arith.constant 0 : i32
    %c0_i32_1 = arith.constant 0 : i32
    return %c0_i32, %c0_i32_0 : i32, i32
  }
  func.func @transform_2(%arg0: i32, %arg1: i32) -> (i32, i32) {
    %c0_i32 = arith.constant 0 : i32
    %c0_i32_0 = arith.constant 0 : i32
    %c0_i32_1 = arith.constant 0 : i32
    return %c0_i32, %c0_i32_0 : i32, i32
  }
  func.func @transform_3(%arg0: i32, %arg1: i32) -> (i32, i32) {
    %c0_i32 = arith.constant 0 : i32
    %c0_i32_0 = arith.constant 0 : i32
    %c0_i32_1 = arith.constant 0 : i32
    return %c0_i32, %c0_i32_0 : i32, i32
  }
  func.func @transform_4(%arg0: i32, %arg1: i32) -> (i32, i32) {
    %c0_i32 = arith.constant 0 : i32
    %c0_i32_0 = arith.constant 0 : i32
    %c0_i32_1 = arith.constant 0 : i32
    return %c0_i32, %c0_i32_0 : i32, i32
  }
  func.func @transform_5(%arg0: i32, %arg1: i32) -> (i32, i32) {
    %c0_i32 = arith.constant 0 : i32
    %c0_i32_0 = arith.constant 0 : i32
    %c0_i32_1 = arith.constant 0 : i32
    return %c0_i32, %c0_i32_0 : i32, i32
  }
  func.func @transform_6(%arg0: i32, %arg1: i32) -> (i32, i32, i32) {
    %c0_i32 = arith.constant 0 : i32
    %c0_i32_0 = arith.constant 0 : i32
    %c0_i32_1 = arith.constant 0 : i32
    %c0_i32_2 = arith.constant 0 : i32
    return %c0_i32, %c0_i32_0, %c0_i32_1 : i32, i32, i32
  }
  func.func @transform_7(%arg0: i32, %arg1: i32) -> (i32, i32) {
    %mul3A = arith.muli %arg0, %arg1 : i32
    %c0_i32 = arith.constant 0 : i32
    %c0_i32_0 = arith.constant 0 : i32
    return %mul3A, %c0_i32 : i32, i32
  }
}

module attributes {stable_mosaic.version = 14 : i64} {
  func.func @_c_body(%arg0: i32, %arg1: memref<2x1024x64xf32, #tpu.memory_space<vmem>>, %arg2: memref<64x128xf32, #tpu.memory_space<vmem>>, %arg3: memref<1x128xf32, #tpu.memory_space<vmem>>, %arg4: memref<128x64xf32, #tpu.memory_space<vmem>>, %arg5: memref<1024x64xf32, #tpu.memory_space<vmem>>) attributes {dimension_semantics = [#tpu.dimension_semantics<arbitrary>], iteration_bounds = array<i64: 10>, scalar_prefetch = 0 : i64, scratch_operands = 0 : i64, tpu.core_type = #tpu.core_type<tc>, window_params = [{transform_indices = @transform_0, window_bounds = array<i64: 2, 1024, 64>}, {pipeline_mode = #tpu.pipeline_mode<synchronous>, transform_indices = @transform_1, window_bounds = array<i64: 64, 128>}, {pipeline_mode = #tpu.pipeline_mode<synchronous>, transform_indices = @transform_2, window_bounds = array<i64: 1, 128>}, {pipeline_mode = #tpu.pipeline_mode<synchronous>, transform_indices = @transform_3, window_bounds = array<i64: 128, 64>}, {transform_indices = @transform_4, window_bounds = array<i64: 1024, 64>}]} {
    %get3A = arith.constant 0 : index
    %get3A_0 = arith.constant 0 : index
    %get3A_1 = arith.constant 0 : index
    %get3A_2 = vector.load %arg1[%get3A, %get3A_0, %get3A_1] : memref<2x1024x64xf32, #tpu.memory_space<vmem>>, vector<1x1024x64xf32>
    %get3A_3 = vector.shape_cast %get3A_2 : vector<1x1024x64xf32> to vector<1024x64xf32>
    %get3A_4 = arith.constant 1 : index
    %get3A_5 = arith.constant 0 : index
    %get3A_6 = arith.constant 0 : index
    %get3A_7 = vector.load %arg1[%get3A_4, %get3A_5, %get3A_6] : memref<2x1024x64xf32, #tpu.memory_space<vmem>>, vector<1x1024x64xf32>
    %get3A_8 = vector.shape_cast %get3A_7 : vector<1x1024x64xf32> to vector<1024x64xf32>
    %add3A = arith.addf %get3A_3, %get3A_8 : vector<1024x64xf32>
    %get3A_9 = arith.constant 0 : index
    %get3A_10 = arith.constant 0 : index
    %get3A_11 = vector.load %arg2[%get3A_9, %get3A_10] : memref<64x128xf32, #tpu.memory_space<vmem>>, vector<64x128xf32>
    %dot_general3A = arith.constant dense<0.000000e+00> : vector<1024x128xf32>
    %dot_general3A_12 = tpu.matmul %add3A, %get3A_11, %dot_general3A {dimension_numbers = #tpu.dot_dimension_numbers<[1], [0], [0], [1], [0, 0, 1, 1], [], []>, transpose_lhs_hint = false} : vector<1024x64xf32>, vector<64x128xf32>, vector<1024x128xf32> -> vector<1024x128xf32>
    %get3A_13 = arith.constant 0 : index
    %get3A_14 = arith.constant 0 : index
    %get3A_15 = vector.load %arg3[%get3A_13, %get3A_14] : memref<1x128xf32, #tpu.memory_space<vmem>>, vector<1x128xf32>
    %add3A_16 = vector.broadcast %get3A_15 : vector<1x128xf32> to vector<1024x128xf32>
    %add3A_17 = arith.addf %dot_general3A_12, %add3A_16 : vector<1024x128xf32>
    %max3A = arith.constant 0.000000e+00 : f32
    %max3A_18 = vector.broadcast %max3A : f32 to vector<1024x128xf32>
    %max3A_19 = arith.maximumf %add3A_17, %max3A_18 : vector<1024x128xf32>
    %get3A_20 = arith.constant 0 : index
    %get3A_21 = arith.constant 0 : index
    %get3A_22 = vector.load %arg4[%get3A_20, %get3A_21] : memref<128x64xf32, #tpu.memory_space<vmem>>, vector<128x64xf32>
    %dot_general3A_23 = arith.constant dense<0.000000e+00> : vector<1024x64xf32>
    %dot_general3A_24 = tpu.matmul %max3A_19, %get3A_22, %dot_general3A_23 {dimension_numbers = #tpu.dot_dimension_numbers<[1], [0], [0], [1], [0, 0, 1, 1], [], []>, transpose_lhs_hint = false} : vector<1024x128xf32>, vector<128x64xf32>, vector<1024x64xf32> -> vector<1024x64xf32>
    %swap3A = arith.constant 0 : index
    %swap3A_25 = arith.constant 0 : index
    %swap3A_26 = vector.load %arg5[%swap3A, %swap3A_25] : memref<1024x64xf32, #tpu.memory_space<vmem>>, vector<1024x64xf32>
    tpu.vector_store %arg5[%swap3A, %swap3A_25], %dot_general3A_24 {strides = array<i32>} : memref<1024x64xf32, #tpu.memory_space<vmem>>, vector<1024x64xf32>,
    return
  }
  func.func @transform_0(%arg0: i32) -> (i32, i32, i32) {
    %c0_i32 = arith.constant 0 : i32
    %c0_i32_0 = arith.constant 0 : i32
    %c0_i32_1 = arith.constant 0 : i32
    return %c0_i32, %arg0, %c0_i32_0 : i32, i32, i32
  }
  func.func @transform_1(%arg0: i32) -> (i32, i32) {
    %c0_i32 = arith.constant 0 : i32
    %c0_i32_0 = arith.constant 0 : i32
    %c0_i32_1 = arith.constant 0 : i32
    return %c0_i32, %c0_i32_0 : i32, i32
  }
  func.func @transform_2(%arg0: i32) -> (i32, i32) {
    %c0_i32 = arith.constant 0 : i32
    %c0_i32_0 = arith.constant 0 : i32
    %c0_i32_1 = arith.constant 0 : i32
    return %c0_i32, %c0_i32_0 : i32, i32
  }
  func.func @transform_3(%arg0: i32) -> (i32, i32) {
    %c0_i32 = arith.constant 0 : i32
    %c0_i32_0 = arith.constant 0 : i32
    %c0_i32_1 = arith.constant 0 : i32
    return %c0_i32, %c0_i32_0 : i32, i32
  }
  func.func @transform_4(%arg0: i32) -> (i32, i32) {
    %c0_i32 = arith.constant 0 : i32
    %c0_i32_0 = arith.constant 0 : i32
    return %arg0, %c0_i32 : i32, i32
  }
}

module attributes {stable_mosaic.version = 14 : i64} {
  func.func @_d_body(%arg0: i32, %arg1: memref<2x1024x64xf32, #tpu.memory_space<vmem>>, %arg2: memref<1x64xf32, #tpu.memory_space<vmem>>, %arg3: memref<1024x64xf32, #tpu.memory_space<vmem>>) attributes {dimension_semantics = [#tpu.dimension_semantics<arbitrary>], iteration_bounds = array<i64: 10>, scalar_prefetch = 0 : i64, scratch_operands = 0 : i64, tpu.core_type = #tpu.core_type<tc>, window_params = [{transform_indices = @transform_0, window_bounds = array<i64: 2, 1024, 64>}, {pipeline_mode = #tpu.pipeline_mode<synchronous>, transform_indices = @transform_1, window_bounds = array<i64: 1, 64>}, {transform_indices = @transform_2, window_bounds = array<i64: 1024, 64>}]} {
    %get3A = arith.constant 0 : index
    %get3A_0 = arith.constant 0 : index
    %get3A_1 = arith.constant 0 : index
    %get3A_2 = vector.load %arg1[%get3A, %get3A_0, %get3A_1] : memref<2x1024x64xf32, #tpu.memory_space<vmem>>, vector<1x1024x64xf32>
    %get3A_3 = vector.shape_cast %get3A_2 : vector<1x1024x64xf32> to vector<1024x64xf32>
    %get3A_4 = arith.constant 1 : index
    %get3A_5 = arith.constant 0 : index
    %get3A_6 = arith.constant 0 : index
    %get3A_7 = vector.load %arg1[%get3A_4, %get3A_5, %get3A_6] : memref<2x1024x64xf32, #tpu.memory_space<vmem>>, vector<1x1024x64xf32>
    %get3A_8 = vector.shape_cast %get3A_7 : vector<1x1024x64xf32> to vector<1024x64xf32>
    %add3A = arith.addf %get3A_3, %get3A_8 : vector<1024x64xf32>
    %get3A_9 = arith.constant 0 : index
    %get3A_10 = arith.constant 0 : index
    %get3A_11 = vector.load %arg2[%get3A_9, %get3A_10] : memref<1x64xf32, #tpu.memory_space<vmem>>, vector<1x64xf32>
    %add3A_12 = vector.broadcast %get3A_11 : vector<1x64xf32> to vector<1024x64xf32>
    %add3A_13 = arith.addf %add3A, %add3A_12 : vector<1024x64xf32>
    %swap3A = arith.constant 0 : index
    %swap3A_14 = arith.constant 0 : index
    %swap3A_15 = vector.load %arg3[%swap3A, %swap3A_14] : memref<1024x64xf32, #tpu.memory_space<vmem>>, vector<1024x64xf32>
    tpu.vector_store %arg3[%swap3A, %swap3A_14], %add3A_13 {strides = array<i32>} : memref<1024x64xf32, #tpu.memory_space<vmem>>, vector<1024x64xf32>,
    return
  }
  func.func @transform_0(%arg0: i32) -> (i32, i32, i32) {
    %c0_i32 = arith.constant 0 : i32
    %c0_i32_0 = arith.constant 0 : i32
    %c0_i32_1 = arith.constant 0 : i32
    return %c0_i32, %arg0, %c0_i32_0 : i32, i32, i32
  }
  func.func @transform_1(%arg0: i32) -> (i32, i32) {
    %c0_i32 = arith.constant 0 : i32
    %c0_i32_0 = arith.constant 0 : i32
    %c0_i32_1 = arith.constant 0 : i32
    return %c0_i32, %c0_i32_0 : i32, i32
  }
  func.func @transform_2(%arg0: i32) -> (i32, i32) {
    %c0_i32 = arith.constant 0 : i32
    %c0_i32_0 = arith.constant 0 : i32
    return %arg0, %c0_i32 : i32, i32
  }
}

module attributes {stable_mosaic.version = 14 : i64} {
  func.func @_e_body(%arg0: i32, %arg1: memref<2x1024x64xf32, #tpu.memory_space<vmem>>, %arg2: memref<64x128xf32, #tpu.memory_space<vmem>>, %arg3: memref<1x128xf32, #tpu.memory_space<vmem>>, %arg4: memref<128x128xf32, #tpu.memory_space<vmem>>, %arg5: memref<1024x64xf32, #tpu.memory_space<vmem>>, %arg6: memref<1024x64xf32, #tpu.memory_space<vmem>>) attributes {dimension_semantics = [#tpu.dimension_semantics<arbitrary>], iteration_bounds = array<i64: 10>, scalar_prefetch = 0 : i64, scratch_operands = 0 : i64, tpu.core_type = #tpu.core_type<tc>, window_params = [{transform_indices = @transform_0, window_bounds = array<i64: 2, 1024, 64>}, {pipeline_mode = #tpu.pipeline_mode<synchronous>, transform_indices = @transform_1, window_bounds = array<i64: 64, 128>}, {pipeline_mode = #tpu.pipeline_mode<synchronous>, transform_indices = @transform_2, window_bounds = array<i64: 1, 128>}, {pipeline_mode = #tpu.pipeline_mode<synchronous>, transform_indices = @transform_3, window_bounds = array<i64: 128, 128>}, {transform_indices = @transform_4, window_bounds = array<i64: 1024, 64>}, {transform_indices = @transform_5, window_bounds = array<i64: 1024, 64>}]} {
    %get3A = arith.constant 0 : index
    %get3A_0 = arith.constant 0 : index
    %get3A_1 = arith.constant 0 : index
    %get3A_2 = vector.load %arg1[%get3A, %get3A_0, %get3A_1] : memref<2x1024x64xf32, #tpu.memory_space<vmem>>, vector<1x1024x64xf32>
    %get3A_3 = vector.shape_cast %get3A_2 : vector<1x1024x64xf32> to vector<1024x64xf32>
    %get3A_4 = arith.constant 1 : index
    %get3A_5 = arith.constant 0 : index
    %get3A_6 = arith.constant 0 : index
    %get3A_7 = vector.load %arg1[%get3A_4, %get3A_5, %get3A_6] : memref<2x1024x64xf32, #tpu.memory_space<vmem>>, vector<1x1024x64xf32>
    %get3A_8 = vector.shape_cast %get3A_7 : vector<1x1024x64xf32> to vector<1024x64xf32>
    %add3A = arith.addf %get3A_3, %get3A_8 : vector<1024x64xf32>
    %get3A_9 = arith.constant 0 : index
    %get3A_10 = arith.constant 0 : index
    %get3A_11 = vector.load %arg2[%get3A_9, %get3A_10] : memref<64x128xf32, #tpu.memory_space<vmem>>, vector<64x128xf32>
    %dot_general3A = arith.constant dense<0.000000e+00> : vector<1024x128xf32>
    %dot_general3A_12 = tpu.matmul %add3A, %get3A_11, %dot_general3A {dimension_numbers = #tpu.dot_dimension_numbers<[1], [0], [0], [1], [0, 0, 1, 1], [], []>, transpose_lhs_hint = false} : vector<1024x64xf32>, vector<64x128xf32>, vector<1024x128xf32> -> vector<1024x128xf32>
    %get3A_13 = arith.constant 0 : index
    %get3A_14 = arith.constant 0 : index
    %get3A_15 = vector.load %arg3[%get3A_13, %get3A_14] : memref<1x128xf32, #tpu.memory_space<vmem>>, vector<1x128xf32>
    %add3A_16 = vector.broadcast %get3A_15 : vector<1x128xf32> to vector<1024x128xf32>
    %add3A_17 = arith.addf %dot_general3A_12, %add3A_16 : vector<1024x128xf32>
    %max3A = arith.constant 0.000000e+00 : f32
    %max3A_18 = vector.broadcast %max3A : f32 to vector<1024x128xf32>
    %max3A_19 = arith.maximumf %add3A_17, %max3A_18 : vector<1024x128xf32>
    %get3A_20 = arith.constant 0 : index
    %get3A_21 = arith.constant 0 : index
    %get3A_22 = vector.load %arg4[%get3A_20, %get3A_21] : memref<128x128xf32, #tpu.memory_space<vmem>>, vector<128x128xf32>
    %dot_general3A_23 = arith.constant dense<0.000000e+00> : vector<1024x128xf32>
    %dot_general3A_24 = tpu.matmul %max3A_19, %get3A_22, %dot_general3A_23 {dimension_numbers = #tpu.dot_dimension_numbers<[1], [0], [0], [1], [0, 0, 1, 1], [], []>, transpose_lhs_hint = false} : vector<1024x128xf32>, vector<128x128xf32>, vector<1024x128xf32> -> vector<1024x128xf32>
    %slice3A = vector.extract_strided_slice %dot_general3A_24 {offsets = [0, 0], sizes = [1024, 64], strides = [1, 1]} : vector<1024x128xf32> to vector<1024x64xf32>
    %swap3A = arith.constant 0 : index
    %swap3A_25 = arith.constant 0 : index
    %swap3A_26 = vector.load %arg5[%swap3A, %swap3A_25] : memref<1024x64xf32, #tpu.memory_space<vmem>>, vector<1024x64xf32>
    tpu.vector_store %arg5[%swap3A, %swap3A_25], %slice3A {strides = array<i32>} : memref<1024x64xf32, #tpu.memory_space<vmem>>, vector<1024x64xf32>,
    %slice3A_27 = vector.extract_strided_slice %dot_general3A_24 {offsets = [0, 64], sizes = [1024, 64], strides = [1, 1]} : vector<1024x128xf32> to vector<1024x64xf32>
    %swap3A_28 = arith.constant 0 : index
    %swap3A_29 = arith.constant 0 : index
    %swap3A_30 = vector.load %arg6[%swap3A_28, %swap3A_29] : memref<1024x64xf32, #tpu.memory_space<vmem>>, vector<1024x64xf32>
    tpu.vector_store %arg6[%swap3A_28, %swap3A_29], %slice3A_27 {strides = array<i32>} : memref<1024x64xf32, #tpu.memory_space<vmem>>, vector<1024x64xf32>,
    return
  }
  func.func @transform_0(%arg0: i32) -> (i32, i32, i32) {
    %c0_i32 = arith.constant 0 : i32
    %c0_i32_0 = arith.constant 0 : i32
    %c0_i32_1 = arith.constant 0 : i32
    return %c0_i32, %arg0, %c0_i32_0 : i32, i32, i32
  }
  func.func @transform_1(%arg0: i32) -> (i32, i32) {
    %c0_i32 = arith.constant 0 : i32
    %c0_i32_0 = arith.constant 0 : i32
    %c0_i32_1 = arith.constant 0 : i32
    return %c0_i32, %c0_i32_0 : i32, i32
  }
  func.func @transform_2(%arg0: i32) -> (i32, i32) {
    %c0_i32 = arith.constant 0 : i32
    %c0_i32_0 = arith.constant 0 : i32
    %c0_i32_1 = arith.constant 0 : i32
    return %c0_i32, %c0_i32_0 : i32, i32
  }
  func.func @transform_3(%arg0: i32) -> (i32, i32) {
    %c0_i32 = arith.constant 0 : i32
    %c0_i32_0 = arith.constant 0 : i32
    %c0_i32_1 = arith.constant 0 : i32
    return %c0_i32, %c0_i32_0 : i32, i32
  }
  func.func @transform_4(%arg0: i32) -> (i32, i32) {
    %c0_i32 = arith.constant 0 : i32
    %c0_i32_0 = arith.constant 0 : i32
    return %arg0, %c0_i32 : i32, i32
  }
  func.func @transform_5(%arg0: i32) -> (i32, i32) {
    %c0_i32 = arith.constant 0 : i32
    %c0_i32_0 = arith.constant 0 : i32
    return %arg0, %c0_i32 : i32, i32
  }
}

module attributes {stable_mosaic.version = 14 : i64} {
  func.func @_f_body(%arg0: i32, %arg1: memref<2x1024x64xf32, #tpu.memory_space<vmem>>, %arg2: memref<2x1024x64xf32, #tpu.memory_space<vmem>>, %arg3: memref<1x128xf32, #tpu.memory_space<vmem>>, %arg4: memref<1024x128xf32, #tpu.memory_space<vmem>>) attributes {dimension_semantics = [#tpu.dimension_semantics<arbitrary>], iteration_bounds = array<i64: 10>, scalar_prefetch = 0 : i64, scratch_operands = 0 : i64, tpu.core_type = #tpu.core_type<tc>, window_params = [{transform_indices = @transform_0, window_bounds = array<i64: 2, 1024, 64>}, {transform_indices = @transform_1, window_bounds = array<i64: 2, 1024, 64>}, {pipeline_mode = #tpu.pipeline_mode<synchronous>, transform_indices = @transform_2, window_bounds = array<i64: 1, 128>}, {transform_indices = @transform_3, window_bounds = array<i64: 1024, 128>}]} {
    %get3A = arith.constant 0 : index
    %get3A_0 = arith.constant 0 : index
    %get3A_1 = arith.constant 0 : index
    %get3A_2 = vector.load %arg1[%get3A, %get3A_0, %get3A_1] : memref<2x1024x64xf32, #tpu.memory_space<vmem>>, vector<1x1024x64xf32>
    %get3A_3 = vector.shape_cast %get3A_2 : vector<1x1024x64xf32> to vector<1024x64xf32>
    %get3A_4 = arith.constant 1 : index
    %get3A_5 = arith.constant 0 : index
    %get3A_6 = arith.constant 0 : index
    %get3A_7 = vector.load %arg1[%get3A_4, %get3A_5, %get3A_6] : memref<2x1024x64xf32, #tpu.memory_space<vmem>>, vector<1x1024x64xf32>
    %get3A_8 = vector.shape_cast %get3A_7 : vector<1x1024x64xf32> to vector<1024x64xf32>
    %add3A = arith.addf %get3A_3, %get3A_8 : vector<1024x64xf32>
    %get3A_9 = arith.constant 0 : index
    %get3A_10 = arith.constant 0 : index
    %get3A_11 = vector.load %arg3[%get3A_9, %get3A_10] : memref<1x128xf32, #tpu.memory_space<vmem>>, vector<1x64xf32>
    %add3A_12 = vector.broadcast %get3A_11 : vector<1x64xf32> to vector<1024x64xf32>
    %add3A_13 = arith.addf %add3A, %add3A_12 : vector<1024x64xf32>
    %get3A_14 = arith.constant 0 : index
    %get3A_15 = arith.constant 0 : index
    %get3A_16 = arith.constant 0 : index
    %get3A_17 = vector.load %arg2[%get3A_14, %get3A_15, %get3A_16] : memref<2x1024x64xf32, #tpu.memory_space<vmem>>, vector<1x1024x64xf32>
    %get3A_18 = vector.shape_cast %get3A_17 : vector<1x1024x64xf32> to vector<1024x64xf32>
    %get3A_19 = arith.constant 1 : index
    %get3A_20 = arith.constant 0 : index
    %get3A_21 = arith.constant 0 : index
    %get3A_22 = vector.load %arg2[%get3A_19, %get3A_20, %get3A_21] : memref<2x1024x64xf32, #tpu.memory_space<vmem>>, vector<1x1024x64xf32>
    %get3A_23 = vector.shape_cast %get3A_22 : vector<1x1024x64xf32> to vector<1024x64xf32>
    %add3A_24 = arith.addf %get3A_18, %get3A_23 : vector<1024x64xf32>
    %get3A_25 = arith.constant 0 : index
    %get3A_26 = arith.constant 64 : index
    %get3A_27 = vector.load %arg3[%get3A_25, %get3A_26] : memref<1x128xf32, #tpu.memory_space<vmem>>, vector<1x64xf32>
    %add3A_28 = vector.broadcast %get3A_27 : vector<1x64xf32> to vector<1024x64xf32>
    %add3A_29 = arith.addf %add3A_24, %add3A_28 : vector<1024x64xf32>
    %concatenate3A = tpu.concatenate %add3A_13, %add3A_29 in 1 : vector<1024x64xf32>, vector<1024x64xf32> -> vector<1024x128xf32>
    %swap3A = arith.constant 0 : index
    %swap3A_30 = arith.constant 0 : index
    %swap3A_31 = vector.load %arg4[%swap3A, %swap3A_30] : memref<1024x128xf32, #tpu.memory_space<vmem>>, vector<1024x128xf32>
    tpu.vector_store %arg4[%swap3A, %swap3A_30], %concatenate3A {strides = array<i32>} : memref<1024x128xf32, #tpu.memory_space<vmem>>, vector<1024x128xf32>,
    return
  }
  func.func @transform_0(%arg0: i32) -> (i32, i32, i32) {
    %c0_i32 = arith.constant 0 : i32
    %c0_i32_0 = arith.constant 0 : i32
    %c0_i32_1 = arith.constant 0 : i32
    return %c0_i32, %arg0, %c0_i32_0 : i32, i32, i32
  }
  func.func @transform_1(%arg0: i32) -> (i32, i32, i32) {
    %c0_i32 = arith.constant 0 : i32
    %c0_i32_0 = arith.constant 0 : i32
    %c0_i32_1 = arith.constant 0 : i32
    return %c0_i32, %arg0, %c0_i32_0 : i32, i32, i32
  }
  func.func @transform_2(%arg0: i32) -> (i32, i32) {
    %c0_i32 = arith.constant 0 : i32
    %c0_i32_0 = arith.constant 0 : i32
    %c0_i32_1 = arith.constant 0 : i32
    return %c0_i32, %c0_i32_0 : i32, i32
  }
  func.func @transform_3(%arg0: i32) -> (i32, i32) {
    %c0_i32 = arith.constant 0 : i32
    %c0_i32_0 = arith.constant 0 : i32
    return %arg0, %c0_i32 : i32, i32
  }
}

</mosaic_0001>

<sc_bundles>
// kernel: kernel.12.cloned.1.call-start
scs
__scs_entry_jumppad:
0x0: {  	(pc) =	sbr.rel $0x88, $3  }
0x1: {  	(tag) =	ssettag $0x0;
	lr =	simm.s32 $0x1  }
0x2: {  	[smem:$0x3F91] =	sst lr;
	_ =	strace $0xD0000000  }
0x3: {  	_ = 	snop  }
0x4: {  	_ = 	snop  }
0x5: {  	_ = 	snop  }
0x6: {  	_ = 	snop  }
0x7: {  	_ = 	snop  }
__scs_overlays_trampoline_lowered:
0x8: {  	[smem:$0x3FA0] =	sst s0  }
0x9: {  	[smem:$0x3FA1] =	sst s1  }
0xa: {  	[smem:$0x3FA2] =	sst s2  }
0xb: {  	[smem:$0x3FA3] =	sst s3  }
0xc: {  	[smem:$0x3FA4] =	sst s4  }
0xd: {  	[smem:$0x3FA5] =	sst s5  }
0xe: {  	[smem:$0x3FA6] =	sst s6  }
0xf: {  	[smem:$0x3FA7] =	sst s7  }
0x10: {  	[smem:$0x3FA8] =	sst s8  }
0x11: {  	[smem:$0x3FA9] =	sst s9;
	s0 =	simm.s32 @!p0 $0x0  }
0x12: {  	s1 =	sld [smem:$0x3F8F];
	s0 =	simm.s32 @p0 $0x1  }
0x13: {  	[smem:$0x3FAA] =	sst s0;
	s0 =	simm.s32 @!p1 $0x0  }
0x14: {  	s2 =	sld [smem:$0x3F8E];
	s0 =	simm.s32 @p1 $0x1  }
0x15: {  	[smem:$0x3FAB] =	sst s0;
	s0 =	simm.s32 @!p2 $0x0  }
0x16: {  	s3 =	sld [smem:$0x3FDB];
	s0 =	simm.s32 @p2 $0x1  }
0x17: {  	s4 =	simm.s32 $0x1BF5;
	[smem:$0x3FAD] =	sst s0  }
0x18: {  	s0 =	sld [smem:$0x3F90];
	_ =	swait.ge [sflag:s4], $0x0  }
0x19: {  	s7 =	sld [smem:$0x3F91]  }
0x1a: {  	s8 =	sadd.s32 $0xFFFFE003, lr  }
0x1b: {  	s9 =	sadd.s32 $0xFFFFFEF7, lr;
	s5 =	simm.s32 $0xFFFFFFFF;
	p2 =	slt.u32 s8, $0xFFFFF086  }
0x1c: {  	p1 =	slt.u32 s9, $0xF7A;
	s5 =	simm.s32 @!p2 $0x0  }
0x1d: {  	s5 =	simm.s32 @p1 $0x1;
	p0 =	seq.s32 s7, s2  }
0x1e: {  	s7 =	smul.u32 @!p0 $0xF7A, s2;
	p2 =	seq.s32 @!p0 s5, $0x0  }
0x1f: {  	s9 =	smul.u32 $0xF7A, s1;
	s8 =	simm.s32 @!p0 $0x1BF5;
	p2 =	por !p2, p0  }
0x20: {  	[sflag:s8] =	ssyncset.s32 @!p0 $0xFFFFF086;
	s6 =	sadd.s32 @!p0 s3, s7;
	s7 =	simm.s32 @!p0 $0x108  }
0x21: {  	s3 =	sadd.s32 s3, s9;
	s6 =	sadd.s32 @!p0 $0x88, s6;
	s7 =	simm.s32 @p2 $0x1082  }
0x22: {  	[simem:s7], [sflag:s8] =	dma.local @!p0 [hbm:s6], $0xF7A  }
0x23: {  	s9 =	sor.u32 $0xD0000000, s2;
	s6 =	simm.s32 $0x108;
	_ =	swait.ge @!p0 [sflag:s8], $0x0  }
0x24: {  	s3 =	sadd.s32 $0x88, s3;
	s6 =	simm.s32 @!p1 $0x1082;
	[sflag:s4] =	ssyncset.s32 $0xFFFFF086  }
0x25: {  	[simem:s6], [sflag:s4] =	dma.local [hbm:s3], $0xF7A  }
0x26: {  	[smem:$0x3F91] =	sst s1;
	(tag) =	ssettag s2;
	_ =	strace s9  }
0x27: {  	s1 =	sld [smem:$0x3FA1]  }
0x28: {  	s2 =	sld [smem:$0x3FA2]  }
0x29: {  	s4 =	sld [smem:$0x3FA4]  }
0x2a: {  	p0 =	seq.s32 s5, $0x0;
	s5 =	sld [smem:$0x3FA5]  }
0x2b: {  	s6 =	sld [smem:$0x3FA6]  }
0x2c: {  	s7 =	sld [smem:$0x3FA7]  }
0x2d: {  	s3 =	simm.s32 $0x108;
	s8 =	sld [smem:$0x3FA8]  }
0x2e: {  	s3 =	simm.s32 @!p0 $0x1082;
	s9 =	sld [smem:$0x3FA9]  }
0x2f: {  	lr =	sadd.s32 s0, s3;
	s0 =	sld [smem:$0x3FA0]  }
0x30: {  	s3 =	sld [smem:$0x3FA3]  }
0x31: {  	[smem:$0x3FAC] =	sst s10  }
0x32: {  	s10 =	sld [smem:$0x3FAA];
	_ =	sdelay $0x3  }
0x33: {  	p0 =	seq.s32 s10, $0x1;
	s10 =	sld [smem:$0x3FAC];
	_ =	sdelay $0x3  }
0x34: {  	[smem:$0x3FAC] =	sst s10  }
0x35: {  	s10 =	sld [smem:$0x3FAB];
	_ =	sdelay $0x3  }
0x36: {  	p1 =	seq.s32 s10, $0x1;
	s10 =	sld [smem:$0x3FAC];
	_ =	sdelay $0x3  }
0x37: {  	[smem:$0x3FAC] =	sst s10  }
0x38: {  	s10 =	sld [smem:$0x3FAD]  }
0x39: {  	_ = 	snop;
	(pc) =	sbr.ind lr, $3  }
0x3a: {  	_ = 	snop  }
0x3b: {  	_ = 	snop  }
0x3c: {  	p2 =	seq.s32 s10, $0x1;
	s10 =	sld [smem:$0x3FAC]  }
0x3d: {  	_ =	shalt  }
0x3e: {  	_ =	shalt  }
0x3f: {  	_ =	shalt  }
0x40: {  	_ =	shalt  }
0x41: {  	_ =	shalt  }
0x42: {  	_ =	shalt  }
0x43: {  	_ =	shalt  }
0x44: {  	_ =	shalt  }
0x45: {  	_ =	shalt  }
0x46: {  	_ =	shalt  }
0x47: {  	_ =	shalt  }
0x48: {  	_ =	shalt  }
0x49: {  	_ =	shalt  }
0x4a: {  	_ =	shalt  }
0x4b: {  	_ =	shalt  }
0x4c: {  	_ =	shalt  }
0x4d: {  	_ =	shalt  }
0x4e: {  	_ =	shalt  }
0x4f: {  	_ =	shalt  }
0x50: {  	_ =	shalt  }
0x51: {  	_ =	shalt  }
0x52: {  	_ =	shalt  }
0x53: {  	_ =	shalt  }
0x54: {  	_ =	shalt  }
0x55: {  	_ =	shalt  }
0x56: {  	_ =	shalt  }
0x57: {  	_ =	shalt  }
0x58: {  	_ =	shalt  }
0x59: {  	_ =	shalt  }
0x5a: {  	_ =	shalt  }
0x5b: {  	_ =	shalt  }
0x5c: {  	_ =	shalt  }
0x5d: {  	_ =	shalt  }
0x5e: {  	_ =	shalt  }
0x5f: {  	_ =	shalt  }
0x60: {  	_ =	shalt  }
0x61: {  	_ =	shalt  }
0x62: {  	_ =	shalt  }
0x63: {  	_ =	shalt  }
0x64: {  	_ =	shalt  }
0x65: {  	_ =	shalt  }
0x66: {  	_ =	shalt  }
0x67: {  	_ =	shalt  }
0x68: {  	_ =	shalt  }
0x69: {  	_ =	shalt  }
0x6a: {  	_ =	shalt  }
0x6b: {  	_ =	shalt  }
0x6c: {  	_ =	shalt  }
0x6d: {  	_ =	shalt  }
0x6e: {  	_ =	shalt  }
0x6f: {  	_ =	shalt  }
0x70: {  	_ =	shalt  }
0x71: {  	_ =	shalt  }
0x72: {  	_ =	shalt  }
0x73: {  	_ =	shalt  }
0x74: {  	_ =	shalt  }
0x75: {  	_ =	shalt  }
0x76: {  	_ =	shalt  }
0x77: {  	_ =	shalt  }
0x78: {  	_ =	shalt  }
0x79: {  	_ =	shalt  }
0x7a: {  	_ =	shalt  }
0x7b: {  	_ =	shalt  }
0x7c: {  	_ =	shalt  }
0x7d: {  	_ =	shalt  }
0x7e: {  	_ =	shalt  }
0x7f: {  	_ =	shalt  }
0x80: {  	_ =	shalt  }
0x81: {  	_ =	shalt  }
0x82: {  	_ =	shalt  }
0x83: {  	_ =	shalt  }
0x84: {  	_ =	shalt  }
0x85: {  	_ =	shalt  }
0x86: {  	_ =	shalt  }
0x87: {  	_ =	shalt  }
.Lfunc_end0:
.L_simem_size_0:
called_computation_lowered:
.L_overlay_start_0:
0x88: {  	s2 =	sld [smem:$0x3FD9]  }
0x89: {  	s3 =	sld [smem:$0x3FFE];
	_ =	sdelay $0x1  }
0x8a: {  	s1 =	srdreg.scid  }
0x8b: {  	s0 =	sand.u32 $0x1, s1  }
0x8c: {  	s17 =	sshll.u32 s0, $0xA;
	s2 =	sadd.s32 s3, s2  }
0x8d: {  	s2 =	sadd.s32 s2, s17  }
0x8e: {  	[smem:$0x3FB8] =	sst s2  }
0x8f: {  	_ = 	snop  }
0x90: {  	s2 =	sld [smem:$0x3FD0];
	(tm) =	ssettm $0x1  }
0x91: {  	s18 =	sld [smem:$0x3FFB];
	_ =	sdelay $0x3  }
0x92: {  	_ =	strace s18  }
0x93: {  	s3 =	sld [smem:$0x3FFC];
	_ =	sdelay $0x3  }
0x94: {  	_ =	strace s3  }
0x95: {  	s3 =	sld [smem:$0x3FFD];
	_ =	sdelay $0x3  }
0x96: {  	_ =	strace s3  }
0x97: {  	_ =	strace $0x8FFFFFFF  }
0x98: {  	s19 =	sld [smem:$0x3FDB];
	_ =	sdelay $0x1  }
0x99: {  	s4 =	simm.s32 $_scs_section_size  }
0x9a: {  	s5 =	simm.s32 $_size__tile_overlayer_lowered;
	s6 =	simm.s32 $_tile_overlayer_lowered  }
0x9b: {  	s22 =	simm.s32 $0x1BFF;
	s21 =	sshll.u32 s6, $0x1;
	s3 =	sadd.s32 s4, s19  }
0x9c: {  	s7 =	simm.s32 $0x0;
	s20 =	sshll.u32 s5, $0x1;
	s5 =	sadd.s32 s21, s3  }
0x9d: {  	[timem:s7], [sflag:s22] =	dma.local [hbm:s5], s20  }
0x9e: {  	_ =	swait.ge [sflag:s22], s20  }
0x9f: {  	s4 =	ssub.s32 $0x0, s20;
	[sflag:s22] =	ssyncset.done $0x0  }
0xa0: {  	[sflag:s22] =	ssyncadd.s32 s4;
	_ =	sdelay $0x1  }
0xa1: {  	s23 =	simm.s32 $0x1B8B  }
0xa2: {  	_ =	swait.ge [sflag:s23], $0x1  }
0xa3: {  	[sflag:s23] =	ssyncset.done $0x0  }
0xa4: {  	s25 =	simm.s32 $0x1B8E;
	s24 =	sld [smem:$0x3FFE];
	[sflag:s23] =	ssyncadd.s32 $0xFFFFFFFF  }
0xa5: {  	s26 =	simm.s32 $execute0_lowered;
	[smem:$0x3FD2] =	sst s25  }
0xa6: {  	s5 =	sshll.u32 s26, $0x1;
	_ =	strace $0x80000046;
	[dreg:$0x1] =	wrdreg $0xFFFFFFFF  }
0xa7: {  	s28 =	simm.s32 $_size_execute0_lowered;
	s3 =	sadd.s32 s3, s5;
	[dreg:$0x0] =	wrdreg $0x0  }
0xa8: {  	s5 =	sshll.u32 s28, $0x1;
	[dreg:$0x2] =	wrdreg s3  }
0xa9: {  	[dreg:$0x3] =	wrdreg s5  }
0xaa: {  	[dreg:$0x4] =	wrdreg $0xC0  }
0xab: {  	_ =	task [dreg:s7], $0x5FFFF  }
0xac: {  	[dreg:$0x1] =	wrdreg $0xFFFFFFFF  }
0xad: {  	[dreg:$0x0] =	wrdreg $0x60  }
0xae: {  	[dreg:$0x2] =	wrdreg s24  }
0xaf: {  	[dreg:$0x3] =	wrdreg s2  }
0xb0: {  	[dreg:$0x4] =	wrdreg $0x116200  }
0xb1: {  	[dreg:$0x5] =	wrdreg $0x76200  }
0xb2: {  	[dreg:$0x6] =	wrdreg $0x9  }
0xb3: {  	_ =	task.clear_ibuf [dreg:s7], $0x7FFFF;
	_ =	strace $0x90000046  }
0xb4: {  	s29 =	simm.s32 $0x9;
	_ =	strace $0x80000048  }
0xb5: {  	_ =	swait.ge [sflag:s29], $0x1  }
0xb6: {  	[sflag:s29] =	ssyncadd.s32 $0xFFFFFFFF  }
0xb7: {  	_ =	strace $0x90000048  }
0xb8: {  	_ =	sfence  }
0xb9: {  	s30 =	sld [smem:$0x0];
	_ =	sdelay $0x2  }
0xba: {  	s31 =	sshll.u32 s1, $0xD;
	s1 =	sshrl.u32 s1, $0x2  }
0xbb: {  	s3 =	sand.u32 $0x4000, s31;
	s1 =	sadd.s32 s1, s30  }
0xbc: {  	s0 =	sor.u32 s3, s0;
	s1 =	sshll.u32 s1, $0x11  }
0xbd: {  	s0 =	sor.u32 s1, s0  }
0xbe: {  	s0 =	sadd.s32 $0x8F2B, s0  }
0xbf: {  	[sflag:s0] =	ssyncadd.remote.s32 $0x1  }
0xc0: {  	_ =	sfence.sel $0xFFFF  }
0xc1: {  	[dreg:$0x0] =	wrdreg $0xFFFFFFFF;
	(pc) =	sbr.abs _section_cstart, $3  }
0xc2: {  	[dreg:$0x1] =	wrdreg $0xFFFFFFFF  }
0xc3: {  	_ =	task.clear_ibuf [dreg:s7], $0x2FFFF;
	_ =	strace $0x9FFFFFFF  }
0xc4: {  	(tm) =	ssettm $0x7FFFFFFF  }
0xc5: {  	_ =	shalt  }
tec
execute0_lowered:
.L_overlay_start_1:
0x0: {  	(tag) =	ssettag $0x1  }
0x1: {  	s5 =	rddreg [dreg:$0x0]  }
0x2: {  	s7 =	rddreg [dreg:$0x1]  }
0x3: {  	s1 =	srdreg.scid;
	s2 =	rddreg [dreg:$0x2]  }
0x4: {  	s0 =	stileid.u32;
	s3 =	rddreg [dreg:$0x3]  }
0x5: {  	s4 =	simm.s32 $0x0;
	s16 =	simm.s32 $0x4E20;
	s17 =	simm.s32 $0x50  }
0x6: {  	s18 =	simm.s32 $0x1;
	s19 =	simm.s32 $0x4DD0;
	s20 =	simm.s32 $0x0  }
0x7: {  	s6 =	sand.u32 $0x1, s1;
	s30 =	sshll.u32 s0, $0x1;
	s9 =	smul.u32 $0xA000, s0  }
0x8: {  	[smem:$0x7FF] =	sst s4;
	s1 =	sor.u32 s6, s30;
	s10 =	smul.u32 $0xA0000, s6  }
0x9: {  	s31 =	sshll.u32 s0, $0x6;
	s6 =	ssub.s32 $0x2, s6;
	s8 =	smul.u32 $0x2710, s1  }
0xa: {  	s1 =	rddreg [dreg:$0x4];
	_ =	strace $0x80000047;
	s11 =	sshrl.u32 s9, $0x3  }
0xb: {  	s13 =	sshrl.u32 s6, $0x1;
	s14 =	sadd.s32 s9, s2;
	s15 =	sadd.s32 s9, s3  }
0xc: {  	s10 =	sadd.s32 s9, s10;
	s12 =	sadd.s32 s11, s5;
	s13 =	ssub.s32 s6, s13  }
0xd: {  	s7 =	sadd.s32 s7, s11;
	s8 =	sshrl.u32 s8, $0x3;
	s10 =	sshrl.u32 s10, $0x3  }
0xe: {  	s9 =	sadd.s32 $0x16800, s12;
	s11 =	smax.u32 s13, $0x1;
	s12 =	sshrl.u32 s14, $0x3  }
0xf: {  	s13 =	simm.s32 $0x3;
	s14 =	sshrl.u32 s15, $0x3;
	s8 =	sadd.s32 s8, s5  }
0x10: {  	s15 =	simm.s32 $0x2;
	s10 =	sadd.s32 s10, s5;
	s5 =	sadd.s32 $0x2E00, s8  }
0x11: {  	s6 =	sadd.s32 $0xCA40, s8;
	s8 =	sor.u32 $0x1C03, s31;
	s10 =	sadd.s32 $0x2A800, s10  }
.LBB2_1:
0x12: {  	[tilespmem:s4], [sflag:$0x2] =	stream.linear.gather [hbm4b:s5+s4], $0x2710, $0x38;
	[tilespmem:$0x1B620] =	vst v63  }
0x13: {  	s21 =	simm.s32 $0x2710  }
0x14: {  	[tilespmem:s21], [sflag:$0x2] =	stream.linear.gather [hbm4b:s6+s4], $0x2710, $0x38;
	[tilespmem:$0x1B620] =	vst v63  }
0x15: {  	[spmem:s12], [sflag:s8] =	dma.local [hbm:s7], $0x1400  }
0x16: {  	_ =	swait.ge [sflag:s13], $0x1400  }
0x17: {  	[sflag:s13] =	ssyncset.done $0x0  }
0x18: {  	[sflag:s13] =	ssyncadd.s32 $0xFFFFEC00  }
0x19: {  	[spmem:s14], [sflag:s8] =	dma.local [hbm:s9], $0x1400  }
0x1a: {  	_ =	swait.ge [sflag:s13], $0x1400  }
0x1b: {  	[sflag:s13] =	ssyncset.done $0x0  }
0x1c: {  	[sflag:s13] =	ssyncadd.s32 $0xFFFFEC00  }
0x1d: {  	_ =	swait.ge [sflag:s15], $0x2710  }
0x1e: {  	[sflag:s15] =	ssyncset.done $0x0  }
0x1f: {  	s22 =	sand.u32 $0x1, s4;
	[sflag:s15] =	ssyncadd.s32 $0xFFFFD8F0  }
0x20: {  	s23 =	sxor.u32 $0x1, s22;
	_ =	swait.ge [sflag:s15], $0x2710  }
0x21: {  	s23 =	smul.u32 $0x5000, s23;
	[sflag:s15] =	ssyncset.done $0x0  }
0x22: {  	[sflag:s15] =	ssyncadd.s32 $0xFFFFD8F0  }
0x23: {  	s23 =	sshrl.u32 s23, $0x2;
	[bflag:$0x0] =	sbarrier.arrive $0xFFFF  }
0x24: {  	[tilespmem:s16], [sflag:$0x1] =	stream.indirect.gather [spmem:s2], $0x40, s4, s17, $0xb8;
	[tilespmem:$0x1B620] =	vst v63  }
0x25: {  	s30 =	simm.s32 $0x1;
	s22 =	smul.u32 $0x5000, s22;
	s23 =	sadd.s32 $0x4E20, s23  }
0x26: {  	[tilespmem:s23], [sflag:$0x1] =	stream.indirect.gather [spmem:s2], $0x40, s17, s17, $0xb8;
	[tilespmem:$0x1B620] =	vst v63  }
0x27: {  	s22 =	sshrl.u32 s22, $0x2;
	s23 =	sand.u32 $0x1, s30;
	_ =	swait.ge [sflag:s18], $0x1400  }
0x28: {  	s31 =	sxor.u32 $0x1, s23;
	s23 =	smul.u32 $0x5000, s23;
	[sflag:s18] =	ssyncset.done $0x0  }
0x29: {  	s22 =	sadd.s32 $0x4E20, s22;
	s25 =	smul.u32 $0x5000, s31;
	[sflag:s18] =	ssyncadd.s32 $0xFFFFEC00  }
0x2a: {  	[spmem:s3] =	stream.indirect.scatter.add.f32 [tilespmem:s22], [sflag:$0x3], $0x40, s21, s17, $0xb8;
	[tilespmem:$0x1B620] =	vst v63  }
0x2b: {  	s24 =	simm.s32 $0x2;
	s22 =	simm.s32 $0xA0;
	s21 =	simm.s32 $0x2760  }
.LBB2_2:
0x2c: {  	s25 =	sshrl.u32 s25, $0x2;
	s23 =	sshrl.u32 s23, $0x2  }
0x2d: {  	_ =	swait.ge [sflag:s13], $0x1400;
	s26 =	smov.u32 s24;
	s28 =	smov.u32 s21  }
0x2e: {  	s29 =	sadd.s32 $0x1, s24;
	s25 =	sadd.s32 $0x4E20, s25;
	[sflag:s13] =	ssyncset.done $0x0  }
0x2f: {  	p0 =	sne.s32 s24, $0x7B;
	[sflag:s13] =	ssyncadd.s32 $0xFFFFEC00  }
0x30: {  	[tilespmem:s25], [sflag:$0x1] =	stream.indirect.gather [spmem:s2], $0x40, s22, s17, $0xb8;
	[tilespmem:$0x1B620] =	vst v63  }
.Ltmp0:
0x31: {  	s21 =	sadd.s32 $0x50, s21;
	s22 =	sadd.s32 $0x50, s22;
	(pc) =	sbr.rel @p0 .LBB2_2-.Ltmp0, $4  }
0x32: {  	s24 =	sand.u32 $0x1, s26;
	s26 =	sadd.s32 $0x4E20, s23;
	_ =	swait.ge [sflag:s18], $0x1400  }
0x33: {  	s23 =	smul.u32 $0x5000, s24;
	s25 =	sxor.u32 $0x1, s24;
	[sflag:s18] =	ssyncset.done $0x0  }
0x34: {  	s24 =	smov.u32 s29;
	s25 =	smul.u32 $0x5000, s25;
	[sflag:s18] =	ssyncadd.s32 $0xFFFFEC00  }
0x35: {  	[spmem:s3] =	stream.indirect.scatter.add.f32 [tilespmem:s26], [sflag:$0x3], $0x40, s28, s17, $0xb8;
	[tilespmem:$0x1B620] =	vst v63  }
0x36: {  	_ =	swait.ge [sflag:s13], $0x1400  }
0x37: {  	s24 =	sshrl.u32 s25, $0x2;
	[sflag:s13] =	ssyncset.done $0x0  }
0x38: {  	s24 =	sadd.s32 $0x4E20, s24;
	[sflag:s13] =	ssyncadd.s32 $0xFFFFEC00  }
0x39: {  	[tilespmem:s24], [sflag:$0x1] =	stream.indirect.gather [spmem:s2], $0x40, s22, s17, $0xb8;
	[tilespmem:$0x1B620] =	vst v63  }
0x3a: {  	_ =	swait.ge [sflag:s18], $0x1400  }
0x3b: {  	s31 =	sshrl.u32 s23, $0x2;
	[sflag:s18] =	ssyncset.done $0x0  }
0x3c: {  	s22 =	sadd.s32 $0x4E20, s31;
	[sflag:s18] =	ssyncadd.s32 $0xFFFFEC00  }
0x3d: {  	[spmem:s3] =	stream.indirect.scatter.add.f32 [tilespmem:s22], [sflag:$0x3], $0x40, s21, s17, $0xb8;
	[tilespmem:$0x1B620] =	vst v63  }
0x3e: {  	_ =	swait.ge [sflag:s13], $0x1400  }
0x3f: {  	[sflag:s13] =	ssyncset.done $0x0  }
0x40: {  	[sflag:s13] =	ssyncadd.s32 $0xFFFFEC00  }
0x41: {  	_ =	swait.ge [sflag:s18], $0x1400  }
0x42: {  	[sflag:s18] =	ssyncset.done $0x0  }
0x43: {  	[sflag:s18] =	ssyncadd.s32 $0xFFFFEC00  }
0x44: {  	[spmem:s3] =	stream.indirect.scatter.add.f32 [tilespmem:s16], [sflag:$0x3], $0x40, s19, s17, $0xb8;
	[tilespmem:$0x1B620] =	vst v63  }
0x45: {  	_ =	swait.ge [sflag:s13], $0x1400  }
0x46: {  	s20 =	sadd.s32 $0x1, s20;
	[sflag:s13] =	ssyncset.done $0x0  }
0x47: {  	p0 =	sne.s32 s20, s11;
	[sflag:s13] =	ssyncadd.s32 $0xFFFFEC00  }
.Ltmp1:
0x48: {  	[bflag:$0x0] =	sbarrier.arrive $0xFFFF;
	(pc) =	sbr.rel @p0 .LBB2_1-.Ltmp1, $4  }
0x49: {  	[hbm:s10], [sflag:s8] =	dma.local [spmem:s14], $0x1400  }
0x4a: {  	_ =	swait.ge [sflag:s13], $0x1400  }
0x4b: {  	[sflag:s13] =	ssyncset.done $0x0  }
0x4c: {  	[sflag:s13] =	ssyncadd.s32 $0xFFFFEC00  }
0x4d: {  	_ =	sfence.sel $0x180000  }
0x4e: {  	[bflag:$0x0] =	sbarrier.arrive $0xFFFF  }
0x4f: {  	p0 =	sne.s32 s0, $0x0;
	_ =	strace $0x90000047  }
0x50: {  	s0 =	sadd.s32 @!p0 $0x100000, s1;
	[bflag:$0x2] =	sbarrier.arrive $0xFFFF  }
0x51: {  	[sflag:s0] =	ssyncadd.tile.s32 @!p0 $0x1;
	_ =	shalt  }
.Lfunc_end2:
_tile_overlayer_lowered:
.L_overlay_start_2:
0x52: {  	(tag) =	ssettag $0x2  }
0x53: {  	s0 =	rddreg [dreg:$0x0];
	s2 =	stileid.u32  }
0x54: {  	s1 =	rddreg [dreg:$0x1];
	p0 =	sne.s32 s2, $0x0  }
0x55: {  	s3 =	rddreg [dreg:$0x2];
	[bflag:$0x3] =	sbarrier.arrive $0xFFFF;
	s2 =	simm.s32 @!p0 $0x1C03  }
0x56: {  	[timem:s3], [sflag:s2] =	dma.local @!p0 [hbm:s0], s1  }
0x57: {  	s0 =	simm.s32 @!p0 $0x3  }
0x58: {  	_ =	swait.ge @!p0 [sflag:s0], s1  }
0x59: {  	s1 =	ssub.s32 @!p0 $0x0, s1;
	[sflag:s0] =	ssyncset.done @!p0 $0x0  }
0x5a: {  	[sflag:s0] =	ssyncadd.s32 @!p0 s1  }
0x5b: {  	[bflag:$0x3] =	sbarrier.arrive $0xFFFF  }
0x5c: {  	_ =	shalt  }

// kernel: kernel.15.cloned.1.call-start
scs
__scs_entry_jumppad:
0x0: {  	(pc) =	sbr.rel $0x88, $3  }
0x1: {  	(tag) =	ssettag $0x0;
	lr =	simm.s32 $0x1  }
0x2: {  	[smem:$0x3F91] =	sst lr;
	_ =	strace $0xD0000000  }
0x3: {  	_ = 	snop  }
0x4: {  	_ = 	snop  }
0x5: {  	_ = 	snop  }
0x6: {  	_ = 	snop  }
0x7: {  	_ = 	snop  }
__scs_overlays_trampoline_lowered:
0x8: {  	[smem:$0x3FA0] =	sst s0  }
0x9: {  	[smem:$0x3FA1] =	sst s1  }
0xa: {  	[smem:$0x3FA2] =	sst s2  }
0xb: {  	[smem:$0x3FA3] =	sst s3  }
0xc: {  	[smem:$0x3FA4] =	sst s4  }
0xd: {  	[smem:$0x3FA5] =	sst s5  }
0xe: {  	[smem:$0x3FA6] =	sst s6  }
0xf: {  	[smem:$0x3FA7] =	sst s7  }
0x10: {  	[smem:$0x3FA8] =	sst s8  }
0x11: {  	[smem:$0x3FA9] =	sst s9;
	s0 =	simm.s32 @!p0 $0x0  }
0x12: {  	s1 =	sld [smem:$0x3F8F];
	s0 =	simm.s32 @p0 $0x1  }
0x13: {  	[smem:$0x3FAA] =	sst s0;
	s0 =	simm.s32 @!p1 $0x0  }
0x14: {  	s2 =	sld [smem:$0x3F8E];
	s0 =	simm.s32 @p1 $0x1  }
0x15: {  	[smem:$0x3FAB] =	sst s0;
	s0 =	simm.s32 @!p2 $0x0  }
0x16: {  	s3 =	sld [smem:$0x3FDB];
	s0 =	simm.s32 @p2 $0x1  }
0x17: {  	s4 =	simm.s32 $0x1BF5;
	[smem:$0x3FAD] =	sst s0  }
0x18: {  	s0 =	sld [smem:$0x3F90];
	_ =	swait.ge [sflag:s4], $0x0  }
0x19: {  	s7 =	sld [smem:$0x3F91]  }
0x1a: {  	s8 =	sadd.s32 $0xFFFFE003, lr  }
0x1b: {  	s9 =	sadd.s32 $0xFFFFFEF7, lr;
	s5 =	simm.s32 $0xFFFFFFFF;
	p2 =	slt.u32 s8, $0xFFFFF086  }
0x1c: {  	p1 =	slt.u32 s9, $0xF7A;
	s5 =	simm.s32 @!p2 $0x0  }
0x1d: {  	s5 =	simm.s32 @p1 $0x1;
	p0 =	seq.s32 s7, s2  }
0x1e: {  	s7 =	smul.u32 @!p0 $0xF7A, s2;
	p2 =	seq.s32 @!p0 s5, $0x0  }
0x1f: {  	s9 =	smul.u32 $0xF7A, s1;
	s8 =	simm.s32 @!p0 $0x1BF5;
	p2 =	por !p2, p0  }
0x20: {  	[sflag:s8] =	ssyncset.s32 @!p0 $0xFFFFF086;
	s6 =	sadd.s32 @!p0 s3, s7;
	s7 =	simm.s32 @!p0 $0x108  }
0x21: {  	s3 =	sadd.s32 s3, s9;
	s6 =	sadd.s32 @!p0 $0x88, s6;
	s7 =	simm.s32 @p2 $0x1082  }
0x22: {  	[simem:s7], [sflag:s8] =	dma.local @!p0 [hbm:s6], $0xF7A  }
0x23: {  	s9 =	sor.u32 $0xD0000000, s2;
	s6 =	simm.s32 $0x108;
	_ =	swait.ge @!p0 [sflag:s8], $0x0  }
0x24: {  	s3 =	sadd.s32 $0x88, s3;
	s6 =	simm.s32 @!p1 $0x1082;
	[sflag:s4] =	ssyncset.s32 $0xFFFFF086  }
0x25: {  	[simem:s6], [sflag:s4] =	dma.local [hbm:s3], $0xF7A  }
0x26: {  	[smem:$0x3F91] =	sst s1;
	(tag) =	ssettag s2;
	_ =	strace s9  }
0x27: {  	s1 =	sld [smem:$0x3FA1]  }
0x28: {  	s2 =	sld [smem:$0x3FA2]  }
0x29: {  	s4 =	sld [smem:$0x3FA4]  }
0x2a: {  	p0 =	seq.s32 s5, $0x0;
	s5 =	sld [smem:$0x3FA5]  }
0x2b: {  	s6 =	sld [smem:$0x3FA6]  }
0x2c: {  	s7 =	sld [smem:$0x3FA7]  }
0x2d: {  	s3 =	simm.s32 $0x108;
	s8 =	sld [smem:$0x3FA8]  }
0x2e: {  	s3 =	simm.s32 @!p0 $0x1082;
	s9 =	sld [smem:$0x3FA9]  }
0x2f: {  	lr =	sadd.s32 s0, s3;
	s0 =	sld [smem:$0x3FA0]  }
0x30: {  	s3 =	sld [smem:$0x3FA3]  }
0x31: {  	[smem:$0x3FAC] =	sst s10  }
0x32: {  	s10 =	sld [smem:$0x3FAA];
	_ =	sdelay $0x3  }
0x33: {  	p0 =	seq.s32 s10, $0x1;
	s10 =	sld [smem:$0x3FAC];
	_ =	sdelay $0x3  }
0x34: {  	[smem:$0x3FAC] =	sst s10  }
0x35: {  	s10 =	sld [smem:$0x3FAB];
	_ =	sdelay $0x3  }
0x36: {  	p1 =	seq.s32 s10, $0x1;
	s10 =	sld [smem:$0x3FAC];
	_ =	sdelay $0x3  }
0x37: {  	[smem:$0x3FAC] =	sst s10  }
0x38: {  	s10 =	sld [smem:$0x3FAD]  }
0x39: {  	_ = 	snop;
	(pc) =	sbr.ind lr, $3  }
0x3a: {  	_ = 	snop  }
0x3b: {  	_ = 	snop  }
0x3c: {  	p2 =	seq.s32 s10, $0x1;
	s10 =	sld [smem:$0x3FAC]  }
0x3d: {  	_ =	shalt  }
0x3e: {  	_ =	shalt  }
0x3f: {  	_ =	shalt  }
0x40: {  	_ =	shalt  }
0x41: {  	_ =	shalt  }
0x42: {  	_ =	shalt  }
0x43: {  	_ =	shalt  }
0x44: {  	_ =	shalt  }
0x45: {  	_ =	shalt  }
0x46: {  	_ =	shalt  }
0x47: {  	_ =	shalt  }
0x48: {  	_ =	shalt  }
0x49: {  	_ =	shalt  }
0x4a: {  	_ =	shalt  }
0x4b: {  	_ =	shalt  }
0x4c: {  	_ =	shalt  }
0x4d: {  	_ =	shalt  }
0x4e: {  	_ =	shalt  }
0x4f: {  	_ =	shalt  }
0x50: {  	_ =	shalt  }
0x51: {  	_ =	shalt  }
0x52: {  	_ =	shalt  }
0x53: {  	_ =	shalt  }
0x54: {  	_ =	shalt  }
0x55: {  	_ =	shalt  }
0x56: {  	_ =	shalt  }
0x57: {  	_ =	shalt  }
0x58: {  	_ =	shalt  }
0x59: {  	_ =	shalt  }
0x5a: {  	_ =	shalt  }
0x5b: {  	_ =	shalt  }
0x5c: {  	_ =	shalt  }
0x5d: {  	_ =	shalt  }
0x5e: {  	_ =	shalt  }
0x5f: {  	_ =	shalt  }
0x60: {  	_ =	shalt  }
0x61: {  	_ =	shalt  }
0x62: {  	_ =	shalt  }
0x63: {  	_ =	shalt  }
0x64: {  	_ =	shalt  }
0x65: {  	_ =	shalt  }
0x66: {  	_ =	shalt  }
0x67: {  	_ =	shalt  }
0x68: {  	_ =	shalt  }
0x69: {  	_ =	shalt  }
0x6a: {  	_ =	shalt  }
0x6b: {  	_ =	shalt  }
0x6c: {  	_ =	shalt  }
0x6d: {  	_ =	shalt  }
0x6e: {  	_ =	shalt  }
0x6f: {  	_ =	shalt  }
0x70: {  	_ =	shalt  }
0x71: {  	_ =	shalt  }
0x72: {  	_ =	shalt  }
0x73: {  	_ =	shalt  }
0x74: {  	_ =	shalt  }
0x75: {  	_ =	shalt  }
0x76: {  	_ =	shalt  }
0x77: {  	_ =	shalt  }
0x78: {  	_ =	shalt  }
0x79: {  	_ =	shalt  }
0x7a: {  	_ =	shalt  }
0x7b: {  	_ =	shalt  }
0x7c: {  	_ =	shalt  }
0x7d: {  	_ =	shalt  }
0x7e: {  	_ =	shalt  }
0x7f: {  	_ =	shalt  }
0x80: {  	_ =	shalt  }
0x81: {  	_ =	shalt  }
0x82: {  	_ =	shalt  }
0x83: {  	_ =	shalt  }
0x84: {  	_ =	shalt  }
0x85: {  	_ =	shalt  }
0x86: {  	_ =	shalt  }
0x87: {  	_ =	shalt  }
.Lfunc_end0:
.L_simem_size_0:
called_computation.1_lowered:
.L_overlay_start_0:
0x88: {  	s2 =	sld [smem:$0x3FD9]  }
0x89: {  	s3 =	sld [smem:$0x3FFE];
	_ =	sdelay $0x1  }
0x8a: {  	s1 =	srdreg.scid  }
0x8b: {  	s0 =	sand.u32 $0x1, s1  }
0x8c: {  	s17 =	sshll.u32 s0, $0xA;
	s2 =	sadd.s32 s3, s2  }
0x8d: {  	s2 =	sadd.s32 s2, s17  }
0x8e: {  	[smem:$0x3FB8] =	sst s2  }
0x8f: {  	_ = 	snop  }
0x90: {  	s2 =	sld [smem:$0x3FD0];
	(tm) =	ssettm $0x1  }
0x91: {  	s18 =	sld [smem:$0x3FFB];
	_ =	sdelay $0x3  }
0x92: {  	_ =	strace s18  }
0x93: {  	s3 =	sld [smem:$0x3FFC];
	_ =	sdelay $0x3  }
0x94: {  	_ =	strace s3  }
0x95: {  	s3 =	sld [smem:$0x3FFD];
	_ =	sdelay $0x3  }
0x96: {  	_ =	strace s3  }
0x97: {  	_ =	strace $0x8FFFFFFF  }
0x98: {  	s19 =	sld [smem:$0x3FDB];
	_ =	sdelay $0x1  }
0x99: {  	s4 =	simm.s32 $_scs_section_size  }
0x9a: {  	s5 =	simm.s32 $_size__tile_overlayer_lowered;
	s6 =	simm.s32 $_tile_overlayer_lowered  }
0x9b: {  	s22 =	simm.s32 $0x1BFF;
	s21 =	sshll.u32 s6, $0x1;
	s3 =	sadd.s32 s4, s19  }
0x9c: {  	s7 =	simm.s32 $0x0;
	s20 =	sshll.u32 s5, $0x1;
	s5 =	sadd.s32 s21, s3  }
0x9d: {  	[timem:s7], [sflag:s22] =	dma.local [hbm:s5], s20  }
0x9e: {  	_ =	swait.ge [sflag:s22], s20  }
0x9f: {  	s4 =	ssub.s32 $0x0, s20;
	[sflag:s22] =	ssyncset.done $0x0  }
0xa0: {  	[sflag:s22] =	ssyncadd.s32 s4;
	_ =	sdelay $0x1  }
0xa1: {  	s23 =	simm.s32 $0x1B8B  }
0xa2: {  	_ =	swait.ge [sflag:s23], $0x1  }
0xa3: {  	[sflag:s23] =	ssyncset.done $0x0  }
0xa4: {  	s25 =	simm.s32 $0x1B8E;
	s24 =	sld [smem:$0x3FFE];
	[sflag:s23] =	ssyncadd.s32 $0xFFFFFFFF  }
0xa5: {  	s26 =	simm.s32 $execute0_lowered;
	[smem:$0x3FD2] =	sst s25  }
0xa6: {  	s5 =	sshll.u32 s26, $0x1;
	_ =	strace $0x80000049;
	[dreg:$0x1] =	wrdreg $0xFFFFFFFF  }
0xa7: {  	s28 =	simm.s32 $_size_execute0_lowered;
	s3 =	sadd.s32 s3, s5;
	[dreg:$0x0] =	wrdreg $0x0  }
0xa8: {  	s5 =	sshll.u32 s28, $0x1;
	[dreg:$0x2] =	wrdreg s3  }
0xa9: {  	[dreg:$0x3] =	wrdreg s5  }
0xaa: {  	[dreg:$0x4] =	wrdreg $0xC0  }
0xab: {  	_ =	task [dreg:s7], $0x5FFFF  }
0xac: {  	[dreg:$0x1] =	wrdreg $0xFFFFFFFF  }
0xad: {  	[dreg:$0x0] =	wrdreg $0x60  }
0xae: {  	[dreg:$0x2] =	wrdreg s24  }
0xaf: {  	[dreg:$0x3] =	wrdreg s2  }
0xb0: {  	[dreg:$0x4] =	wrdreg $0x116200  }
0xb1: {  	[dreg:$0x5] =	wrdreg $0x76200  }
0xb2: {  	[dreg:$0x6] =	wrdreg $0x9  }
0xb3: {  	_ =	task.clear_ibuf [dreg:s7], $0x7FFFF;
	_ =	strace $0x90000049  }
0xb4: {  	s29 =	simm.s32 $0x9;
	_ =	strace $0x8000004B  }
0xb5: {  	_ =	swait.ge [sflag:s29], $0x1  }
0xb6: {  	[sflag:s29] =	ssyncadd.s32 $0xFFFFFFFF  }
0xb7: {  	_ =	strace $0x9000004B  }
0xb8: {  	_ =	sfence  }
0xb9: {  	s30 =	sld [smem:$0x0];
	_ =	sdelay $0x2  }
0xba: {  	s31 =	sshll.u32 s1, $0xD;
	s1 =	sshrl.u32 s1, $0x2  }
0xbb: {  	s3 =	sand.u32 $0x4000, s31;
	s1 =	sadd.s32 s1, s30  }
0xbc: {  	s0 =	sor.u32 s3, s0;
	s1 =	sshll.u32 s1, $0x11  }
0xbd: {  	s0 =	sor.u32 s1, s0  }
0xbe: {  	s0 =	sadd.s32 $0x8F2B, s0  }
0xbf: {  	[sflag:s0] =	ssyncadd.remote.s32 $0x1  }
0xc0: {  	_ =	sfence.sel $0xFFFF  }
0xc1: {  	[dreg:$0x0] =	wrdreg $0xFFFFFFFF;
	(pc) =	sbr.abs _section_cstart, $3  }
0xc2: {  	[dreg:$0x1] =	wrdreg $0xFFFFFFFF  }
0xc3: {  	_ =	task.clear_ibuf [dreg:s7], $0x2FFFF;
	_ =	strace $0x9FFFFFFF  }
0xc4: {  	(tm) =	ssettm $0x7FFFFFFF  }
0xc5: {  	_ =	shalt  }
tec
execute0_lowered:
.L_overlay_start_1:
0x0: {  	(tag) =	ssettag $0x1  }
0x1: {  	s5 =	rddreg [dreg:$0x0]  }
0x2: {  	s7 =	rddreg [dreg:$0x1]  }
0x3: {  	s1 =	srdreg.scid;
	s2 =	rddreg [dreg:$0x2]  }
0x4: {  	s0 =	stileid.u32;
	s3 =	rddreg [dreg:$0x3]  }
0x5: {  	s4 =	simm.s32 $0x0;
	s16 =	simm.s32 $0x4E20;
	s17 =	simm.s32 $0x50  }
0x6: {  	s18 =	simm.s32 $0x1;
	s19 =	simm.s32 $0x4DD0;
	s20 =	simm.s32 $0x0  }
0x7: {  	s6 =	sand.u32 $0x1, s1;
	s30 =	sshll.u32 s0, $0x1;
	s9 =	smul.u32 $0xA000, s0  }
0x8: {  	[smem:$0x7FF] =	sst s4;
	s1 =	sor.u32 s6, s30;
	s10 =	smul.u32 $0xA0000, s6  }
0x9: {  	s31 =	sshll.u32 s0, $0x6;
	s6 =	ssub.s32 $0x2, s6;
	s8 =	smul.u32 $0x2710, s1  }
0xa: {  	s1 =	rddreg [dreg:$0x4];
	_ =	strace $0x8000004A;
	s11 =	sshrl.u32 s9, $0x3  }
0xb: {  	s13 =	sshrl.u32 s6, $0x1;
	s14 =	sadd.s32 s9, s2;
	s15 =	sadd.s32 s9, s3  }
0xc: {  	s10 =	sadd.s32 s9, s10;
	s12 =	sadd.s32 s11, s5;
	s13 =	ssub.s32 s6, s13  }
0xd: {  	s7 =	sadd.s32 s7, s11;
	s8 =	sshrl.u32 s8, $0x3;
	s10 =	sshrl.u32 s10, $0x3  }
0xe: {  	s9 =	sadd.s32 $0x16800, s12;
	s11 =	smax.u32 s13, $0x1;
	s12 =	sshrl.u32 s14, $0x3  }
0xf: {  	s13 =	simm.s32 $0x3;
	s14 =	sshrl.u32 s15, $0x3;
	s8 =	sadd.s32 s8, s5  }
0x10: {  	s15 =	simm.s32 $0x2;
	s10 =	sadd.s32 s10, s5;
	s5 =	sadd.s32 $0x2E00, s8  }
0x11: {  	s6 =	sadd.s32 $0xCA40, s8;
	s8 =	sor.u32 $0x1C03, s31;
	s10 =	sadd.s32 $0x2A800, s10  }
.LBB2_1:
0x12: {  	[tilespmem:s4], [sflag:$0x2] =	stream.linear.gather [hbm4b:s5+s4], $0x2710, $0x38;
	[tilespmem:$0x1B620] =	vst v63  }
0x13: {  	s21 =	simm.s32 $0x2710  }
0x14: {  	[tilespmem:s21], [sflag:$0x2] =	stream.linear.gather [hbm4b:s6+s4], $0x2710, $0x38;
	[tilespmem:$0x1B620] =	vst v63  }
0x15: {  	[spmem:s12], [sflag:s8] =	dma.local [hbm:s7], $0x1400  }
0x16: {  	_ =	swait.ge [sflag:s13], $0x1400  }
0x17: {  	[sflag:s13] =	ssyncset.done $0x0  }
0x18: {  	[sflag:s13] =	ssyncadd.s32 $0xFFFFEC00  }
0x19: {  	[spmem:s14], [sflag:s8] =	dma.local [hbm:s9], $0x1400  }
0x1a: {  	_ =	swait.ge [sflag:s13], $0x1400  }
0x1b: {  	[sflag:s13] =	ssyncset.done $0x0  }
0x1c: {  	[sflag:s13] =	ssyncadd.s32 $0xFFFFEC00  }
0x1d: {  	_ =	swait.ge [sflag:s15], $0x2710  }
0x1e: {  	[sflag:s15] =	ssyncset.done $0x0  }
0x1f: {  	s22 =	sand.u32 $0x1, s4;
	[sflag:s15] =	ssyncadd.s32 $0xFFFFD8F0  }
0x20: {  	s23 =	sxor.u32 $0x1, s22;
	_ =	swait.ge [sflag:s15], $0x2710  }
0x21: {  	s23 =	smul.u32 $0x5000, s23;
	[sflag:s15] =	ssyncset.done $0x0  }
0x22: {  	[sflag:s15] =	ssyncadd.s32 $0xFFFFD8F0  }
0x23: {  	s23 =	sshrl.u32 s23, $0x2;
	[bflag:$0x0] =	sbarrier.arrive $0xFFFF  }
0x24: {  	[tilespmem:s16], [sflag:$0x1] =	stream.indirect.gather [spmem:s2], $0x40, s4, s17, $0xb8;
	[tilespmem:$0x1B620] =	vst v63  }
0x25: {  	s30 =	simm.s32 $0x1;
	s22 =	smul.u32 $0x5000, s22;
	s23 =	sadd.s32 $0x4E20, s23  }
0x26: {  	[tilespmem:s23], [sflag:$0x1] =	stream.indirect.gather [spmem:s2], $0x40, s17, s17, $0xb8;
	[tilespmem:$0x1B620] =	vst v63  }
0x27: {  	s22 =	sshrl.u32 s22, $0x2;
	s23 =	sand.u32 $0x1, s30;
	_ =	swait.ge [sflag:s18], $0x1400  }
0x28: {  	s31 =	sxor.u32 $0x1, s23;
	s23 =	smul.u32 $0x5000, s23;
	[sflag:s18] =	ssyncset.done $0x0  }
0x29: {  	s22 =	sadd.s32 $0x4E20, s22;
	s25 =	smul.u32 $0x5000, s31;
	[sflag:s18] =	ssyncadd.s32 $0xFFFFEC00  }
0x2a: {  	[spmem:s3] =	stream.indirect.scatter.add.f32 [tilespmem:s22], [sflag:$0x3], $0x40, s21, s17, $0xb8;
	[tilespmem:$0x1B620] =	vst v63  }
0x2b: {  	s24 =	simm.s32 $0x2;
	s22 =	simm.s32 $0xA0;
	s21 =	simm.s32 $0x2760  }
.LBB2_2:
0x2c: {  	s25 =	sshrl.u32 s25, $0x2;
	s23 =	sshrl.u32 s23, $0x2  }
0x2d: {  	_ =	swait.ge [sflag:s13], $0x1400;
	s26 =	smov.u32 s24;
	s28 =	smov.u32 s21  }
0x2e: {  	s29 =	sadd.s32 $0x1, s24;
	s25 =	sadd.s32 $0x4E20, s25;
	[sflag:s13] =	ssyncset.done $0x0  }
0x2f: {  	p0 =	sne.s32 s24, $0x7B;
	[sflag:s13] =	ssyncadd.s32 $0xFFFFEC00  }
0x30: {  	[tilespmem:s25], [sflag:$0x1] =	stream.indirect.gather [spmem:s2], $0x40, s22, s17, $0xb8;
	[tilespmem:$0x1B620] =	vst v63  }
.Ltmp0:
0x31: {  	s21 =	sadd.s32 $0x50, s21;
	s22 =	sadd.s32 $0x50, s22;
	(pc) =	sbr.rel @p0 .LBB2_2-.Ltmp0, $4  }
0x32: {  	s24 =	sand.u32 $0x1, s26;
	s26 =	sadd.s32 $0x4E20, s23;
	_ =	swait.ge [sflag:s18], $0x1400  }
0x33: {  	s23 =	smul.u32 $0x5000, s24;
	s25 =	sxor.u32 $0x1, s24;
	[sflag:s18] =	ssyncset.done $0x0  }
0x34: {  	s24 =	smov.u32 s29;
	s25 =	smul.u32 $0x5000, s25;
	[sflag:s18] =	ssyncadd.s32 $0xFFFFEC00  }
0x35: {  	[spmem:s3] =	stream.indirect.scatter.add.f32 [tilespmem:s26], [sflag:$0x3], $0x40, s28, s17, $0xb8;
	[tilespmem:$0x1B620] =	vst v63  }
0x36: {  	_ =	swait.ge [sflag:s13], $0x1400  }
0x37: {  	s24 =	sshrl.u32 s25, $0x2;
	[sflag:s13] =	ssyncset.done $0x0  }
0x38: {  	s24 =	sadd.s32 $0x4E20, s24;
	[sflag:s13] =	ssyncadd.s32 $0xFFFFEC00  }
0x39: {  	[tilespmem:s24], [sflag:$0x1] =	stream.indirect.gather [spmem:s2], $0x40, s22, s17, $0xb8;
	[tilespmem:$0x1B620] =	vst v63  }
0x3a: {  	_ =	swait.ge [sflag:s18], $0x1400  }
0x3b: {  	s31 =	sshrl.u32 s23, $0x2;
	[sflag:s18] =	ssyncset.done $0x0  }
0x3c: {  	s22 =	sadd.s32 $0x4E20, s31;
	[sflag:s18] =	ssyncadd.s32 $0xFFFFEC00  }
0x3d: {  	[spmem:s3] =	stream.indirect.scatter.add.f32 [tilespmem:s22], [sflag:$0x3], $0x40, s21, s17, $0xb8;
	[tilespmem:$0x1B620] =	vst v63  }
0x3e: {  	_ =	swait.ge [sflag:s13], $0x1400  }
0x3f: {  	[sflag:s13] =	ssyncset.done $0x0  }
0x40: {  	[sflag:s13] =	ssyncadd.s32 $0xFFFFEC00  }
0x41: {  	_ =	swait.ge [sflag:s18], $0x1400  }
0x42: {  	[sflag:s18] =	ssyncset.done $0x0  }
0x43: {  	[sflag:s18] =	ssyncadd.s32 $0xFFFFEC00  }
0x44: {  	[spmem:s3] =	stream.indirect.scatter.add.f32 [tilespmem:s16], [sflag:$0x3], $0x40, s19, s17, $0xb8;
	[tilespmem:$0x1B620] =	vst v63  }
0x45: {  	_ =	swait.ge [sflag:s13], $0x1400  }
0x46: {  	s20 =	sadd.s32 $0x1, s20;
	[sflag:s13] =	ssyncset.done $0x0  }
0x47: {  	p0 =	sne.s32 s20, s11;
	[sflag:s13] =	ssyncadd.s32 $0xFFFFEC00  }
.Ltmp1:
0x48: {  	[bflag:$0x0] =	sbarrier.arrive $0xFFFF;
	(pc) =	sbr.rel @p0 .LBB2_1-.Ltmp1, $4  }
0x49: {  	[hbm:s10], [sflag:s8] =	dma.local [spmem:s14], $0x1400  }
0x4a: {  	_ =	swait.ge [sflag:s13], $0x1400  }
0x4b: {  	[sflag:s13] =	ssyncset.done $0x0  }
0x4c: {  	[sflag:s13] =	ssyncadd.s32 $0xFFFFEC00  }
0x4d: {  	_ =	sfence.sel $0x180000  }
0x4e: {  	[bflag:$0x0] =	sbarrier.arrive $0xFFFF  }
0x4f: {  	p0 =	sne.s32 s0, $0x0;
	_ =	strace $0x9000004A  }
0x50: {  	s0 =	sadd.s32 @!p0 $0x100000, s1;
	[bflag:$0x2] =	sbarrier.arrive $0xFFFF  }
0x51: {  	[sflag:s0] =	ssyncadd.tile.s32 @!p0 $0x1;
	_ =	shalt  }
.Lfunc_end2:
_tile_overlayer_lowered:
.L_overlay_start_2:
0x52: {  	(tag) =	ssettag $0x2  }
0x53: {  	s0 =	rddreg [dreg:$0x0];
	s2 =	stileid.u32  }
0x54: {  	s1 =	rddreg [dreg:$0x1];
	p0 =	sne.s32 s2, $0x0  }
0x55: {  	s3 =	rddreg [dreg:$0x2];
	[bflag:$0x3] =	sbarrier.arrive $0xFFFF;
	s2 =	simm.s32 @!p0 $0x1C03  }
0x56: {  	[timem:s3], [sflag:s2] =	dma.local @!p0 [hbm:s0], s1  }
0x57: {  	s0 =	simm.s32 @!p0 $0x3  }
0x58: {  	_ =	swait.ge @!p0 [sflag:s0], s1  }
0x59: {  	s1 =	ssub.s32 @!p0 $0x0, s1;
	[sflag:s0] =	ssyncset.done @!p0 $0x0  }
0x5a: {  	[sflag:s0] =	ssyncadd.s32 @!p0 s1  }
0x5b: {  	[bflag:$0x3] =	sbarrier.arrive $0xFFFF  }
0x5c: {  	_ =	shalt  }

// kernel: kernel.18.cloned.1.call-start
scs
__scs_entry_jumppad:
0x0: {  	(pc) =	sbr.rel $0x88, $3  }
0x1: {  	(tag) =	ssettag $0x0;
	lr =	simm.s32 $0x1  }
0x2: {  	[smem:$0x3F91] =	sst lr;
	_ =	strace $0xD0000000  }
0x3: {  	_ = 	snop  }
0x4: {  	_ = 	snop  }
0x5: {  	_ = 	snop  }
0x6: {  	_ = 	snop  }
0x7: {  	_ = 	snop  }
__scs_overlays_trampoline_lowered:
0x8: {  	[smem:$0x3FA0] =	sst s0  }
0x9: {  	[smem:$0x3FA1] =	sst s1  }
0xa: {  	[smem:$0x3FA2] =	sst s2  }
0xb: {  	[smem:$0x3FA3] =	sst s3  }
0xc: {  	[smem:$0x3FA4] =	sst s4  }
0xd: {  	[smem:$0x3FA5] =	sst s5  }
0xe: {  	[smem:$0x3FA6] =	sst s6  }
0xf: {  	[smem:$0x3FA7] =	sst s7  }
0x10: {  	[smem:$0x3FA8] =	sst s8  }
0x11: {  	[smem:$0x3FA9] =	sst s9;
	s0 =	simm.s32 @!p0 $0x0  }
0x12: {  	s1 =	sld [smem:$0x3F8F];
	s0 =	simm.s32 @p0 $0x1  }
0x13: {  	[smem:$0x3FAA] =	sst s0;
	s0 =	simm.s32 @!p1 $0x0  }
0x14: {  	s2 =	sld [smem:$0x3F8E];
	s0 =	simm.s32 @p1 $0x1  }
0x15: {  	[smem:$0x3FAB] =	sst s0;
	s0 =	simm.s32 @!p2 $0x0  }
0x16: {  	s3 =	sld [smem:$0x3FDB];
	s0 =	simm.s32 @p2 $0x1  }
0x17: {  	s4 =	simm.s32 $0x1BF5;
	[smem:$0x3FAD] =	sst s0  }
0x18: {  	s0 =	sld [smem:$0x3F90];
	_ =	swait.ge [sflag:s4], $0x0  }
0x19: {  	s7 =	sld [smem:$0x3F91]  }
0x1a: {  	s8 =	sadd.s32 $0xFFFFE003, lr  }
0x1b: {  	s9 =	sadd.s32 $0xFFFFFEF7, lr;
	s5 =	simm.s32 $0xFFFFFFFF;
	p2 =	slt.u32 s8, $0xFFFFF086  }
0x1c: {  	p1 =	slt.u32 s9, $0xF7A;
	s5 =	simm.s32 @!p2 $0x0  }
0x1d: {  	s5 =	simm.s32 @p1 $0x1;
	p0 =	seq.s32 s7, s2  }
0x1e: {  	s7 =	smul.u32 @!p0 $0xF7A, s2;
	p2 =	seq.s32 @!p0 s5, $0x0  }
0x1f: {  	s9 =	smul.u32 $0xF7A, s1;
	s8 =	simm.s32 @!p0 $0x1BF5;
	p2 =	por !p2, p0  }
0x20: {  	[sflag:s8] =	ssyncset.s32 @!p0 $0xFFFFF086;
	s6 =	sadd.s32 @!p0 s3, s7;
	s7 =	simm.s32 @!p0 $0x108  }
0x21: {  	s3 =	sadd.s32 s3, s9;
	s6 =	sadd.s32 @!p0 $0x88, s6;
	s7 =	simm.s32 @p2 $0x1082  }
0x22: {  	[simem:s7], [sflag:s8] =	dma.local @!p0 [hbm:s6], $0xF7A  }
0x23: {  	s9 =	sor.u32 $0xD0000000, s2;
	s6 =	simm.s32 $0x108;
	_ =	swait.ge @!p0 [sflag:s8], $0x0  }
0x24: {  	s3 =	sadd.s32 $0x88, s3;
	s6 =	simm.s32 @!p1 $0x1082;
	[sflag:s4] =	ssyncset.s32 $0xFFFFF086  }
0x25: {  	[simem:s6], [sflag:s4] =	dma.local [hbm:s3], $0xF7A  }
0x26: {  	[smem:$0x3F91] =	sst s1;
	(tag) =	ssettag s2;
	_ =	strace s9  }
0x27: {  	s1 =	sld [smem:$0x3FA1]  }
0x28: {  	s2 =	sld [smem:$0x3FA2]  }
0x29: {  	s4 =	sld [smem:$0x3FA4]  }
0x2a: {  	p0 =	seq.s32 s5, $0x0;
	s5 =	sld [smem:$0x3FA5]  }
0x2b: {  	s6 =	sld [smem:$0x3FA6]  }
0x2c: {  	s7 =	sld [smem:$0x3FA7]  }
0x2d: {  	s3 =	simm.s32 $0x108;
	s8 =	sld [smem:$0x3FA8]  }
0x2e: {  	s3 =	simm.s32 @!p0 $0x1082;
	s9 =	sld [smem:$0x3FA9]  }
0x2f: {  	lr =	sadd.s32 s0, s3;
	s0 =	sld [smem:$0x3FA0]  }
0x30: {  	s3 =	sld [smem:$0x3FA3]  }
0x31: {  	[smem:$0x3FAC] =	sst s10  }
0x32: {  	s10 =	sld [smem:$0x3FAA];
	_ =	sdelay $0x3  }
0x33: {  	p0 =	seq.s32 s10, $0x1;
	s10 =	sld [smem:$0x3FAC];
	_ =	sdelay $0x3  }
0x34: {  	[smem:$0x3FAC] =	sst s10  }
0x35: {  	s10 =	sld [smem:$0x3FAB];
	_ =	sdelay $0x3  }
0x36: {  	p1 =	seq.s32 s10, $0x1;
	s10 =	sld [smem:$0x3FAC];
	_ =	sdelay $0x3  }
0x37: {  	[smem:$0x3FAC] =	sst s10  }
0x38: {  	s10 =	sld [smem:$0x3FAD]  }
0x39: {  	_ = 	snop;
	(pc) =	sbr.ind lr, $3  }
0x3a: {  	_ = 	snop  }
0x3b: {  	_ = 	snop  }
0x3c: {  	p2 =	seq.s32 s10, $0x1;
	s10 =	sld [smem:$0x3FAC]  }
0x3d: {  	_ =	shalt  }
0x3e: {  	_ =	shalt  }
0x3f: {  	_ =	shalt  }
0x40: {  	_ =	shalt  }
0x41: {  	_ =	shalt  }
0x42: {  	_ =	shalt  }
0x43: {  	_ =	shalt  }
0x44: {  	_ =	shalt  }
0x45: {  	_ =	shalt  }
0x46: {  	_ =	shalt  }
0x47: {  	_ =	shalt  }
0x48: {  	_ =	shalt  }
0x49: {  	_ =	shalt  }
0x4a: {  	_ =	shalt  }
0x4b: {  	_ =	shalt  }
0x4c: {  	_ =	shalt  }
0x4d: {  	_ =	shalt  }
0x4e: {  	_ =	shalt  }
0x4f: {  	_ =	shalt  }
0x50: {  	_ =	shalt  }
0x51: {  	_ =	shalt  }
0x52: {  	_ =	shalt  }
0x53: {  	_ =	shalt  }
0x54: {  	_ =	shalt  }
0x55: {  	_ =	shalt  }
0x56: {  	_ =	shalt  }
0x57: {  	_ =	shalt  }
0x58: {  	_ =	shalt  }
0x59: {  	_ =	shalt  }
0x5a: {  	_ =	shalt  }
0x5b: {  	_ =	shalt  }
0x5c: {  	_ =	shalt  }
0x5d: {  	_ =	shalt  }
0x5e: {  	_ =	shalt  }
0x5f: {  	_ =	shalt  }
0x60: {  	_ =	shalt  }
0x61: {  	_ =	shalt  }
0x62: {  	_ =	shalt  }
0x63: {  	_ =	shalt  }
0x64: {  	_ =	shalt  }
0x65: {  	_ =	shalt  }
0x66: {  	_ =	shalt  }
0x67: {  	_ =	shalt  }
0x68: {  	_ =	shalt  }
0x69: {  	_ =	shalt  }
0x6a: {  	_ =	shalt  }
0x6b: {  	_ =	shalt  }
0x6c: {  	_ =	shalt  }
0x6d: {  	_ =	shalt  }
0x6e: {  	_ =	shalt  }
0x6f: {  	_ =	shalt  }
0x70: {  	_ =	shalt  }
0x71: {  	_ =	shalt  }
0x72: {  	_ =	shalt  }
0x73: {  	_ =	shalt  }
0x74: {  	_ =	shalt  }
0x75: {  	_ =	shalt  }
0x76: {  	_ =	shalt  }
0x77: {  	_ =	shalt  }
0x78: {  	_ =	shalt  }
0x79: {  	_ =	shalt  }
0x7a: {  	_ =	shalt  }
0x7b: {  	_ =	shalt  }
0x7c: {  	_ =	shalt  }
0x7d: {  	_ =	shalt  }
0x7e: {  	_ =	shalt  }
0x7f: {  	_ =	shalt  }
0x80: {  	_ =	shalt  }
0x81: {  	_ =	shalt  }
0x82: {  	_ =	shalt  }
0x83: {  	_ =	shalt  }
0x84: {  	_ =	shalt  }
0x85: {  	_ =	shalt  }
0x86: {  	_ =	shalt  }
0x87: {  	_ =	shalt  }
.Lfunc_end0:
.L_simem_size_0:
called_computation.2_lowered:
.L_overlay_start_0:
0x88: {  	s2 =	sld [smem:$0x3FD9]  }
0x89: {  	s3 =	sld [smem:$0x3FFE];
	_ =	sdelay $0x1  }
0x8a: {  	s1 =	srdreg.scid  }
0x8b: {  	s0 =	sand.u32 $0x1, s1  }
0x8c: {  	s17 =	sshll.u32 s0, $0xA;
	s2 =	sadd.s32 s3, s2  }
0x8d: {  	s2 =	sadd.s32 s2, s17  }
0x8e: {  	[smem:$0x3FB8] =	sst s2  }
0x8f: {  	_ = 	snop  }
0x90: {  	s2 =	sld [smem:$0x3FD0];
	(tm) =	ssettm $0x1  }
0x91: {  	s18 =	sld [smem:$0x3FFB];
	_ =	sdelay $0x3  }
0x92: {  	_ =	strace s18  }
0x93: {  	s3 =	sld [smem:$0x3FFC];
	_ =	sdelay $0x3  }
0x94: {  	_ =	strace s3  }
0x95: {  	s3 =	sld [smem:$0x3FFD];
	_ =	sdelay $0x3  }
0x96: {  	_ =	strace s3  }
0x97: {  	_ =	strace $0x8FFFFFFF  }
0x98: {  	s19 =	sld [smem:$0x3FDB];
	_ =	sdelay $0x1  }
0x99: {  	s4 =	simm.s32 $_scs_section_size  }
0x9a: {  	s5 =	simm.s32 $_size__tile_overlayer_lowered;
	s6 =	simm.s32 $_tile_overlayer_lowered  }
0x9b: {  	s22 =	simm.s32 $0x1BFF;
	s21 =	sshll.u32 s6, $0x1;
	s3 =	sadd.s32 s4, s19  }
0x9c: {  	s7 =	simm.s32 $0x0;
	s20 =	sshll.u32 s5, $0x1;
	s5 =	sadd.s32 s21, s3  }
0x9d: {  	[timem:s7], [sflag:s22] =	dma.local [hbm:s5], s20  }
0x9e: {  	_ =	swait.ge [sflag:s22], s20  }
0x9f: {  	s4 =	ssub.s32 $0x0, s20;
	[sflag:s22] =	ssyncset.done $0x0  }
0xa0: {  	[sflag:s22] =	ssyncadd.s32 s4;
	_ =	sdelay $0x1  }
0xa1: {  	s23 =	simm.s32 $0x1B8B  }
0xa2: {  	_ =	swait.ge [sflag:s23], $0x1  }
0xa3: {  	[sflag:s23] =	ssyncset.done $0x0  }
0xa4: {  	s25 =	simm.s32 $0x1B8E;
	s24 =	sld [smem:$0x3FFE];
	[sflag:s23] =	ssyncadd.s32 $0xFFFFFFFF  }
0xa5: {  	s26 =	simm.s32 $execute0_lowered;
	[smem:$0x3FD2] =	sst s25  }
0xa6: {  	s5 =	sshll.u32 s26, $0x1;
	_ =	strace $0x8000004C;
	[dreg:$0x1] =	wrdreg $0xFFFFFFFF  }
0xa7: {  	s28 =	simm.s32 $_size_execute0_lowered;
	s3 =	sadd.s32 s3, s5;
	[dreg:$0x0] =	wrdreg $0x0  }
0xa8: {  	s5 =	sshll.u32 s28, $0x1;
	[dreg:$0x2] =	wrdreg s3  }
0xa9: {  	[dreg:$0x3] =	wrdreg s5  }
0xaa: {  	[dreg:$0x4] =	wrdreg $0xC0  }
0xab: {  	_ =	task [dreg:s7], $0x5FFFF  }
0xac: {  	[dreg:$0x1] =	wrdreg $0xFFFFFFFF  }
0xad: {  	[dreg:$0x0] =	wrdreg $0x60  }
0xae: {  	[dreg:$0x2] =	wrdreg s24  }
0xaf: {  	[dreg:$0x3] =	wrdreg s2  }
0xb0: {  	[dreg:$0x4] =	wrdreg $0x116200  }
0xb1: {  	[dreg:$0x5] =	wrdreg $0x76200  }
0xb2: {  	[dreg:$0x6] =	wrdreg $0x9  }
0xb3: {  	_ =	task.clear_ibuf [dreg:s7], $0x7FFFF;
	_ =	strace $0x9000004C  }
0xb4: {  	s29 =	simm.s32 $0x9;
	_ =	strace $0x8000004E  }
0xb5: {  	_ =	swait.ge [sflag:s29], $0x1  }
0xb6: {  	[sflag:s29] =	ssyncadd.s32 $0xFFFFFFFF  }
0xb7: {  	_ =	strace $0x9000004E  }
0xb8: {  	_ =	sfence  }
0xb9: {  	s30 =	sld [smem:$0x0];
	_ =	sdelay $0x2  }
0xba: {  	s31 =	sshll.u32 s1, $0xD;
	s1 =	sshrl.u32 s1, $0x2  }
0xbb: {  	s3 =	sand.u32 $0x4000, s31;
	s1 =	sadd.s32 s1, s30  }
0xbc: {  	s0 =	sor.u32 s3, s0;
	s1 =	sshll.u32 s1, $0x11  }
0xbd: {  	s0 =	sor.u32 s1, s0  }
0xbe: {  	s0 =	sadd.s32 $0x8F2B, s0  }
0xbf: {  	[sflag:s0] =	ssyncadd.remote.s32 $0x1  }
0xc0: {  	_ =	sfence.sel $0xFFFF  }
0xc1: {  	[dreg:$0x0] =	wrdreg $0xFFFFFFFF;
	(pc) =	sbr.abs _section_cstart, $3  }
0xc2: {  	[dreg:$0x1] =	wrdreg $0xFFFFFFFF  }
0xc3: {  	_ =	task.clear_ibuf [dreg:s7], $0x2FFFF;
	_ =	strace $0x9FFFFFFF  }
0xc4: {  	(tm) =	ssettm $0x7FFFFFFF  }
0xc5: {  	_ =	shalt  }
tec
execute0_lowered:
.L_overlay_start_1:
0x0: {  	(tag) =	ssettag $0x1  }
0x1: {  	s5 =	rddreg [dreg:$0x0]  }
0x2: {  	s7 =	rddreg [dreg:$0x1]  }
0x3: {  	s1 =	srdreg.scid;
	s2 =	rddreg [dreg:$0x2]  }
0x4: {  	s0 =	stileid.u32;
	s3 =	rddreg [dreg:$0x3]  }
0x5: {  	s4 =	simm.s32 $0x0;
	s16 =	simm.s32 $0x4E20;
	s17 =	simm.s32 $0x50  }
0x6: {  	s18 =	simm.s32 $0x1;
	s19 =	simm.s32 $0x4DD0;
	s20 =	simm.s32 $0x0  }
0x7: {  	s6 =	sand.u32 $0x1, s1;
	s30 =	sshll.u32 s0, $0x1;
	s9 =	smul.u32 $0xA000, s0  }
0x8: {  	[smem:$0x7FF] =	sst s4;
	s1 =	sor.u32 s6, s30;
	s10 =	smul.u32 $0xA0000, s6  }
0x9: {  	s31 =	sshll.u32 s0, $0x6;
	s6 =	ssub.s32 $0x2, s6;
	s8 =	smul.u32 $0x2710, s1  }
0xa: {  	s1 =	rddreg [dreg:$0x4];
	_ =	strace $0x8000004D;
	s11 =	sshrl.u32 s9, $0x3  }
0xb: {  	s13 =	sshrl.u32 s6, $0x1;
	s14 =	sadd.s32 s9, s2;
	s15 =	sadd.s32 s9, s3  }
0xc: {  	s10 =	sadd.s32 s9, s10;
	s12 =	sadd.s32 s11, s5;
	s13 =	ssub.s32 s6, s13  }
0xd: {  	s7 =	sadd.s32 s7, s11;
	s8 =	sshrl.u32 s8, $0x3;
	s10 =	sshrl.u32 s10, $0x3  }
0xe: {  	s9 =	sadd.s32 $0x16800, s12;
	s11 =	smax.u32 s13, $0x1;
	s12 =	sshrl.u32 s14, $0x3  }
0xf: {  	s13 =	simm.s32 $0x3;
	s14 =	sshrl.u32 s15, $0x3;
	s8 =	sadd.s32 s8, s5  }
0x10: {  	s15 =	simm.s32 $0x2;
	s10 =	sadd.s32 s10, s5;
	s5 =	sadd.s32 $0x2E00, s8  }
0x11: {  	s6 =	sadd.s32 $0xCA40, s8;
	s8 =	sor.u32 $0x1C03, s31;
	s10 =	sadd.s32 $0x2A800, s10  }
.LBB2_1:
0x12: {  	[tilespmem:s4], [sflag:$0x2] =	stream.linear.gather [hbm4b:s5+s4], $0x2710, $0x38;
	[tilespmem:$0x1B620] =	vst v63  }
0x13: {  	s21 =	simm.s32 $0x2710  }
0x14: {  	[tilespmem:s21], [sflag:$0x2] =	stream.linear.gather [hbm4b:s6+s4], $0x2710, $0x38;
	[tilespmem:$0x1B620] =	vst v63  }
0x15: {  	[spmem:s12], [sflag:s8] =	dma.local [hbm:s7], $0x1400  }
0x16: {  	_ =	swait.ge [sflag:s13], $0x1400  }
0x17: {  	[sflag:s13] =	ssyncset.done $0x0  }
0x18: {  	[sflag:s13] =	ssyncadd.s32 $0xFFFFEC00  }
0x19: {  	[spmem:s14], [sflag:s8] =	dma.local [hbm:s9], $0x1400  }
0x1a: {  	_ =	swait.ge [sflag:s13], $0x1400  }
0x1b: {  	[sflag:s13] =	ssyncset.done $0x0  }
0x1c: {  	[sflag:s13] =	ssyncadd.s32 $0xFFFFEC00  }
0x1d: {  	_ =	swait.ge [sflag:s15], $0x2710  }
0x1e: {  	[sflag:s15] =	ssyncset.done $0x0  }
0x1f: {  	s22 =	sand.u32 $0x1, s4;
	[sflag:s15] =	ssyncadd.s32 $0xFFFFD8F0  }
0x20: {  	s23 =	sxor.u32 $0x1, s22;
	_ =	swait.ge [sflag:s15], $0x2710  }
0x21: {  	s23 =	smul.u32 $0x5000, s23;
	[sflag:s15] =	ssyncset.done $0x0  }
0x22: {  	[sflag:s15] =	ssyncadd.s32 $0xFFFFD8F0  }
0x23: {  	s23 =	sshrl.u32 s23, $0x2;
	[bflag:$0x0] =	sbarrier.arrive $0xFFFF  }
0x24: {  	[tilespmem:s16], [sflag:$0x1] =	stream.indirect.gather [spmem:s2], $0x40, s4, s17, $0xb8;
	[tilespmem:$0x1B620] =	vst v63  }
0x25: {  	s30 =	simm.s32 $0x1;
	s22 =	smul.u32 $0x5000, s22;
	s23 =	sadd.s32 $0x4E20, s23  }
0x26: {  	[tilespmem:s23], [sflag:$0x1] =	stream.indirect.gather [spmem:s2], $0x40, s17, s17, $0xb8;
	[tilespmem:$0x1B620] =	vst v63  }
0x27: {  	s22 =	sshrl.u32 s22, $0x2;
	s23 =	sand.u32 $0x1, s30;
	_ =	swait.ge [sflag:s18], $0x1400  }
0x28: {  	s31 =	sxor.u32 $0x1, s23;
	s23 =	smul.u32 $0x5000, s23;
	[sflag:s18] =	ssyncset.done $0x0  }
0x29: {  	s22 =	sadd.s32 $0x4E20, s22;
	s25 =	smul.u32 $0x5000, s31;
	[sflag:s18] =	ssyncadd.s32 $0xFFFFEC00  }
0x2a: {  	[spmem:s3] =	stream.indirect.scatter.add.f32 [tilespmem:s22], [sflag:$0x3], $0x40, s21, s17, $0xb8;
	[tilespmem:$0x1B620] =	vst v63  }
0x2b: {  	s24 =	simm.s32 $0x2;
	s22 =	simm.s32 $0xA0;
	s21 =	simm.s32 $0x2760  }
.LBB2_2:
0x2c: {  	s25 =	sshrl.u32 s25, $0x2;
	s23 =	sshrl.u32 s23, $0x2  }
0x2d: {  	_ =	swait.ge [sflag:s13], $0x1400;
	s26 =	smov.u32 s24;
	s28 =	smov.u32 s21  }
0x2e: {  	s29 =	sadd.s32 $0x1, s24;
	s25 =	sadd.s32 $0x4E20, s25;
	[sflag:s13] =	ssyncset.done $0x0  }
0x2f: {  	p0 =	sne.s32 s24, $0x7B;
	[sflag:s13] =	ssyncadd.s32 $0xFFFFEC00  }
0x30: {  	[tilespmem:s25], [sflag:$0x1] =	stream.indirect.gather [spmem:s2], $0x40, s22, s17, $0xb8;
	[tilespmem:$0x1B620] =	vst v63  }
.Ltmp0:
0x31: {  	s21 =	sadd.s32 $0x50, s21;
	s22 =	sadd.s32 $0x50, s22;
	(pc) =	sbr.rel @p0 .LBB2_2-.Ltmp0, $4  }
0x32: {  	s24 =	sand.u32 $0x1, s26;
	s26 =	sadd.s32 $0x4E20, s23;
	_ =	swait.ge [sflag:s18], $0x1400  }
0x33: {  	s23 =	smul.u32 $0x5000, s24;
	s25 =	sxor.u32 $0x1, s24;
	[sflag:s18] =	ssyncset.done $0x0  }
0x34: {  	s24 =	smov.u32 s29;
	s25 =	smul.u32 $0x5000, s25;
	[sflag:s18] =	ssyncadd.s32 $0xFFFFEC00  }
0x35: {  	[spmem:s3] =	stream.indirect.scatter.add.f32 [tilespmem:s26], [sflag:$0x3], $0x40, s28, s17, $0xb8;
	[tilespmem:$0x1B620] =	vst v63  }
0x36: {  	_ =	swait.ge [sflag:s13], $0x1400  }
0x37: {  	s24 =	sshrl.u32 s25, $0x2;
	[sflag:s13] =	ssyncset.done $0x0  }
0x38: {  	s24 =	sadd.s32 $0x4E20, s24;
	[sflag:s13] =	ssyncadd.s32 $0xFFFFEC00  }
0x39: {  	[tilespmem:s24], [sflag:$0x1] =	stream.indirect.gather [spmem:s2], $0x40, s22, s17, $0xb8;
	[tilespmem:$0x1B620] =	vst v63  }
0x3a: {  	_ =	swait.ge [sflag:s18], $0x1400  }
0x3b: {  	s31 =	sshrl.u32 s23, $0x2;
	[sflag:s18] =	ssyncset.done $0x0  }
0x3c: {  	s22 =	sadd.s32 $0x4E20, s31;
	[sflag:s18] =	ssyncadd.s32 $0xFFFFEC00  }
0x3d: {  	[spmem:s3] =	stream.indirect.scatter.add.f32 [tilespmem:s22], [sflag:$0x3], $0x40, s21, s17, $0xb8;
	[tilespmem:$0x1B620] =	vst v63  }
0x3e: {  	_ =	swait.ge [sflag:s13], $0x1400  }
0x3f: {  	[sflag:s13] =	ssyncset.done $0x0  }
0x40: {  	[sflag:s13] =	ssyncadd.s32 $0xFFFFEC00  }
0x41: {  	_ =	swait.ge [sflag:s18], $0x1400  }
0x42: {  	[sflag:s18] =	ssyncset.done $0x0  }
0x43: {  	[sflag:s18] =	ssyncadd.s32 $0xFFFFEC00  }
0x44: {  	[spmem:s3] =	stream.indirect.scatter.add.f32 [tilespmem:s16], [sflag:$0x3], $0x40, s19, s17, $0xb8;
	[tilespmem:$0x1B620] =	vst v63  }
0x45: {  	_ =	swait.ge [sflag:s13], $0x1400  }
0x46: {  	s20 =	sadd.s32 $0x1, s20;
	[sflag:s13] =	ssyncset.done $0x0  }
0x47: {  	p0 =	sne.s32 s20, s11;
	[sflag:s13] =	ssyncadd.s32 $0xFFFFEC00  }
.Ltmp1:
0x48: {  	[bflag:$0x0] =	sbarrier.arrive $0xFFFF;
	(pc) =	sbr.rel @p0 .LBB2_1-.Ltmp1, $4  }
0x49: {  	[hbm:s10], [sflag:s8] =	dma.local [spmem:s14], $0x1400  }
0x4a: {  	_ =	swait.ge [sflag:s13], $0x1400  }
0x4b: {  	[sflag:s13] =	ssyncset.done $0x0  }
0x4c: {  	[sflag:s13] =	ssyncadd.s32 $0xFFFFEC00  }
0x4d: {  	_ =	sfence.sel $0x180000  }
0x4e: {  	[bflag:$0x0] =	sbarrier.arrive $0xFFFF  }
0x4f: {  	p0 =	sne.s32 s0, $0x0;
	_ =	strace $0x9000004D  }
0x50: {  	s0 =	sadd.s32 @!p0 $0x100000, s1;
	[bflag:$0x2] =	sbarrier.arrive $0xFFFF  }
0x51: {  	[sflag:s0] =	ssyncadd.tile.s32 @!p0 $0x1;
	_ =	shalt  }
.Lfunc_end2:
_tile_overlayer_lowered:
.L_overlay_start_2:
0x52: {  	(tag) =	ssettag $0x2  }
0x53: {  	s0 =	rddreg [dreg:$0x0];
	s2 =	stileid.u32  }
0x54: {  	s1 =	rddreg [dreg:$0x1];
	p0 =	sne.s32 s2, $0x0  }
0x55: {  	s3 =	rddreg [dreg:$0x2];
	[bflag:$0x3] =	sbarrier.arrive $0xFFFF;
	s2 =	simm.s32 @!p0 $0x1C03  }
0x56: {  	[timem:s3], [sflag:s2] =	dma.local @!p0 [hbm:s0], s1  }
0x57: {  	s0 =	simm.s32 @!p0 $0x3  }
0x58: {  	_ =	swait.ge @!p0 [sflag:s0], s1  }
0x59: {  	s1 =	ssub.s32 @!p0 $0x0, s1;
	[sflag:s0] =	ssyncset.done @!p0 $0x0  }
0x5a: {  	[sflag:s0] =	ssyncadd.s32 @!p0 s1  }
0x5b: {  	[bflag:$0x3] =	sbarrier.arrive $0xFFFF  }
0x5c: {  	_ =	shalt  }

// kernel: kernel.21.cloned.1.call-start
scs
__scs_entry_jumppad:
0x0: {  	(pc) =	sbr.rel $0x88, $3  }
0x1: {  	(tag) =	ssettag $0x0;
	lr =	simm.s32 $0x1  }
0x2: {  	[smem:$0x3F91] =	sst lr;
	_ =	strace $0xD0000000  }
0x3: {  	_ = 	snop  }
0x4: {  	_ = 	snop  }
0x5: {  	_ = 	snop  }
0x6: {  	_ = 	snop  }
0x7: {  	_ = 	snop  }
__scs_overlays_trampoline_lowered:
0x8: {  	[smem:$0x3FA0] =	sst s0  }
0x9: {  	[smem:$0x3FA1] =	sst s1  }
0xa: {  	[smem:$0x3FA2] =	sst s2  }
0xb: {  	[smem:$0x3FA3] =	sst s3  }
0xc: {  	[smem:$0x3FA4] =	sst s4  }
0xd: {  	[smem:$0x3FA5] =	sst s5  }
0xe: {  	[smem:$0x3FA6] =	sst s6  }
0xf: {  	[smem:$0x3FA7] =	sst s7  }
0x10: {  	[smem:$0x3FA8] =	sst s8  }
0x11: {  	[smem:$0x3FA9] =	sst s9;
	s0 =	simm.s32 @!p0 $0x0  }
0x12: {  	s1 =	sld [smem:$0x3F8F];
	s0 =	simm.s32 @p0 $0x1  }
0x13: {  	[smem:$0x3FAA] =	sst s0;
	s0 =	simm.s32 @!p1 $0x0  }
0x14: {  	s2 =	sld [smem:$0x3F8E];
	s0 =	simm.s32 @p1 $0x1  }
0x15: {  	[smem:$0x3FAB] =	sst s0;
	s0 =	simm.s32 @!p2 $0x0  }
0x16: {  	s3 =	sld [smem:$0x3FDB];
	s0 =	simm.s32 @p2 $0x1  }
0x17: {  	s4 =	simm.s32 $0x1BF5;
	[smem:$0x3FAD] =	sst s0  }
0x18: {  	s0 =	sld [smem:$0x3F90];
	_ =	swait.ge [sflag:s4], $0x0  }
0x19: {  	s7 =	sld [smem:$0x3F91]  }
0x1a: {  	s8 =	sadd.s32 $0xFFFFE003, lr  }
0x1b: {  	s9 =	sadd.s32 $0xFFFFFEF7, lr;
	s5 =	simm.s32 $0xFFFFFFFF;
	p2 =	slt.u32 s8, $0xFFFFF086  }
0x1c: {  	p1 =	slt.u32 s9, $0xF7A;
	s5 =	simm.s32 @!p2 $0x0  }
0x1d: {  	s5 =	simm.s32 @p1 $0x1;
	p0 =	seq.s32 s7, s2  }
0x1e: {  	s7 =	smul.u32 @!p0 $0xF7A, s2;
	p2 =	seq.s32 @!p0 s5, $0x0  }
0x1f: {  	s9 =	smul.u32 $0xF7A, s1;
	s8 =	simm.s32 @!p0 $0x1BF5;
	p2 =	por !p2, p0  }
0x20: {  	[sflag:s8] =	ssyncset.s32 @!p0 $0xFFFFF086;
	s6 =	sadd.s32 @!p0 s3, s7;
	s7 =	simm.s32 @!p0 $0x108  }
0x21: {  	s3 =	sadd.s32 s3, s9;
	s6 =	sadd.s32 @!p0 $0x88, s6;
	s7 =	simm.s32 @p2 $0x1082  }
0x22: {  	[simem:s7], [sflag:s8] =	dma.local @!p0 [hbm:s6], $0xF7A  }
0x23: {  	s9 =	sor.u32 $0xD0000000, s2;
	s6 =	simm.s32 $0x108;
	_ =	swait.ge @!p0 [sflag:s8], $0x0  }
0x24: {  	s3 =	sadd.s32 $0x88, s3;
	s6 =	simm.s32 @!p1 $0x1082;
	[sflag:s4] =	ssyncset.s32 $0xFFFFF086  }
0x25: {  	[simem:s6], [sflag:s4] =	dma.local [hbm:s3], $0xF7A  }
0x26: {  	[smem:$0x3F91] =	sst s1;
	(tag) =	ssettag s2;
	_ =	strace s9  }
0x27: {  	s1 =	sld [smem:$0x3FA1]  }
0x28: {  	s2 =	sld [smem:$0x3FA2]  }
0x29: {  	s4 =	sld [smem:$0x3FA4]  }
0x2a: {  	p0 =	seq.s32 s5, $0x0;
	s5 =	sld [smem:$0x3FA5]  }
0x2b: {  	s6 =	sld [smem:$0x3FA6]  }
0x2c: {  	s7 =	sld [smem:$0x3FA7]  }
0x2d: {  	s3 =	simm.s32 $0x108;
	s8 =	sld [smem:$0x3FA8]  }
0x2e: {  	s3 =	simm.s32 @!p0 $0x1082;
	s9 =	sld [smem:$0x3FA9]  }
0x2f: {  	lr =	sadd.s32 s0, s3;
	s0 =	sld [smem:$0x3FA0]  }
0x30: {  	s3 =	sld [smem:$0x3FA3]  }
0x31: {  	[smem:$0x3FAC] =	sst s10  }
0x32: {  	s10 =	sld [smem:$0x3FAA];
	_ =	sdelay $0x3  }
0x33: {  	p0 =	seq.s32 s10, $0x1;
	s10 =	sld [smem:$0x3FAC];
	_ =	sdelay $0x3  }
0x34: {  	[smem:$0x3FAC] =	sst s10  }
0x35: {  	s10 =	sld [smem:$0x3FAB];
	_ =	sdelay $0x3  }
0x36: {  	p1 =	seq.s32 s10, $0x1;
	s10 =	sld [smem:$0x3FAC];
	_ =	sdelay $0x3  }
0x37: {  	[smem:$0x3FAC] =	sst s10  }
0x38: {  	s10 =	sld [smem:$0x3FAD]  }
0x39: {  	_ = 	snop;
	(pc) =	sbr.ind lr, $3  }
0x3a: {  	_ = 	snop  }
0x3b: {  	_ = 	snop  }
0x3c: {  	p2 =	seq.s32 s10, $0x1;
	s10 =	sld [smem:$0x3FAC]  }
0x3d: {  	_ =	shalt  }
0x3e: {  	_ =	shalt  }
0x3f: {  	_ =	shalt  }
0x40: {  	_ =	shalt  }
0x41: {  	_ =	shalt  }
0x42: {  	_ =	shalt  }
0x43: {  	_ =	shalt  }
0x44: {  	_ =	shalt  }
0x45: {  	_ =	shalt  }
0x46: {  	_ =	shalt  }
0x47: {  	_ =	shalt  }
0x48: {  	_ =	shalt  }
0x49: {  	_ =	shalt  }
0x4a: {  	_ =	shalt  }
0x4b: {  	_ =	shalt  }
0x4c: {  	_ =	shalt  }
0x4d: {  	_ =	shalt  }
0x4e: {  	_ =	shalt  }
0x4f: {  	_ =	shalt  }
0x50: {  	_ =	shalt  }
0x51: {  	_ =	shalt  }
0x52: {  	_ =	shalt  }
0x53: {  	_ =	shalt  }
0x54: {  	_ =	shalt  }
0x55: {  	_ =	shalt  }
0x56: {  	_ =	shalt  }
0x57: {  	_ =	shalt  }
0x58: {  	_ =	shalt  }
0x59: {  	_ =	shalt  }
0x5a: {  	_ =	shalt  }
0x5b: {  	_ =	shalt  }
0x5c: {  	_ =	shalt  }
0x5d: {  	_ =	shalt  }
0x5e: {  	_ =	shalt  }
0x5f: {  	_ =	shalt  }
0x60: {  	_ =	shalt  }
0x61: {  	_ =	shalt  }
0x62: {  	_ =	shalt  }
0x63: {  	_ =	shalt  }
0x64: {  	_ =	shalt  }
0x65: {  	_ =	shalt  }
0x66: {  	_ =	shalt  }
0x67: {  	_ =	shalt  }
0x68: {  	_ =	shalt  }
0x69: {  	_ =	shalt  }
0x6a: {  	_ =	shalt  }
0x6b: {  	_ =	shalt  }
0x6c: {  	_ =	shalt  }
0x6d: {  	_ =	shalt  }
0x6e: {  	_ =	shalt  }
0x6f: {  	_ =	shalt  }
0x70: {  	_ =	shalt  }
0x71: {  	_ =	shalt  }
0x72: {  	_ =	shalt  }
0x73: {  	_ =	shalt  }
0x74: {  	_ =	shalt  }
0x75: {  	_ =	shalt  }
0x76: {  	_ =	shalt  }
0x77: {  	_ =	shalt  }
0x78: {  	_ =	shalt  }
0x79: {  	_ =	shalt  }
0x7a: {  	_ =	shalt  }
0x7b: {  	_ =	shalt  }
0x7c: {  	_ =	shalt  }
0x7d: {  	_ =	shalt  }
0x7e: {  	_ =	shalt  }
0x7f: {  	_ =	shalt  }
0x80: {  	_ =	shalt  }
0x81: {  	_ =	shalt  }
0x82: {  	_ =	shalt  }
0x83: {  	_ =	shalt  }
0x84: {  	_ =	shalt  }
0x85: {  	_ =	shalt  }
0x86: {  	_ =	shalt  }
0x87: {  	_ =	shalt  }
.Lfunc_end0:
.L_simem_size_0:
called_computation.3_lowered:
.L_overlay_start_0:
0x88: {  	s2 =	sld [smem:$0x3FD9]  }
0x89: {  	s3 =	sld [smem:$0x3FFE];
	_ =	sdelay $0x1  }
0x8a: {  	s1 =	srdreg.scid  }
0x8b: {  	s0 =	sand.u32 $0x1, s1  }
0x8c: {  	s17 =	sshll.u32 s0, $0xA;
	s2 =	sadd.s32 s3, s2  }
0x8d: {  	s2 =	sadd.s32 s2, s17  }
0x8e: {  	[smem:$0x3FB8] =	sst s2  }
0x8f: {  	_ = 	snop  }
0x90: {  	s18 =	sld [smem:$0x3FD0];
	(tm) =	ssettm $0x1  }
0x91: {  	s19 =	sld [smem:$0x3FFB];
	_ =	sdelay $0x3  }
0x92: {  	_ =	strace s19  }
0x93: {  	s2 =	sld [smem:$0x3FFC];
	_ =	sdelay $0x3  }
0x94: {  	_ =	strace s2  }
0x95: {  	s2 =	sld [smem:$0x3FFD];
	_ =	sdelay $0x3  }
0x96: {  	_ =	strace s2  }
0x97: {  	_ =	strace $0x8FFFFFFF  }
0x98: {  	s20 =	sld [smem:$0x3FDB];
	_ =	sdelay $0x1  }
0x99: {  	s4 =	simm.s32 $_scs_section_size  }
0x9a: {  	s5 =	simm.s32 $_size__tile_overlayer_lowered;
	s6 =	simm.s32 $_tile_overlayer_lowered  }
0x9b: {  	s7 =	simm.s32 $0x1BFF;
	s21 =	sshll.u32 s6, $0x1;
	s4 =	sadd.s32 s4, s20  }
0x9c: {  	s22 =	simm.s32 $0x0;
	s5 =	sshll.u32 s5, $0x1;
	s6 =	sadd.s32 s21, s4  }
0x9d: {  	[timem:s22], [sflag:s7] =	dma.local [hbm:s6], s5  }
0x9e: {  	_ =	swait.ge [sflag:s7], s5  }
0x9f: {  	s5 =	ssub.s32 $0x0, s5;
	[sflag:s7] =	ssyncset.done $0x0  }
0xa0: {  	[sflag:s7] =	ssyncadd.s32 s5;
	_ =	sdelay $0x1  }
0xa1: {  	s23 =	simm.s32 $0x1B8B  }
0xa2: {  	_ =	swait.ge [sflag:s23], $0x1  }
0xa3: {  	[sflag:s23] =	ssyncset.done $0x0  }
0xa4: {  	[sflag:s23] =	ssyncadd.s32 $0xFFFFFFFF  }
0xa5: {  	s5 =	sld [smem:$0x0]  }
0xa6: {  	s6 =	sand.u32 $0xFFFFFFFE, s1  }
0xa7: {  	p0 =	sne.s32 s1, s6  }
0xa8: {  	s6 =	sshll.u32 @p0 s6, $0xE  }
0xa9: {  	s6 =	sadd.s32 @p0 $0x11B8D, s6;
	s7 =	sshll.u32 @p0 s5, $0x11  }
0xaa: {  	s6 =	sor.u32 @p0 s7, s6  }
0xab: {  	[sflag:s6] =	ssyncadd.remote.s32 @p0 $0x1;
	_ =	sdelay $0x1  }
0xac: {  	s6 =	simm.s32 @p0 $0x1B8D  }
0xad: {  	_ =	swait.eq @p0 [sflag:s6], $0x1  }
0xae: {  	[sflag:s6] =	ssyncadd.s32 @p0 $0xFFFFFFFF  }
0xaf: {  	s7 =	sshll.u32 @!p0 s1, $0xE  }
0xb0: {  	s7 =	sor.u32 @!p0 $0x4000, s7;
	s6 =	simm.s32 @!p0 $0x1B8D  }
0xb1: {  	s5 =	sshll.u32 @!p0 s5, $0x11;
	s7 =	sadd.s32 @!p0 $0x11B8D, s7;
	_ =	swait.eq @!p0 [sflag:s6], $0x1  }
0xb2: {  	s5 =	sor.u32 @!p0 s5, s7;
	[sflag:s6] =	ssyncadd.s32 @!p0 $0xFFFFFFFF  }
0xb3: {  	s25 =	simm.s32 $0x1B8E;
	s24 =	sld [smem:$0x3FFE];
	[sflag:s5] =	ssyncadd.remote.s32 @!p0 $0x1  }
0xb4: {  	s26 =	simm.s32 $execute0_lowered;
	[smem:$0x3FD2] =	sst s25  }
0xb5: {  	s6 =	sshll.u32 s26, $0x1;
	_ =	strace $0x80000052;
	[dreg:$0x1] =	wrdreg $0xFFFFFFFF  }
0xb6: {  	s28 =	simm.s32 $_size_execute0_lowered;
	s4 =	sadd.s32 s4, s6;
	[dreg:$0x0] =	wrdreg $0x0  }
0xb7: {  	s6 =	sshll.u32 s28, $0x1;
	[dreg:$0x2] =	wrdreg s4  }
0xb8: {  	[dreg:$0x3] =	wrdreg s6  }
0xb9: {  	[dreg:$0x4] =	wrdreg $0xC0  }
0xba: {  	_ =	task [dreg:s22], $0x5FFFF  }
0xbb: {  	[dreg:$0x1] =	wrdreg $0xFFFFFFFF  }
0xbc: {  	[dreg:$0x0] =	wrdreg $0x60  }
0xbd: {  	[dreg:$0x2] =	wrdreg s24  }
0xbe: {  	[dreg:$0x3] =	wrdreg s18  }
0xbf: {  	[dreg:$0x4] =	wrdreg $0x116200  }
0xc0: {  	[dreg:$0x5] =	wrdreg $0x76200  }
0xc1: {  	[dreg:$0x6] =	wrdreg $0x9  }
0xc2: {  	_ =	task.clear_ibuf [dreg:s22], $0x7FFFF;
	_ =	strace $0x90000052  }
0xc3: {  	s29 =	simm.s32 $0x9;
	_ =	strace $0x80000054  }
0xc4: {  	_ =	swait.ge [sflag:s29], $0x1  }
0xc5: {  	[sflag:s29] =	ssyncadd.s32 $0xFFFFFFFF  }
0xc6: {  	_ =	strace $0x90000054  }
0xc7: {  	_ =	sfence  }
0xc8: {  	s30 =	sld [smem:$0x0];
	_ =	sdelay $0x2  }
0xc9: {  	s31 =	sshll.u32 s1, $0xD;
	s1 =	sshrl.u32 s1, $0x2  }
0xca: {  	s4 =	sand.u32 $0x4000, s31;
	s1 =	sadd.s32 s1, s30  }
0xcb: {  	s0 =	sor.u32 s4, s0;
	s1 =	sshll.u32 s1, $0x11  }
0xcc: {  	s0 =	sor.u32 s1, s0  }
0xcd: {  	s0 =	sadd.s32 $0x8F2B, s0  }
0xce: {  	[sflag:s0] =	ssyncadd.remote.s32 $0x1  }
0xcf: {  	_ =	sfence.sel $0xFFFF  }
0xd0: {  	[dreg:$0x0] =	wrdreg $0xFFFFFFFF;
	(pc) =	sbr.abs _section_cstart, $3  }
0xd1: {  	[dreg:$0x1] =	wrdreg $0xFFFFFFFF  }
0xd2: {  	_ =	task.clear_ibuf [dreg:s22], $0x2FFFF;
	_ =	strace $0x9FFFFFFF  }
0xd3: {  	(tm) =	ssettm $0x7FFFFFFF  }
tec
execute0_lowered:
.L_overlay_start_1:
0x0: {  	(tag) =	ssettag $0x1  }
0x1: {  	s5 =	rddreg [dreg:$0x0]  }
0x2: {  	s7 =	rddreg [dreg:$0x1]  }
0x3: {  	s1 =	srdreg.scid;
	s2 =	rddreg [dreg:$0x2]  }
0x4: {  	s0 =	stileid.u32;
	s3 =	rddreg [dreg:$0x3]  }
0x5: {  	s4 =	simm.s32 $0x0;
	s16 =	simm.s32 $0x4E20;
	s17 =	simm.s32 $0x50  }
0x6: {  	s18 =	simm.s32 $0x1;
	s19 =	simm.s32 $0x4DD0;
	s20 =	simm.s32 $0x0  }
0x7: {  	s6 =	sand.u32 $0x1, s1;
	s30 =	sshll.u32 s0, $0x1;
	s9 =	smul.u32 $0xA000, s0  }
0x8: {  	[smem:$0x7FF] =	sst s4;
	s1 =	sor.u32 s6, s30;
	s10 =	smul.u32 $0xA0000, s6  }
0x9: {  	s31 =	sshll.u32 s0, $0x6;
	s6 =	ssub.s32 $0x2, s6;
	s8 =	smul.u32 $0x2710, s1  }
0xa: {  	s1 =	rddreg [dreg:$0x4];
	_ =	strace $0x80000053;
	s11 =	sshrl.u32 s9, $0x3  }
0xb: {  	s13 =	sshrl.u32 s6, $0x1;
	s14 =	sadd.s32 s9, s2;
	s15 =	sadd.s32 s9, s3  }
0xc: {  	s10 =	sadd.s32 s9, s10;
	s12 =	sadd.s32 s11, s5;
	s13 =	ssub.s32 s6, s13  }
0xd: {  	s7 =	sadd.s32 s7, s11;
	s8 =	sshrl.u32 s8, $0x3;
	s10 =	sshrl.u32 s10, $0x3  }
0xe: {  	s9 =	sadd.s32 $0x16800, s12;
	s11 =	smax.u32 s13, $0x1;
	s12 =	sshrl.u32 s14, $0x3  }
0xf: {  	s13 =	simm.s32 $0x3;
	s14 =	sshrl.u32 s15, $0x3;
	s8 =	sadd.s32 s8, s5  }
0x10: {  	s15 =	simm.s32 $0x2;
	s10 =	sadd.s32 s10, s5;
	s5 =	sadd.s32 $0x2E00, s8  }
0x11: {  	s6 =	sadd.s32 $0xCA40, s8;
	s8 =	sor.u32 $0x1C03, s31;
	s10 =	sadd.s32 $0x66800, s10  }
.LBB2_1:
0x12: {  	[tilespmem:s4], [sflag:$0x2] =	stream.linear.gather [hbm4b:s5+s4], $0x2710, $0x38;
	[tilespmem:$0x1B620] =	vst v63  }
0x13: {  	s21 =	simm.s32 $0x2710  }
0x14: {  	[tilespmem:s21], [sflag:$0x2] =	stream.linear.gather [hbm4b:s6+s4], $0x2710, $0x38;
	[tilespmem:$0x1B620] =	vst v63  }
0x15: {  	[spmem:s12], [sflag:s8] =	dma.local [hbm:s7], $0x1400  }
0x16: {  	_ =	swait.ge [sflag:s13], $0x1400  }
0x17: {  	[sflag:s13] =	ssyncset.done $0x0  }
0x18: {  	[sflag:s13] =	ssyncadd.s32 $0xFFFFEC00  }
0x19: {  	[spmem:s14], [sflag:s8] =	dma.local [hbm:s9], $0x1400  }
0x1a: {  	_ =	swait.ge [sflag:s13], $0x1400  }
0x1b: {  	[sflag:s13] =	ssyncset.done $0x0  }
0x1c: {  	[sflag:s13] =	ssyncadd.s32 $0xFFFFEC00  }
0x1d: {  	_ =	swait.ge [sflag:s15], $0x2710  }
0x1e: {  	[sflag:s15] =	ssyncset.done $0x0  }
0x1f: {  	s22 =	sand.u32 $0x1, s4;
	[sflag:s15] =	ssyncadd.s32 $0xFFFFD8F0  }
0x20: {  	s23 =	sxor.u32 $0x1, s22;
	_ =	swait.ge [sflag:s15], $0x2710  }
0x21: {  	s23 =	smul.u32 $0x5000, s23;
	[sflag:s15] =	ssyncset.done $0x0  }
0x22: {  	[sflag:s15] =	ssyncadd.s32 $0xFFFFD8F0  }
0x23: {  	s23 =	sshrl.u32 s23, $0x2;
	[bflag:$0x0] =	sbarrier.arrive $0xFFFF  }
0x24: {  	[tilespmem:s16], [sflag:$0x1] =	stream.indirect.gather [spmem:s2], $0x40, s4, s17, $0xb8;
	[tilespmem:$0x1B620] =	vst v63  }
0x25: {  	s30 =	simm.s32 $0x1;
	s22 =	smul.u32 $0x5000, s22;
	s23 =	sadd.s32 $0x4E20, s23  }
0x26: {  	[tilespmem:s23], [sflag:$0x1] =	stream.indirect.gather [spmem:s2], $0x40, s17, s17, $0xb8;
	[tilespmem:$0x1B620] =	vst v63  }
0x27: {  	s22 =	sshrl.u32 s22, $0x2;
	s23 =	sand.u32 $0x1, s30;
	_ =	swait.ge [sflag:s18], $0x1400  }
0x28: {  	s31 =	sxor.u32 $0x1, s23;
	s23 =	smul.u32 $0x5000, s23;
	[sflag:s18] =	ssyncset.done $0x0  }
0x29: {  	s22 =	sadd.s32 $0x4E20, s22;
	s25 =	smul.u32 $0x5000, s31;
	[sflag:s18] =	ssyncadd.s32 $0xFFFFEC00  }
0x2a: {  	[spmem:s3] =	stream.indirect.scatter.add.f32 [tilespmem:s22], [sflag:$0x3], $0x40, s21, s17, $0xb8;
	[tilespmem:$0x1B620] =	vst v63  }
0x2b: {  	s24 =	simm.s32 $0x2;
	s22 =	simm.s32 $0xA0;
	s21 =	simm.s32 $0x2760  }
.LBB2_2:
0x2c: {  	s25 =	sshrl.u32 s25, $0x2;
	s23 =	sshrl.u32 s23, $0x2  }
0x2d: {  	_ =	swait.ge [sflag:s13], $0x1400;
	s26 =	smov.u32 s24;
	s28 =	smov.u32 s21  }
0x2e: {  	s29 =	sadd.s32 $0x1, s24;
	s25 =	sadd.s32 $0x4E20, s25;
	[sflag:s13] =	ssyncset.done $0x0  }
0x2f: {  	p0 =	sne.s32 s24, $0x7B;
	[sflag:s13] =	ssyncadd.s32 $0xFFFFEC00  }
0x30: {  	[tilespmem:s25], [sflag:$0x1] =	stream.indirect.gather [spmem:s2], $0x40, s22, s17, $0xb8;
	[tilespmem:$0x1B620] =	vst v63  }
.Ltmp0:
0x31: {  	s21 =	sadd.s32 $0x50, s21;
	s22 =	sadd.s32 $0x50, s22;
	(pc) =	sbr.rel @p0 .LBB2_2-.Ltmp0, $4  }
0x32: {  	s24 =	sand.u32 $0x1, s26;
	s26 =	sadd.s32 $0x4E20, s23;
	_ =	swait.ge [sflag:s18], $0x1400  }
0x33: {  	s23 =	smul.u32 $0x5000, s24;
	s25 =	sxor.u32 $0x1, s24;
	[sflag:s18] =	ssyncset.done $0x0  }
0x34: {  	s24 =	smov.u32 s29;
	s25 =	smul.u32 $0x5000, s25;
	[sflag:s18] =	ssyncadd.s32 $0xFFFFEC00  }
0x35: {  	[spmem:s3] =	stream.indirect.scatter.add.f32 [tilespmem:s26], [sflag:$0x3], $0x40, s28, s17, $0xb8;
	[tilespmem:$0x1B620] =	vst v63  }
0x36: {  	_ =	swait.ge [sflag:s13], $0x1400  }
0x37: {  	s24 =	sshrl.u32 s25, $0x2;
	[sflag:s13] =	ssyncset.done $0x0  }
0x38: {  	s24 =	sadd.s32 $0x4E20, s24;
	[sflag:s13] =	ssyncadd.s32 $0xFFFFEC00  }
0x39: {  	[tilespmem:s24], [sflag:$0x1] =	stream.indirect.gather [spmem:s2], $0x40, s22, s17, $0xb8;
	[tilespmem:$0x1B620] =	vst v63  }
0x3a: {  	_ =	swait.ge [sflag:s18], $0x1400  }
0x3b: {  	s31 =	sshrl.u32 s23, $0x2;
	[sflag:s18] =	ssyncset.done $0x0  }
0x3c: {  	s22 =	sadd.s32 $0x4E20, s31;
	[sflag:s18] =	ssyncadd.s32 $0xFFFFEC00  }
0x3d: {  	[spmem:s3] =	stream.indirect.scatter.add.f32 [tilespmem:s22], [sflag:$0x3], $0x40, s21, s17, $0xb8;
	[tilespmem:$0x1B620] =	vst v63  }
0x3e: {  	_ =	swait.ge [sflag:s13], $0x1400  }
0x3f: {  	[sflag:s13] =	ssyncset.done $0x0  }
0x40: {  	[sflag:s13] =	ssyncadd.s32 $0xFFFFEC00  }
0x41: {  	_ =	swait.ge [sflag:s18], $0x1400  }
0x42: {  	[sflag:s18] =	ssyncset.done $0x0  }
0x43: {  	[sflag:s18] =	ssyncadd.s32 $0xFFFFEC00  }
0x44: {  	[spmem:s3] =	stream.indirect.scatter.add.f32 [tilespmem:s16], [sflag:$0x3], $0x40, s19, s17, $0xb8;
	[tilespmem:$0x1B620] =	vst v63  }
0x45: {  	_ =	swait.ge [sflag:s13], $0x1400  }
0x46: {  	s20 =	sadd.s32 $0x1, s20;
	[sflag:s13] =	ssyncset.done $0x0  }
0x47: {  	p0 =	sne.s32 s20, s11;
	[sflag:s13] =	ssyncadd.s32 $0xFFFFEC00  }
.Ltmp1:
0x48: {  	[bflag:$0x0] =	sbarrier.arrive $0xFFFF;
	(pc) =	sbr.rel @p0 .LBB2_1-.Ltmp1, $4  }
0x49: {  	[hbm:s10], [sflag:s8] =	dma.local [spmem:s14], $0x1400  }
0x4a: {  	_ =	swait.ge [sflag:s13], $0x1400  }
0x4b: {  	[sflag:s13] =	ssyncset.done $0x0  }
0x4c: {  	[sflag:s13] =	ssyncadd.s32 $0xFFFFEC00  }
0x4d: {  	_ =	sfence.sel $0x180000  }
0x4e: {  	[bflag:$0x0] =	sbarrier.arrive $0xFFFF  }
0x4f: {  	p0 =	sne.s32 s0, $0x0;
	_ =	strace $0x90000053  }
0x50: {  	s0 =	sadd.s32 @!p0 $0x100000, s1;
	[bflag:$0x2] =	sbarrier.arrive $0xFFFF  }
0x51: {  	[sflag:s0] =	ssyncadd.tile.s32 @!p0 $0x1;
	_ =	shalt  }
.Lfunc_end2:
_tile_overlayer_lowered:
.L_overlay_start_2:
0x52: {  	(tag) =	ssettag $0x2  }
0x53: {  	s0 =	rddreg [dreg:$0x0];
	s2 =	stileid.u32  }
0x54: {  	s1 =	rddreg [dreg:$0x1];
	p0 =	sne.s32 s2, $0x0  }
0x55: {  	s3 =	rddreg [dreg:$0x2];
	[bflag:$0x3] =	sbarrier.arrive $0xFFFF;
	s2 =	simm.s32 @!p0 $0x1C03  }
0x56: {  	[timem:s3], [sflag:s2] =	dma.local @!p0 [hbm:s0], s1  }
0x57: {  	s0 =	simm.s32 @!p0 $0x3  }
0x58: {  	_ =	swait.ge @!p0 [sflag:s0], s1  }
0x59: {  	s1 =	ssub.s32 @!p0 $0x0, s1;
	[sflag:s0] =	ssyncset.done @!p0 $0x0  }
0x5a: {  	[sflag:s0] =	ssyncadd.s32 @!p0 s1  }
0x5b: {  	[bflag:$0x3] =	sbarrier.arrive $0xFFFF  }
0x5c: {  	_ =	shalt  }

// kernel: kernel.24.cloned.1.call-start
scs
__scs_entry_jumppad:
0x0: {  	(pc) =	sbr.rel $0x88, $3  }
0x1: {  	(tag) =	ssettag $0x0;
	lr =	simm.s32 $0x1  }
0x2: {  	[smem:$0x3F91] =	sst lr;
	_ =	strace $0xD0000000  }
0x3: {  	_ = 	snop  }
0x4: {  	_ = 	snop  }
0x5: {  	_ = 	snop  }
0x6: {  	_ = 	snop  }
0x7: {  	_ = 	snop  }
__scs_overlays_trampoline_lowered:
0x8: {  	[smem:$0x3FA0] =	sst s0  }
0x9: {  	[smem:$0x3FA1] =	sst s1  }
0xa: {  	[smem:$0x3FA2] =	sst s2  }
0xb: {  	[smem:$0x3FA3] =	sst s3  }
0xc: {  	[smem:$0x3FA4] =	sst s4  }
0xd: {  	[smem:$0x3FA5] =	sst s5  }
0xe: {  	[smem:$0x3FA6] =	sst s6  }
0xf: {  	[smem:$0x3FA7] =	sst s7  }
0x10: {  	[smem:$0x3FA8] =	sst s8  }
0x11: {  	[smem:$0x3FA9] =	sst s9;
	s0 =	simm.s32 @!p0 $0x0  }
0x12: {  	s1 =	sld [smem:$0x3F8F];
	s0 =	simm.s32 @p0 $0x1  }
0x13: {  	[smem:$0x3FAA] =	sst s0;
	s0 =	simm.s32 @!p1 $0x0  }
0x14: {  	s2 =	sld [smem:$0x3F8E];
	s0 =	simm.s32 @p1 $0x1  }
0x15: {  	[smem:$0x3FAB] =	sst s0;
	s0 =	simm.s32 @!p2 $0x0  }
0x16: {  	s3 =	sld [smem:$0x3FDB];
	s0 =	simm.s32 @p2 $0x1  }
0x17: {  	s4 =	simm.s32 $0x1BF5;
	[smem:$0x3FAD] =	sst s0  }
0x18: {  	s0 =	sld [smem:$0x3F90];
	_ =	swait.ge [sflag:s4], $0x0  }
0x19: {  	s7 =	sld [smem:$0x3F91]  }
0x1a: {  	s8 =	sadd.s32 $0xFFFFE003, lr  }
0x1b: {  	s9 =	sadd.s32 $0xFFFFFEF7, lr;
	s5 =	simm.s32 $0xFFFFFFFF;
	p2 =	slt.u32 s8, $0xFFFFF086  }
0x1c: {  	p1 =	slt.u32 s9, $0xF7A;
	s5 =	simm.s32 @!p2 $0x0  }
0x1d: {  	s5 =	simm.s32 @p1 $0x1;
	p0 =	seq.s32 s7, s2  }
0x1e: {  	s7 =	smul.u32 @!p0 $0xF7A, s2;
	p2 =	seq.s32 @!p0 s5, $0x0  }
0x1f: {  	s9 =	smul.u32 $0xF7A, s1;
	s8 =	simm.s32 @!p0 $0x1BF5;
	p2 =	por !p2, p0  }
0x20: {  	[sflag:s8] =	ssyncset.s32 @!p0 $0xFFFFF086;
	s6 =	sadd.s32 @!p0 s3, s7;
	s7 =	simm.s32 @!p0 $0x108  }
0x21: {  	s3 =	sadd.s32 s3, s9;
	s6 =	sadd.s32 @!p0 $0x88, s6;
	s7 =	simm.s32 @p2 $0x1082  }
0x22: {  	[simem:s7], [sflag:s8] =	dma.local @!p0 [hbm:s6], $0xF7A  }
0x23: {  	s9 =	sor.u32 $0xD0000000, s2;
	s6 =	simm.s32 $0x108;
	_ =	swait.ge @!p0 [sflag:s8], $0x0  }
0x24: {  	s3 =	sadd.s32 $0x88, s3;
	s6 =	simm.s32 @!p1 $0x1082;
	[sflag:s4] =	ssyncset.s32 $0xFFFFF086  }
0x25: {  	[simem:s6], [sflag:s4] =	dma.local [hbm:s3], $0xF7A  }
0x26: {  	[smem:$0x3F91] =	sst s1;
	(tag) =	ssettag s2;
	_ =	strace s9  }
0x27: {  	s1 =	sld [smem:$0x3FA1]  }
0x28: {  	s2 =	sld [smem:$0x3FA2]  }
0x29: {  	s4 =	sld [smem:$0x3FA4]  }
0x2a: {  	p0 =	seq.s32 s5, $0x0;
	s5 =	sld [smem:$0x3FA5]  }
0x2b: {  	s6 =	sld [smem:$0x3FA6]  }
0x2c: {  	s7 =	sld [smem:$0x3FA7]  }
0x2d: {  	s3 =	simm.s32 $0x108;
	s8 =	sld [smem:$0x3FA8]  }
0x2e: {  	s3 =	simm.s32 @!p0 $0x1082;
	s9 =	sld [smem:$0x3FA9]  }
0x2f: {  	lr =	sadd.s32 s0, s3;
	s0 =	sld [smem:$0x3FA0]  }
0x30: {  	s3 =	sld [smem:$0x3FA3]  }
0x31: {  	[smem:$0x3FAC] =	sst s10  }
0x32: {  	s10 =	sld [smem:$0x3FAA];
	_ =	sdelay $0x3  }
0x33: {  	p0 =	seq.s32 s10, $0x1;
	s10 =	sld [smem:$0x3FAC];
	_ =	sdelay $0x3  }
0x34: {  	[smem:$0x3FAC] =	sst s10  }
0x35: {  	s10 =	sld [smem:$0x3FAB];
	_ =	sdelay $0x3  }
0x36: {  	p1 =	seq.s32 s10, $0x1;
	s10 =	sld [smem:$0x3FAC];
	_ =	sdelay $0x3  }
0x37: {  	[smem:$0x3FAC] =	sst s10  }
0x38: {  	s10 =	sld [smem:$0x3FAD]  }
0x39: {  	_ = 	snop;
	(pc) =	sbr.ind lr, $3  }
0x3a: {  	_ = 	snop  }
0x3b: {  	_ = 	snop  }
0x3c: {  	p2 =	seq.s32 s10, $0x1;
	s10 =	sld [smem:$0x3FAC]  }
0x3d: {  	_ =	shalt  }
0x3e: {  	_ =	shalt  }
0x3f: {  	_ =	shalt  }
0x40: {  	_ =	shalt  }
0x41: {  	_ =	shalt  }
0x42: {  	_ =	shalt  }
0x43: {  	_ =	shalt  }
0x44: {  	_ =	shalt  }
0x45: {  	_ =	shalt  }
0x46: {  	_ =	shalt  }
0x47: {  	_ =	shalt  }
0x48: {  	_ =	shalt  }
0x49: {  	_ =	shalt  }
0x4a: {  	_ =	shalt  }
0x4b: {  	_ =	shalt  }
0x4c: {  	_ =	shalt  }
0x4d: {  	_ =	shalt  }
0x4e: {  	_ =	shalt  }
0x4f: {  	_ =	shalt  }
0x50: {  	_ =	shalt  }
0x51: {  	_ =	shalt  }
0x52: {  	_ =	shalt  }
0x53: {  	_ =	shalt  }
0x54: {  	_ =	shalt  }
0x55: {  	_ =	shalt  }
0x56: {  	_ =	shalt  }
0x57: {  	_ =	shalt  }
0x58: {  	_ =	shalt  }
0x59: {  	_ =	shalt  }
0x5a: {  	_ =	shalt  }
0x5b: {  	_ =	shalt  }
0x5c: {  	_ =	shalt  }
0x5d: {  	_ =	shalt  }
0x5e: {  	_ =	shalt  }
0x5f: {  	_ =	shalt  }
0x60: {  	_ =	shalt  }
0x61: {  	_ =	shalt  }
0x62: {  	_ =	shalt  }
0x63: {  	_ =	shalt  }
0x64: {  	_ =	shalt  }
0x65: {  	_ =	shalt  }
0x66: {  	_ =	shalt  }
0x67: {  	_ =	shalt  }
0x68: {  	_ =	shalt  }
0x69: {  	_ =	shalt  }
0x6a: {  	_ =	shalt  }
0x6b: {  	_ =	shalt  }
0x6c: {  	_ =	shalt  }
0x6d: {  	_ =	shalt  }
0x6e: {  	_ =	shalt  }
0x6f: {  	_ =	shalt  }
0x70: {  	_ =	shalt  }
0x71: {  	_ =	shalt  }
0x72: {  	_ =	shalt  }
0x73: {  	_ =	shalt  }
0x74: {  	_ =	shalt  }
0x75: {  	_ =	shalt  }
0x76: {  	_ =	shalt  }
0x77: {  	_ =	shalt  }
0x78: {  	_ =	shalt  }
0x79: {  	_ =	shalt  }
0x7a: {  	_ =	shalt  }
0x7b: {  	_ =	shalt  }
0x7c: {  	_ =	shalt  }
0x7d: {  	_ =	shalt  }
0x7e: {  	_ =	shalt  }
0x7f: {  	_ =	shalt  }
0x80: {  	_ =	shalt  }
0x81: {  	_ =	shalt  }
0x82: {  	_ =	shalt  }
0x83: {  	_ =	shalt  }
0x84: {  	_ =	shalt  }
0x85: {  	_ =	shalt  }
0x86: {  	_ =	shalt  }
0x87: {  	_ =	shalt  }
.Lfunc_end0:
.L_simem_size_0:
called_computation.4_lowered:
.L_overlay_start_0:
0x88: {  	s2 =	sld [smem:$0x3FD9]  }
0x89: {  	s3 =	sld [smem:$0x3FFE];
	_ =	sdelay $0x1  }
0x8a: {  	s1 =	srdreg.scid  }
0x8b: {  	s0 =	sand.u32 $0x1, s1  }
0x8c: {  	s16 =	sshll.u32 s0, $0xA;
	s2 =	sadd.s32 s3, s2  }
0x8d: {  	s2 =	sadd.s32 s2, s16  }
0x8e: {  	[smem:$0x3FB8] =	sst s2  }
0x8f: {  	_ = 	snop  }
0x90: {  	(tm) =	ssettm $0x1  }
0x91: {  	s17 =	sld [smem:$0x3FFB];
	_ =	sdelay $0x3  }
0x92: {  	_ =	strace s17  }
0x93: {  	s2 =	sld [smem:$0x3FFC];
	_ =	sdelay $0x3  }
0x94: {  	_ =	strace s2  }
0x95: {  	s2 =	sld [smem:$0x3FFD];
	_ =	sdelay $0x3  }
0x96: {  	_ =	strace s2  }
0x97: {  	_ =	strace $0x8FFFFFFF  }
0x98: {  	s18 =	sld [smem:$0x3FDB];
	_ =	sdelay $0x1  }
0x99: {  	s19 =	simm.s32 $_scs_section_size  }
0x9a: {  	s4 =	simm.s32 $_size__tile_overlayer_lowered;
	s5 =	simm.s32 $_tile_overlayer_lowered  }
0x9b: {  	s22 =	simm.s32 $0x1BFF;
	s21 =	sshll.u32 s5, $0x1;
	s2 =	sadd.s32 s19, s18  }
0x9c: {  	s6 =	simm.s32 $0x0;
	s20 =	sshll.u32 s4, $0x1;
	s4 =	sadd.s32 s21, s2  }
0x9d: {  	[timem:s6], [sflag:s22] =	dma.local [hbm:s4], s20  }
0x9e: {  	_ =	swait.ge [sflag:s22], s20  }
0x9f: {  	s3 =	ssub.s32 $0x0, s20;
	[sflag:s22] =	ssyncset.done $0x0  }
0xa0: {  	[sflag:s22] =	ssyncadd.s32 s3;
	_ =	sdelay $0x1  }
0xa1: {  	s23 =	simm.s32 $0x1B8B  }
0xa2: {  	_ =	swait.ge [sflag:s23], $0x1  }
0xa3: {  	[sflag:s23] =	ssyncset.done $0x0  }
0xa4: {  	s25 =	simm.s32 $0x1B8E;
	s24 =	sld [smem:$0x3FFE];
	[sflag:s23] =	ssyncadd.s32 $0xFFFFFFFF  }
0xa5: {  	s26 =	simm.s32 $execute0_lowered;
	[smem:$0x3FD2] =	sst s25  }
0xa6: {  	s4 =	sshll.u32 s26, $0x1;
	_ =	strace $0x8000004F;
	[dreg:$0x1] =	wrdreg $0xFFFFFFFF  }
0xa7: {  	s28 =	simm.s32 $_size_execute0_lowered;
	s2 =	sadd.s32 s2, s4;
	[dreg:$0x0] =	wrdreg $0x0  }
0xa8: {  	s4 =	sshll.u32 s28, $0x1;
	[dreg:$0x2] =	wrdreg s2  }
0xa9: {  	[dreg:$0x3] =	wrdreg s4  }
0xaa: {  	[dreg:$0x4] =	wrdreg $0xC0  }
0xab: {  	_ =	task [dreg:s6], $0x5FFFF  }
0xac: {  	[dreg:$0x1] =	wrdreg $0xFFFFFFFF  }
0xad: {  	[dreg:$0x0] =	wrdreg $0x60  }
0xae: {  	[dreg:$0x2] =	wrdreg s24  }
0xaf: {  	[dreg:$0x3] =	wrdreg $0x116200  }
0xb0: {  	[dreg:$0x4] =	wrdreg $0x76200  }
0xb1: {  	[dreg:$0x5] =	wrdreg $0xA  }
0xb2: {  	_ =	task.clear_ibuf [dreg:s6], $0x6FFFF;
	_ =	strace $0x9000004F  }
0xb3: {  	s29 =	simm.s32 $0xA;
	_ =	strace $0x80000051  }
0xb4: {  	_ =	swait.ge [sflag:s29], $0x1  }
0xb5: {  	[sflag:s29] =	ssyncadd.s32 $0xFFFFFFFF  }
0xb6: {  	_ =	strace $0x90000051  }
0xb7: {  	_ =	sfence  }
0xb8: {  	s30 =	sld [smem:$0x0];
	_ =	sdelay $0x2  }
0xb9: {  	s31 =	sshll.u32 s1, $0xD;
	s1 =	sshrl.u32 s1, $0x2  }
0xba: {  	s3 =	sand.u32 $0x4000, s31;
	s1 =	sadd.s32 s1, s30  }
0xbb: {  	s0 =	sor.u32 s3, s0;
	s1 =	sshll.u32 s1, $0x11  }
0xbc: {  	s0 =	sor.u32 s1, s0  }
0xbd: {  	s0 =	sadd.s32 $0x8F2B, s0  }
0xbe: {  	[sflag:s0] =	ssyncadd.remote.s32 $0x1  }
0xbf: {  	_ =	sfence.sel $0xFFFF  }
0xc0: {  	[dreg:$0x0] =	wrdreg $0xFFFFFFFF;
	(pc) =	sbr.abs _section_cstart, $3  }
0xc1: {  	[dreg:$0x1] =	wrdreg $0xFFFFFFFF  }
0xc2: {  	_ =	task.clear_ibuf [dreg:s6], $0x2FFFF;
	_ =	strace $0x9FFFFFFF  }
0xc3: {  	(tm) =	ssettm $0x7FFFFFFF  }
tec
execute0_lowered:
.L_overlay_start_1:
0x0: {  	(tag) =	ssettag $0x1  }
0x1: {  	s5 =	rddreg [dreg:$0x0]  }
0x2: {  	s1 =	srdreg.scid;
	s2 =	rddreg [dreg:$0x1]  }
0x3: {  	s0 =	stileid.u32;
	s3 =	rddreg [dreg:$0x2]  }
0x4: {  	s4 =	simm.s32 $0x0;
	s15 =	simm.s32 $0x2;
	s16 =	simm.s32 $0x4E20  }
0x5: {  	s17 =	simm.s32 $0x50;
	s18 =	simm.s32 $0x1;
	s19 =	simm.s32 $0x4DD0  }
0x6: {  	s20 =	simm.s32 $0x0;
	s6 =	sand.u32 $0x1, s1;
	s30 =	sshll.u32 s0, $0x1  }
0x7: {  	s9 =	smul.u32 $0xA000, s0;
	[smem:$0x7FF] =	sst s4;
	s31 =	sshll.u32 s0, $0x6  }
0x8: {  	s1 =	sor.u32 s6, s30;
	s8 =	smul.u32 $0xA0000, s6;
	s6 =	ssub.s32 $0x2, s6  }
0x9: {  	s7 =	smul.u32 $0x2710, s1;
	s1 =	rddreg [dreg:$0x3];
	_ =	strace $0x80000050  }
0xa: {  	s10 =	sshrl.u32 s9, $0x3;
	s11 =	sshrl.u32 s6, $0x1;
	s13 =	sadd.s32 s9, s2  }
0xb: {  	s14 =	sadd.s32 s9, s3;
	s8 =	sadd.s32 s9, s8;
	s10 =	sadd.s32 s10, s5  }
0xc: {  	s11 =	ssub.s32 s6, s11;
	s14 =	sshrl.u32 s14, $0x3;
	s7 =	sshrl.u32 s7, $0x3  }
0xd: {  	s8 =	sshrl.u32 s8, $0x3;
	s9 =	sadd.s32 $0x16800, s10;
	s11 =	smax.u32 s11, $0x1  }
0xe: {  	s7 =	sadd.s32 s7, s5;
	s12 =	sadd.s32 s8, s5;
	s8 =	sor.u32 $0x1C03, s31  }
0xf: {  	s5 =	sadd.s32 $0x2E00, s7;
	s6 =	sadd.s32 $0xCA40, s7;
	s7 =	sadd.s32 $0x2A800, s10  }
0x10: {  	s10 =	sadd.s32 $0x3E800, s12;
	s12 =	sshrl.u32 s13, $0x3;
	s13 =	simm.s32 $0x3  }
.LBB2_1:
0x11: {  	[tilespmem:s4], [sflag:$0x2] =	stream.linear.gather [hbm4b:s5+s4], $0x2710, $0x38;
	[tilespmem:$0x1B620] =	vst v63  }
0x12: {  	s21 =	simm.s32 $0x2710  }
0x13: {  	[tilespmem:s21], [sflag:$0x2] =	stream.linear.gather [hbm4b:s6+s4], $0x2710, $0x38;
	[tilespmem:$0x1B620] =	vst v63  }
0x14: {  	[spmem:s12], [sflag:s8] =	dma.local [hbm:s7], $0x1400  }
0x15: {  	_ =	swait.ge [sflag:s13], $0x1400  }
0x16: {  	[sflag:s13] =	ssyncset.done $0x0  }
0x17: {  	[sflag:s13] =	ssyncadd.s32 $0xFFFFEC00  }
0x18: {  	[spmem:s14], [sflag:s8] =	dma.local [hbm:s9], $0x1400  }
0x19: {  	_ =	swait.ge [sflag:s13], $0x1400  }
0x1a: {  	[sflag:s13] =	ssyncset.done $0x0  }
0x1b: {  	[sflag:s13] =	ssyncadd.s32 $0xFFFFEC00  }
0x1c: {  	_ =	swait.ge [sflag:s15], $0x2710  }
0x1d: {  	[sflag:s15] =	ssyncset.done $0x0  }
0x1e: {  	s22 =	sand.u32 $0x1, s4;
	[sflag:s15] =	ssyncadd.s32 $0xFFFFD8F0  }
0x1f: {  	s23 =	sxor.u32 $0x1, s22;
	_ =	swait.ge [sflag:s15], $0x2710  }
0x20: {  	s23 =	smul.u32 $0x5000, s23;
	[sflag:s15] =	ssyncset.done $0x0  }
0x21: {  	[sflag:s15] =	ssyncadd.s32 $0xFFFFD8F0  }
0x22: {  	s23 =	sshrl.u32 s23, $0x2;
	[bflag:$0x0] =	sbarrier.arrive $0xFFFF  }
0x23: {  	[tilespmem:s16], [sflag:$0x1] =	stream.indirect.gather [spmem:s2], $0x40, s4, s17, $0xb8;
	[tilespmem:$0x1B620] =	vst v63  }
0x24: {  	s30 =	simm.s32 $0x1;
	s22 =	smul.u32 $0x5000, s22;
	s23 =	sadd.s32 $0x4E20, s23  }
0x25: {  	[tilespmem:s23], [sflag:$0x1] =	stream.indirect.gather [spmem:s2], $0x40, s17, s17, $0xb8;
	[tilespmem:$0x1B620] =	vst v63  }
0x26: {  	s22 =	sshrl.u32 s22, $0x2;
	s23 =	sand.u32 $0x1, s30;
	_ =	swait.ge [sflag:s18], $0x1400  }
0x27: {  	s31 =	sxor.u32 $0x1, s23;
	s23 =	smul.u32 $0x5000, s23;
	[sflag:s18] =	ssyncset.done $0x0  }
0x28: {  	s22 =	sadd.s32 $0x4E20, s22;
	s25 =	smul.u32 $0x5000, s31;
	[sflag:s18] =	ssyncadd.s32 $0xFFFFEC00  }
0x29: {  	[spmem:s3] =	stream.indirect.scatter.add.f32 [tilespmem:s22], [sflag:$0x3], $0x40, s21, s17, $0xb8;
	[tilespmem:$0x1B620] =	vst v63  }
0x2a: {  	s24 =	simm.s32 $0x2;
	s22 =	simm.s32 $0xA0;
	s21 =	simm.s32 $0x2760  }
.LBB2_2:
0x2b: {  	s25 =	sshrl.u32 s25, $0x2;
	s23 =	sshrl.u32 s23, $0x2  }
0x2c: {  	_ =	swait.ge [sflag:s13], $0x1400;
	s26 =	smov.u32 s24;
	s28 =	smov.u32 s21  }
0x2d: {  	s29 =	sadd.s32 $0x1, s24;
	s25 =	sadd.s32 $0x4E20, s25;
	[sflag:s13] =	ssyncset.done $0x0  }
0x2e: {  	p0 =	sne.s32 s24, $0x7B;
	[sflag:s13] =	ssyncadd.s32 $0xFFFFEC00  }
0x2f: {  	[tilespmem:s25], [sflag:$0x1] =	stream.indirect.gather [spmem:s2], $0x40, s22, s17, $0xb8;
	[tilespmem:$0x1B620] =	vst v63  }
.Ltmp0:
0x30: {  	s21 =	sadd.s32 $0x50, s21;
	s22 =	sadd.s32 $0x50, s22;
	(pc) =	sbr.rel @p0 .LBB2_2-.Ltmp0, $4  }
0x31: {  	s24 =	sand.u32 $0x1, s26;
	s26 =	sadd.s32 $0x4E20, s23;
	_ =	swait.ge [sflag:s18], $0x1400  }
0x32: {  	s23 =	smul.u32 $0x5000, s24;
	s25 =	sxor.u32 $0x1, s24;
	[sflag:s18] =	ssyncset.done $0x0  }
0x33: {  	s24 =	smov.u32 s29;
	s25 =	smul.u32 $0x5000, s25;
	[sflag:s18] =	ssyncadd.s32 $0xFFFFEC00  }
0x34: {  	[spmem:s3] =	stream.indirect.scatter.add.f32 [tilespmem:s26], [sflag:$0x3], $0x40, s28, s17, $0xb8;
	[tilespmem:$0x1B620] =	vst v63  }
0x35: {  	_ =	swait.ge [sflag:s13], $0x1400  }
0x36: {  	s24 =	sshrl.u32 s25, $0x2;
	[sflag:s13] =	ssyncset.done $0x0  }
0x37: {  	s24 =	sadd.s32 $0x4E20, s24;
	[sflag:s13] =	ssyncadd.s32 $0xFFFFEC00  }
0x38: {  	[tilespmem:s24], [sflag:$0x1] =	stream.indirect.gather [spmem:s2], $0x40, s22, s17, $0xb8;
	[tilespmem:$0x1B620] =	vst v63  }
0x39: {  	_ =	swait.ge [sflag:s18], $0x1400  }
0x3a: {  	s31 =	sshrl.u32 s23, $0x2;
	[sflag:s18] =	ssyncset.done $0x0  }
0x3b: {  	s22 =	sadd.s32 $0x4E20, s31;
	[sflag:s18] =	ssyncadd.s32 $0xFFFFEC00  }
0x3c: {  	[spmem:s3] =	stream.indirect.scatter.add.f32 [tilespmem:s22], [sflag:$0x3], $0x40, s21, s17, $0xb8;
	[tilespmem:$0x1B620] =	vst v63  }
0x3d: {  	_ =	swait.ge [sflag:s13], $0x1400  }
0x3e: {  	[sflag:s13] =	ssyncset.done $0x0  }
0x3f: {  	[sflag:s13] =	ssyncadd.s32 $0xFFFFEC00  }
0x40: {  	_ =	swait.ge [sflag:s18], $0x1400  }
0x41: {  	[sflag:s18] =	ssyncset.done $0x0  }
0x42: {  	[sflag:s18] =	ssyncadd.s32 $0xFFFFEC00  }
0x43: {  	[spmem:s3] =	stream.indirect.scatter.add.f32 [tilespmem:s16], [sflag:$0x3], $0x40, s19, s17, $0xb8;
	[tilespmem:$0x1B620] =	vst v63  }
0x44: {  	_ =	swait.ge [sflag:s13], $0x1400  }
0x45: {  	s20 =	sadd.s32 $0x1, s20;
	[sflag:s13] =	ssyncset.done $0x0  }
0x46: {  	p0 =	sne.s32 s20, s11;
	[sflag:s13] =	ssyncadd.s32 $0xFFFFEC00  }
.Ltmp1:
0x47: {  	[bflag:$0x0] =	sbarrier.arrive $0xFFFF;
	(pc) =	sbr.rel @p0 .LBB2_1-.Ltmp1, $4  }
0x48: {  	[hbm:s10], [sflag:s8] =	dma.local [spmem:s14], $0x1400  }
0x49: {  	_ =	swait.ge [sflag:s13], $0x1400  }
0x4a: {  	[sflag:s13] =	ssyncset.done $0x0  }
0x4b: {  	[sflag:s13] =	ssyncadd.s32 $0xFFFFEC00  }
0x4c: {  	_ =	sfence.sel $0x180000  }
0x4d: {  	[bflag:$0x0] =	sbarrier.arrive $0xFFFF  }
0x4e: {  	p0 =	sne.s32 s0, $0x0;
	_ =	strace $0x90000050  }
0x4f: {  	s0 =	sadd.s32 @!p0 $0x100000, s1;
	[bflag:$0x2] =	sbarrier.arrive $0xFFFF  }
0x50: {  	[sflag:s0] =	ssyncadd.tile.s32 @!p0 $0x1;
	_ =	shalt  }
.Lfunc_end2:
_tile_overlayer_lowered:
.L_overlay_start_2:
0x51: {  	(tag) =	ssettag $0x2  }
0x52: {  	s0 =	rddreg [dreg:$0x0];
	s2 =	stileid.u32  }
0x53: {  	s1 =	rddreg [dreg:$0x1];
	p0 =	sne.s32 s2, $0x0  }
0x54: {  	s3 =	rddreg [dreg:$0x2];
	[bflag:$0x3] =	sbarrier.arrive $0xFFFF;
	s2 =	simm.s32 @!p0 $0x1C03  }
0x55: {  	[timem:s3], [sflag:s2] =	dma.local @!p0 [hbm:s0], s1  }
0x56: {  	s0 =	simm.s32 @!p0 $0x3  }
0x57: {  	_ =	swait.ge @!p0 [sflag:s0], s1  }
0x58: {  	s1 =	ssub.s32 @!p0 $0x0, s1;
	[sflag:s0] =	ssyncset.done @!p0 $0x0  }
0x59: {  	[sflag:s0] =	ssyncadd.s32 @!p0 s1  }
0x5a: {  	[bflag:$0x3] =	sbarrier.arrive $0xFFFF  }
0x5b: {  	_ =	shalt  }

</sc_bundles>
